<compile_context>
chip_gen: v7x
topology: tpu7x:2x2x1
jax: 0.10.2.dev20260603
libtpu: 0.0.44.dev20260713+nightly
codegen_flags: <defaults>
</compile_context>

<pallas_src>
import functools

import jax
import jax.numpy as jnp
from jax import lax
from jax.experimental import pallas as pl
from jax.experimental.pallas import tpu as pltpu
from jax.experimental.pallas import tpu_sc as plsc

_N = 10000
_NP = 10240
_E = 320000
_EROWS_P = 2560
_RPT = 80
_R64 = 5120
_C0_ROWS = 3840
_B = 64
_R = 512
_G = _NP // _R
_MESH = dict(core_axis_name="c", subcore_axis_name="s")


def _sc_aggregate(feat, srcp, dstp, z128):
  ph = 40
  nbuf = 4
  ck = 64
  scratch = [
      pltpu.VMEM((ph, ck), jnp.int32),
      pltpu.VMEM((ph, ck), jnp.int32),
      [pltpu.VMEM((ck, 128), jnp.float32)] * nbuf,
      [pltpu.SemaphoreType.DMA] * nbuf,
      pltpu.VMEM_SHARED((_NP, 128), jnp.float32),
  ]

  @functools.partial(
      pl.kernel,
      out_type=jax.ShapeDtypeStruct((2 * _NP, 128), jnp.float32),
      mesh=plsc.VectorSubcoreMesh(**_MESH),
      scratch_types=scratch)
  def run(feat_hbm, srcp_hbm, dstp_hbm, z128_hbm, agg_hbm,
          src_v, dst_v, rows, sems, agg_sh):
    c = lax.axis_index("c")
    s = lax.axis_index("s")
    nbase = s * (_NP // 16)

    @pl.loop(0, _NP // 16 // 128)
    def _(k):
      pltpu.sync_copy(z128_hbm, agg_sh.at[pl.ds(nbase + k * 128, 128)])

    plsc.subcore_barrier()

    rpt0 = _C0_ROWS // 16
    rpt1 = (_R64 - _C0_ROWS) // 16
    nph = jnp.where(c == 0, rpt0 // ph, rpt1 // ph)
    base0 = jnp.where(c == 0, s * rpt0, _C0_ROWS + s * rpt1)

    @pl.loop(0, nph)
    def _(p):
      base = base0 + p * ph
      pltpu.sync_copy(srcp_hbm.at[pl.ds(base, ph)], src_v)
      pltpu.sync_copy(dstp_hbm.at[pl.ds(base, ph)], dst_v)
      for j in range(nbuf):
        pltpu.async_copy(feat_hbm.at[src_v.at[j]], rows[j], sems[j])

      @pl.loop(0, ph // nbuf)
      def _(g):
        for j in range(nbuf):
          pltpu.make_async_copy(z128_hbm.at[pl.ds(0, ck)], rows[j],
                                sems[j]).wait()
          pltpu.sync_copy(rows[j], agg_sh.at[dst_v.at[nbuf * g + j]],
                          add=True)

          @pl.when(g < ph // nbuf - 1)
          def _():
            pltpu.async_copy(feat_hbm.at[src_v.at[nbuf * (g + 1) + j]],
                             rows[j], sems[j])

    plsc.subcore_barrier()

    @pl.loop(0, _NP // 16 // 128)
    def _(k):
      off = nbase + k * 128
      pltpu.sync_copy(agg_sh.at[pl.ds(off, 128)],
                      agg_hbm.at[pl.ds(c * _NP + off, 128)])

  return run(feat, srcp, dstp, z128)


def _sc_degree(dstp, z128, ones128):
  scratch = [
      pltpu.VMEM((_RPT, 128), jnp.int32),
      pltpu.VMEM((128, 128), jnp.float32),
      pltpu.VMEM_SHARED((_NP, 128), jnp.float32),
  ]

  @functools.partial(
      pl.kernel,
      out_type=jax.ShapeDtypeStruct((2 * _NP, 128), jnp.float32),
      mesh=plsc.VectorSubcoreMesh(**_MESH),
      scratch_types=scratch)
  def run(dstp_hbm, z128_hbm, ones128_hbm, deg_hbm,
          dst_v, ones_v, deg_sh):
    c = lax.axis_index("c")
    s = lax.axis_index("s")
    ebase = c * (_EROWS_P // 2) + s * _RPT
    nbase = s * (_NP // 16)

    pltpu.sync_copy(ones128_hbm, ones_v)

    @pl.loop(0, _NP // 16 // 128)
    def _(k):
      pltpu.sync_copy(z128_hbm, deg_sh.at[pl.ds(nbase + k * 128, 128)])

    pltpu.sync_copy(dstp_hbm.at[pl.ds(ebase, _RPT)], dst_v)
    plsc.subcore_barrier()

    @pl.loop(0, _RPT)
    def _(r):
      pltpu.sync_copy(ones_v, deg_sh.at[dst_v.at[r]], add=True)

    plsc.subcore_barrier()

    @pl.loop(0, _NP // 16 // 128)
    def _(k):
      off = nbase + k * 128
      pltpu.sync_copy(deg_sh.at[pl.ds(off, 128)],
                      deg_hbm.at[pl.ds(c * _NP + off, 128)])

  return run(dstp, z128, ones128)


def _dot_t(a, w):
  return lax.dot_general(a, w, (((1,), (1,)), ((), ())),
                         preferred_element_type=jnp.float32)


def _tc_layer_body(with_h, x_ref, a0_ref, a1_ref, d0_ref, d1_ref, b3_ref,
                   wrel_ref, wroot_ref, b_ref, *out_refs):
  if with_h:
    h_ref, pool_ref, cnt_ref = out_refs
  else:
    (pool_ref,) = out_refs
  agg = a0_ref[...] + a1_ref[...]
  deg = jnp.maximum((d0_ref[...] + d1_ref[...])[:, 0:1], 1.0)
  h = _dot_t(agg / deg, wrel_ref[...])
  h = h + _dot_t(x_ref[...], wroot_ref[...])
  h = jnp.maximum(h + b_ref[...], 0.0)
  if with_h:
    h_ref[...] = h
  brow = b3_ref[0]
  iot = lax.broadcasted_iota(jnp.int32, (_B, 1), 0)
  m = (brow == iot).astype(jnp.float32)
  psum = lax.dot_general(m, h, (((1,), (0,)), ((), ())),
                         preferred_element_type=jnp.float32)

  @pl.when(pl.program_id(0) == 0)
  def _():
    pool_ref[...] = jnp.zeros_like(pool_ref)
    if with_h:
      cnt_ref[...] = jnp.zeros_like(cnt_ref)

  pool_ref[...] += psum
  if with_h:
    ones8 = jnp.ones((_R, 8), jnp.float32)
    cnt_ref[...] += lax.dot_general(m, ones8, (((1,), (0,)), ((), ())),
                                    preferred_element_type=jnp.float32)


def _tc_layer(xp, agg, deg, batch3, w_rel, w_root, b, with_h):
  row = pl.BlockSpec((_R, 128), lambda i: (i, 0))
  in_specs = [
      row,
      pl.BlockSpec((_R, 128), lambda i: (i, 0)),
      pl.BlockSpec((_R, 128), lambda i: (i + _G, 0)),
      pl.BlockSpec((_R, 128), lambda i: (i, 0)),
      pl.BlockSpec((_R, 128), lambda i: (i + _G, 0)),
      pl.BlockSpec((1, 1, _R), lambda i: (i, 0, 0)),
      pl.BlockSpec((128, 128), lambda i: (0, 0)),
      pl.BlockSpec((128, 128), lambda i: (0, 0)),
      pl.BlockSpec((1, 128), lambda i: (0, 0)),
  ]
  out_shape = [jax.ShapeDtypeStruct((_B, 128), jnp.float32)]
  out_specs = [pl.BlockSpec((_B, 128), lambda i: (0, 0))]
  if with_h:
    out_shape = [jax.ShapeDtypeStruct((_NP, 128), jnp.float32)] + out_shape
    out_specs = [row] + out_specs
    out_shape.append(jax.ShapeDtypeStruct((_B, 8), jnp.float32))
    out_specs.append(pl.BlockSpec((_B, 8), lambda i: (0, 0)))
  return pl.pallas_call(
      functools.partial(_tc_layer_body, with_h),
      grid=(_G,),
      in_specs=in_specs,
      out_specs=out_specs,
      out_shape=out_shape,
  )(xp, agg, agg, deg, deg, batch3, w_rel, w_root, b.reshape(1, 128))


def _tc_head_body(p1_ref, p2_ref, cnt_ref, w1a_ref, w1b_ref, b1_ref,
                  w2_ref, b2_ref, out_ref):
  cnt = jnp.maximum(cnt_ref[...][:, 0:1], 1.0)
  a = _dot_t(p1_ref[...] / cnt, w1a_ref[...])
  a = a + _dot_t(p2_ref[...] / cnt, w1b_ref[...])
  a = jnp.maximum(a + b1_ref[...], 0.0)
  out_ref[...] = _dot_t(a, w2_ref[...]) + b2_ref[...]


def _tc_head(pool1, pool2, cnt, lin1_W, lin1_b, lin2_W, lin2_b):
  return pl.pallas_call(
      _tc_head_body,
      out_shape=jax.ShapeDtypeStruct((_B, 10), jnp.float32),
  )(pool1, pool2, cnt, lin1_W[:, :128], lin1_W[:, 128:],
    lin1_b.reshape(1, 128), lin2_W, lin2_b.reshape(1, 10))


def kernel(x, edge_index, batch, W1_rel, W1_root, b1, W2_rel, W2_root, b2,
           lin1_W, lin1_b, lin2_W, lin2_b):
  src = edge_index[0]
  dst = edge_index[1]
  pad = _EROWS_P * 128 - _E
  srcp = jnp.concatenate([src, jnp.zeros((pad,), jnp.int32)]).reshape(-1, 64)
  trash = _N + (jnp.arange(pad, dtype=jnp.int32) % (_NP - _N))
  dstflat = jnp.concatenate([dst, trash])
  dstp = dstflat.reshape(-1, 64)
  dstp128 = dstflat.reshape(-1, 128)
  xp = jnp.zeros((_NP, 128), jnp.float32).at[:_N].set(x)
  batch3 = jnp.concatenate([batch, jnp.full((_NP - _N,), _B, jnp.int32)])
  batch3 = batch3.reshape(_G, 1, _R)
  z128 = jnp.zeros((128, 128), jnp.float32)
  ones128 = jnp.ones((128, 128), jnp.float32)

  deg = _sc_degree(dstp128, z128, ones128)
  agg1 = _sc_aggregate(xp, srcp, dstp, z128)
  h1, pool1, cnt = _tc_layer(xp, agg1, deg, batch3, W1_rel, W1_root, b1, True)
  agg2 = _sc_aggregate(h1, srcp, dstp, z128)
  (pool2,) = _tc_layer(h1, agg2, deg, batch3, W2_rel, W2_root, b2, False)
  return _tc_head(pool1, pool2, cnt, lin1_W, lin1_b, lin2_W, lin2_b)

# --- scband reference (transcript-rebuilt; emitter-appended) ---
"""Pipeline reference for scband-gnn-origin-57509612093942 (READ-ONLY COPY).

The authoritative reference and input builder live on the scoring server;
editing this copy changes nothing except your own understanding.
"""

import jax, jax.numpy as jnp
import numpy as np

N = 10000   # nodes
E = 320000  # edges
D = 128     # num_node_features
H = 128     # hid_size
C = 10      # num_classes
B = 64      # graphs in batch


def setup_inputs(seed: int = 0) -> dict:
    key = jax.random.key(seed)
    ks = jax.random.split(key, 14)
    x = jax.random.normal(ks[0], (N, D), dtype=jnp.float32)
    edge_index = jax.random.randint(ks[1], (2, E), 0, N, dtype=jnp.int32)
    batch = jnp.sort(jax.random.randint(ks[2], (N,), 0, B, dtype=jnp.int32))
    s = 0.05
    W1_rel = jax.random.normal(ks[3], (H, D), dtype=jnp.float32) * s
    W1_root = jax.random.normal(ks[4], (H, D), dtype=jnp.float32) * s
    b1 = jnp.zeros((H,), dtype=jnp.float32)
    W2_rel = jax.random.normal(ks[5], (H, H), dtype=jnp.float32) * s
    W2_root = jax.random.normal(ks[6], (H, H), dtype=jnp.float32) * s
    b2 = jnp.zeros((H,), dtype=jnp.float32)
    lin1_W = jax.random.normal(ks[7], (H, 2 * H), dtype=jnp.float32) * s
    lin1_b = jnp.zeros((H,), dtype=jnp.float32)
    lin2_W = jax.random.normal(ks[8], (C, H), dtype=jnp.float32) * s
    lin2_b = jnp.zeros((C,), dtype=jnp.float32)
    return {
        'x': x, 'edge_index': edge_index, 'batch': batch,
        'W1_rel': W1_rel, 'W1_root': W1_root, 'b1': b1,
        'W2_rel': W2_rel, 'W2_root': W2_root, 'b2': b2,
        'lin1_W': lin1_W, 'lin1_b': lin1_b,
        'lin2_W': lin2_W, 'lin2_b': lin2_b,
    }


def _graph_conv_mean(x, edge_index, W_rel, W_root, b):
    # PyG GraphConv(aggr='mean'): out_i = W_rel @ mean_{j in N(i)} x_j + W_root @ x_i + b
    src = edge_index[0]
    dst = edge_index[1]
    msg = jnp.take(x, src, axis=0)                       # gather [E, d]
    agg = jax.ops.segment_sum(msg, dst, num_segments=N)  # scatter-add [N, d]
    deg = jax.ops.segment_sum(jnp.ones((E,), jnp.float32), dst, num_segments=N)
    mean = agg / jnp.clip(deg, 1.0, None)[:, None]
    return mean @ W_rel.T + x @ W_root.T + b


def _global_mean_pool(h, batch):
    s = jax.ops.segment_sum(h, batch, num_segments=B)
    cnt = jax.ops.segment_sum(jnp.ones((h.shape[0],), jnp.float32), batch, num_segments=B)
    return s / jnp.clip(cnt, 1.0, None)[:, None]


def reference(x, edge_index, batch, W1_rel, W1_root, b1, W2_rel, W2_root, b2,
              lin1_W, lin1_b, lin2_W, lin2_b):
    # gnn_style == 'topkpool' path. Note: with num_layers=2 the pool condition
    # (i % 2 == 0 and i < len(convs) - 1) is never true, so TopKPooling is skipped.
    h1 = jax.nn.relu(_graph_conv_mean(x, edge_index, W1_rel, W1_root, b1))
    xs = [_global_mean_pool(h1, batch)]
    h2 = jax.nn.relu(_graph_conv_mean(h1, edge_index, W2_rel, W2_root, b2))
    xs.append(_global_mean_pool(h2, batch))
    xcat = jnp.concatenate(xs, axis=1)  # JumpingKnowledge('cat') -> [B, 2H]
    out = jax.nn.relu(xcat @ lin1_W.T + lin1_b)
    # F.dropout with training=False -> identity (eval mode)
    out = out @ lin2_W.T + lin2_b
    return out

if __name__ == "__main__":
    import jax
    _d = setup_inputs()
    print(jax.jit(kernel)(*tuple(_d.values())))

</pallas_src>

<mosaic_0001>
#map = affine_map<(d0, d1) -> (0, 0)>
module attributes {stable_mosaic.version = 14 : i64} {
  func.func @run(%arg0: i32, %arg1: i32, %arg2: memref<2560x128xi32, #tpu.memory_space<hbm>>, %arg3: memref<128x128xf32, #tpu.memory_space<hbm>>, %arg4: memref<128x128xf32, #tpu.memory_space<hbm>>, %arg5: memref<20480x128xf32, #tpu.memory_space<hbm>>, %arg6: memref<80x128xi32, #tpu.memory_space<vmem>>, %arg7: memref<128x128xf32, #tpu.memory_space<vmem>>, %arg8: memref<10240x128xf32, #tpu.memory_space<vmem_shared>>) attributes {dimension_semantics = [#tpu.dimension_semantics<core_parallel>, #tpu.dimension_semantics<subcore_parallel>], iteration_bounds = array<i64: 2, 16>, scalar_prefetch = 0 : i64, scratch_operands = 3 : i64, tpu.core_type = #tpu.core_type<sc_vector_subcore>, window_params = [{transform_indices = #map}, {transform_indices = #map}, {transform_indices = #map}, {transform_indices = #map}]} {
    %mul3A = arith.constant 1280 : i32
    %mul3A_0 = arith.muli %arg0, %mul3A : i32
    %mul3A_1 = arith.constant 80 : i32
    %mul3A_2 = arith.muli %arg1, %mul3A_1 : i32
    %add3A = arith.addi %mul3A_0, %mul3A_2 : i32
    %mul3A_3 = arith.constant 640 : i32
    %mul3A_4 = arith.muli %arg1, %mul3A_3 : i32
    "tpu.region"() ({
      %run_scoped3A = tpu.sem_alloc : memref<!tpu.dma_semaphore, #tpu.memory_space<semaphore_mem>>
      tpu.enqueue_dma source(%arg4 : memref<128x128xf32, #tpu.memory_space<hbm>>) target(%arg7 : memref<128x128xf32, #tpu.memory_space<vmem>>) target_semaphore(%run_scoped3A : memref<!tpu.dma_semaphore, #tpu.memory_space<semaphore_mem>>)
      tpu.wait_dma2 semaphore(%run_scoped3A : memref<!tpu.dma_semaphore, #tpu.memory_space<semaphore_mem>>) src(%arg4 : memref<128x128xf32, #tpu.memory_space<hbm>>) dst(%arg7 : memref<128x128xf32, #tpu.memory_space<vmem>>)
      tpu.yield
    }) : () -> ()
    %scan3A = arith.constant 0 : i32
    %scan3A_5 = arith.constant 5 : i32
    %scan3A_6 = arith.addi %scan3A, %scan3A_5 : i32
    %scan3A_7 = arith.constant 1 : i32
    scf.for %scan3A_20 = %scan3A to %scan3A_6 step %scan3A_7  : i32 {
      %mul3A_21 = arith.constant 1 : i32
      %mul3A_22 = arith.muli %scan3A_20, %mul3A_21 : i32
      %add3A_23 = arith.constant 0 : i32
      %add3A_24 = arith.addi %add3A_23, %mul3A_22 : i32
      %mul3A_25 = arith.constant 128 : i32
      %mul3A_26 = arith.muli %add3A_24, %mul3A_25 : i32
      %add3A_27 = arith.addi %mul3A_4, %mul3A_26 : i32
      "tpu.region"() ({
        %run_scoped3A = tpu.sem_alloc : memref<!tpu.dma_semaphore, #tpu.memory_space<semaphore_mem>>
        %dma_start3A = arith.constant 0 : i32
        %dma_start3A_28 = tpu.memref_slice %arg8[%add3A_27, %dma_start3A] : memref<10240x128xf32, #tpu.memory_space<vmem_shared>> -> memref<128x128xf32, #tpu.memory_space<vmem_shared>>
        tpu.enqueue_dma source(%arg3 : memref<128x128xf32, #tpu.memory_space<hbm>>) target(%dma_start3A_28 : memref<128x128xf32, #tpu.memory_space<vmem_shared>>) target_semaphore(%run_scoped3A : memref<!tpu.dma_semaphore, #tpu.memory_space<semaphore_mem>>)
        %dma_wait3A = arith.constant 0 : i32
        %dma_wait3A_29 = tpu.memref_slice %arg8[%add3A_27, %dma_wait3A] : memref<10240x128xf32, #tpu.memory_space<vmem_shared>> -> memref<128x128xf32, #tpu.memory_space<vmem_shared>>
        tpu.wait_dma2 semaphore(%run_scoped3A : memref<!tpu.dma_semaphore, #tpu.memory_space<semaphore_mem>>) src(%arg3 : memref<128x128xf32, #tpu.memory_space<hbm>>) dst(%dma_wait3A_29 : memref<128x128xf32, #tpu.memory_space<vmem_shared>>)
        tpu.yield
      }) : () -> ()
    }
    %scan3A_8 = arith.constant 5 : i32
    "tpu.region"() ({
      %run_scoped3A = tpu.sem_alloc : memref<!tpu.dma_semaphore, #tpu.memory_space<semaphore_mem>>
      %dma_start3A = arith.constant 0 : i32
      %dma_start3A_20 = tpu.memref_slice %arg2[%add3A, %dma_start3A] : memref<2560x128xi32, #tpu.memory_space<hbm>> -> memref<80x128xi32, #tpu.memory_space<hbm>>
      %dma_start3A_21 = arith.constant 0 : i32
      %dma_start3A_22 = tpu.memref_slice %arg2[%add3A, %dma_start3A_21] : memref<2560x128xi32, #tpu.memory_space<hbm>> -> memref<80x128xi32, #tpu.memory_space<hbm>>
      tpu.enqueue_dma source(%dma_start3A_22 : memref<80x128xi32, #tpu.memory_space<hbm>>) target(%arg6 : memref<80x128xi32, #tpu.memory_space<vmem>>) target_semaphore(%run_scoped3A : memref<!tpu.dma_semaphore, #tpu.memory_space<semaphore_mem>>)
      %dma_wait3A = arith.constant 0 : i32
      %dma_wait3A_23 = tpu.memref_slice %arg2[%add3A, %dma_wait3A] : memref<2560x128xi32, #tpu.memory_space<hbm>> -> memref<80x128xi32, #tpu.memory_space<hbm>>
      %dma_wait3A_24 = arith.constant 0 : i32
      %dma_wait3A_25 = tpu.memref_slice %arg2[%add3A, %dma_wait3A_24] : memref<2560x128xi32, #tpu.memory_space<hbm>> -> memref<80x128xi32, #tpu.memory_space<hbm>>
      tpu.wait_dma2 semaphore(%run_scoped3A : memref<!tpu.dma_semaphore, #tpu.memory_space<semaphore_mem>>) src(%dma_wait3A_25 : memref<80x128xi32, #tpu.memory_space<hbm>>) dst(%arg6 : memref<80x128xi32, #tpu.memory_space<vmem>>)
      tpu.yield
    }) : () -> ()
    %barrier3A = arith.constant 0 : index
    tpu.barrier barrier_id(%barrier3A)
    %scan3A_9 = arith.constant 0 : i32
    %scan3A_10 = arith.constant 80 : i32
    %scan3A_11 = arith.addi %scan3A_9, %scan3A_10 : i32
    %scan3A_12 = arith.constant 1 : i32
    scf.for %scan3A_20 = %scan3A_9 to %scan3A_11 step %scan3A_12  : i32 {
      %mul3A_21 = arith.constant 1 : i32
      %mul3A_22 = arith.muli %scan3A_20, %mul3A_21 : i32
      %add3A_23 = arith.constant 0 : i32
      %add3A_24 = arith.addi %add3A_23, %mul3A_22 : i32
      "tpu.region"() ({
        %run_scoped3A = tpu.sem_alloc : memref<!tpu.dma_semaphore, #tpu.memory_space<semaphore_mem>>
        %dma_start3A = arith.constant 0 : i32
        %dma_start3A_25 = tpu.memref_slice %arg6[%add3A_24, %dma_start3A] : memref<80x128xi32, #tpu.memory_space<vmem>> -> memref<1x128xi32, #tpu.memory_space<vmem>>
        %dma_start3A_26 = tpu.memref_squeeze %dma_start3A_25 : memref<1x128xi32, #tpu.memory_space<vmem>> -> memref<128xi32, #tpu.memory_space<vmem>>
        %dma_start3A_27 = arith.constant 0 : i32
        %dma_start3A_28 = arith.constant 0 : i32
        %dma_start3A_29 = tpu.memref_slice %arg8[%dma_start3A_27, %dma_start3A_28] : memref<10240x128xf32, #tpu.memory_space<vmem_shared>> -> memref<10240x128xf32, #tpu.memory_space<vmem_shared>>
        tpu.enqueue_indirect_dma source(%arg7 : memref<128x128xf32, #tpu.memory_space<vmem>>) target(%dma_start3A_29 : memref<10240x128xf32, #tpu.memory_space<vmem_shared>>) offsets(%dma_start3A_26 : memref<128xi32, #tpu.memory_space<vmem>>) semaphore(%run_scoped3A : memref<!tpu.dma_semaphore, #tpu.memory_space<semaphore_mem>>) {add = true}
        %dma_wait3A = arith.constant 0 : i32
        %dma_wait3A_30 = tpu.memref_slice %arg6[%add3A_24, %dma_wait3A] : memref<80x128xi32, #tpu.memory_space<vmem>> -> memref<1x128xi32, #tpu.memory_space<vmem>>
        %dma_wait3A_31 = tpu.memref_squeeze %dma_wait3A_30 : memref<1x128xi32, #tpu.memory_space<vmem>> -> memref<128xi32, #tpu.memory_space<vmem>>
        %dma_wait3A_32 = arith.constant 0 : i32
        %dma_wait3A_33 = arith.constant 0 : i32
        %dma_wait3A_34 = tpu.memref_slice %arg8[%dma_wait3A_32, %dma_wait3A_33] : memref<10240x128xf32, #tpu.memory_space<vmem_shared>> -> memref<10240x128xf32, #tpu.memory_space<vmem_shared>>
        tpu.wait_indirect_dma semaphore(%run_scoped3A : memref<!tpu.dma_semaphore, #tpu.memory_space<semaphore_mem>>) src(%arg7 : memref<128x128xf32, #tpu.memory_space<vmem>>) dst(%dma_wait3A_34 : memref<10240x128xf32, #tpu.memory_space<vmem_shared>>)
        tpu.yield
      }) : () -> ()
    }
    %scan3A_13 = arith.constant 80 : i32
    %barrier3A_14 = arith.constant 0 : index
    tpu.barrier barrier_id(%barrier3A_14)
    %scan3A_15 = arith.constant 0 : i32
    %scan3A_16 = arith.constant 5 : i32
    %scan3A_17 = arith.addi %scan3A_15, %scan3A_16 : i32
    %scan3A_18 = arith.constant 1 : i32
    scf.for %scan3A_20 = %scan3A_15 to %scan3A_17 step %scan3A_18  : i32 {
      %mul3A_21 = arith.constant 1 : i32
      %mul3A_22 = arith.muli %scan3A_20, %mul3A_21 : i32
      %add3A_23 = arith.constant 0 : i32
      %add3A_24 = arith.addi %add3A_23, %mul3A_22 : i32
      %mul3A_25 = arith.constant 128 : i32
      %mul3A_26 = arith.muli %add3A_24, %mul3A_25 : i32
      %add3A_27 = arith.addi %mul3A_4, %mul3A_26 : i32
      %mul3A_28 = arith.constant 10240 : i32
      %mul3A_29 = arith.muli %arg0, %mul3A_28 : i32
      %add3A_30 = arith.addi %mul3A_29, %add3A_27 : i32
      "tpu.region"() ({
        %run_scoped3A = tpu.sem_alloc : memref<!tpu.dma_semaphore, #tpu.memory_space<semaphore_mem>>
        %dma_start3A = arith.constant 0 : i32
        %dma_start3A_31 = tpu.memref_slice %arg5[%add3A_30, %dma_start3A] : memref<20480x128xf32, #tpu.memory_space<hbm>> -> memref<128x128xf32, #tpu.memory_space<hbm>>
        %dma_start3A_32 = arith.constant 0 : i32
        %dma_start3A_33 = tpu.memref_slice %arg8[%add3A_27, %dma_start3A_32] : memref<10240x128xf32, #tpu.memory_space<vmem_shared>> -> memref<128x128xf32, #tpu.memory_space<vmem_shared>>
        tpu.enqueue_dma source(%dma_start3A_33 : memref<128x128xf32, #tpu.memory_space<vmem_shared>>) target(%dma_start3A_31 : memref<128x128xf32, #tpu.memory_space<hbm>>) target_semaphore(%run_scoped3A : memref<!tpu.dma_semaphore, #tpu.memory_space<semaphore_mem>>)
        %dma_wait3A = arith.constant 0 : i32
        %dma_wait3A_34 = tpu.memref_slice %arg5[%add3A_30, %dma_wait3A] : memref<20480x128xf32, #tpu.memory_space<hbm>> -> memref<128x128xf32, #tpu.memory_space<hbm>>
        %dma_wait3A_35 = arith.constant 0 : i32
        %dma_wait3A_36 = tpu.memref_slice %arg8[%add3A_27, %dma_wait3A_35] : memref<10240x128xf32, #tpu.memory_space<vmem_shared>> -> memref<128x128xf32, #tpu.memory_space<vmem_shared>>
        tpu.wait_dma2 semaphore(%run_scoped3A : memref<!tpu.dma_semaphore, #tpu.memory_space<semaphore_mem>>) src(%dma_wait3A_36 : memref<128x128xf32, #tpu.memory_space<vmem_shared>>) dst(%dma_wait3A_34 : memref<128x128xf32, #tpu.memory_space<hbm>>)
        tpu.yield
      }) : () -> ()
    }
    %scan3A_19 = arith.constant 5 : i32
    return
  }
}

#map = affine_map<(d0, d1) -> (0, 0)>
module attributes {stable_mosaic.version = 14 : i64} {
  func.func @run(%arg0: i32, %arg1: i32, %arg2: memref<10240x128xf32, #tpu.memory_space<hbm>>, %arg3: memref<5120x64xi32, #tpu.memory_space<hbm>>, %arg4: memref<5120x64xi32, #tpu.memory_space<hbm>>, %arg5: memref<128x128xf32, #tpu.memory_space<hbm>>, %arg6: memref<20480x128xf32, #tpu.memory_space<hbm>>, %arg7: memref<40x64xi32, #tpu.memory_space<vmem>>, %arg8: memref<40x64xi32, #tpu.memory_space<vmem>>, %arg9: memref<64x128xf32, #tpu.memory_space<vmem>>, %arg10: memref<64x128xf32, #tpu.memory_space<vmem>>, %arg11: memref<64x128xf32, #tpu.memory_space<vmem>>, %arg12: memref<64x128xf32, #tpu.memory_space<vmem>>, %arg13: memref<!tpu.dma_semaphore, #tpu.memory_space<semaphore_mem>>, %arg14: memref<!tpu.dma_semaphore, #tpu.memory_space<semaphore_mem>>, %arg15: memref<!tpu.dma_semaphore, #tpu.memory_space<semaphore_mem>>, %arg16: memref<!tpu.dma_semaphore, #tpu.memory_space<semaphore_mem>>, %arg17: memref<10240x128xf32, #tpu.memory_space<vmem_shared>>) attributes {dimension_semantics = [#tpu.dimension_semantics<core_parallel>, #tpu.dimension_semantics<subcore_parallel>], iteration_bounds = array<i64: 2, 16>, scalar_prefetch = 0 : i64, scratch_operands = 11 : i64, tpu.core_type = #tpu.core_type<sc_vector_subcore>, window_params = [{transform_indices = #map}, {transform_indices = #map}, {transform_indices = #map}, {transform_indices = #map}, {transform_indices = #map}]} {
    %mul3A = arith.constant 640 : i32
    %mul3A_0 = arith.muli %arg1, %mul3A : i32
    %scan3A = arith.constant 0 : i32
    %scan3A_1 = arith.constant 5 : i32
    %scan3A_2 = arith.addi %scan3A, %scan3A_1 : i32
    %scan3A_3 = arith.constant 1 : i32
    scf.for %scan3A_37 = %scan3A to %scan3A_2 step %scan3A_3  : i32 {
      %mul3A_38 = arith.constant 1 : i32
      %mul3A_39 = arith.muli %scan3A_37, %mul3A_38 : i32
      %add3A_40 = arith.constant 0 : i32
      %add3A_41 = arith.addi %add3A_40, %mul3A_39 : i32
      %mul3A_42 = arith.constant 128 : i32
      %mul3A_43 = arith.muli %add3A_41, %mul3A_42 : i32
      %add3A_44 = arith.addi %mul3A_0, %mul3A_43 : i32
      "tpu.region"() ({
        %run_scoped3A = tpu.sem_alloc : memref<!tpu.dma_semaphore, #tpu.memory_space<semaphore_mem>>
        %dma_start3A = arith.constant 0 : i32
        %dma_start3A_45 = tpu.memref_slice %arg17[%add3A_44, %dma_start3A] : memref<10240x128xf32, #tpu.memory_space<vmem_shared>> -> memref<128x128xf32, #tpu.memory_space<vmem_shared>>
        tpu.enqueue_dma source(%arg5 : memref<128x128xf32, #tpu.memory_space<hbm>>) target(%dma_start3A_45 : memref<128x128xf32, #tpu.memory_space<vmem_shared>>) target_semaphore(%run_scoped3A : memref<!tpu.dma_semaphore, #tpu.memory_space<semaphore_mem>>)
        %dma_wait3A = arith.constant 0 : i32
        %dma_wait3A_46 = tpu.memref_slice %arg17[%add3A_44, %dma_wait3A] : memref<10240x128xf32, #tpu.memory_space<vmem_shared>> -> memref<128x128xf32, #tpu.memory_space<vmem_shared>>
        tpu.wait_dma2 semaphore(%run_scoped3A : memref<!tpu.dma_semaphore, #tpu.memory_space<semaphore_mem>>) src(%arg5 : memref<128x128xf32, #tpu.memory_space<hbm>>) dst(%dma_wait3A_46 : memref<128x128xf32, #tpu.memory_space<vmem_shared>>)
        tpu.yield
      }) : () -> ()
    }
    %scan3A_4 = arith.constant 5 : i32
    %barrier3A = arith.constant 0 : index
    tpu.barrier barrier_id(%barrier3A)
    %eq3A = arith.constant 0 : i32
    %eq3A_5 = arith.cmpi eq, %arg0, %eq3A : i32
    %jit3A = arith.constant 6 : i32
    %jit3A_6 = arith.constant 2 : i32
    %select_n3A = arith.select %eq3A_5, %jit3A, %jit3A_6 : i32
    %eq3A_7 = arith.constant 0 : i32
    %eq3A_8 = arith.cmpi eq, %arg0, %eq3A_7 : i32
    %mul3A_9 = arith.constant 240 : i32
    %mul3A_10 = arith.muli %arg1, %mul3A_9 : i32
    %mul3A_11 = arith.constant 80 : i32
    %mul3A_12 = arith.muli %arg1, %mul3A_11 : i32
    %add3A = arith.constant 3840 : i32
    %add3A_13 = arith.addi %add3A, %mul3A_12 : i32
    %select_n3A_14 = arith.select %eq3A_8, %mul3A_10, %add3A_13 : i32
    %sub3A = arith.constant 0 : i32
    %sub3A_15 = arith.subi %select_n3A, %sub3A : i32
    %sub3A_16 = arith.constant 1 : i32
    %sub3A_17 = arith.constant 1 : i32
    %sub3A_18 = arith.subi %sub3A_16, %sub3A_17 : i32
    %add3A_19 = arith.addi %sub3A_15, %sub3A_18 : i32
    %div3A = arith.constant 1 : i32
    %div3A_20 = arith.divsi %add3A_19, %div3A : i32
    %while3A = arith.constant 1 : i32
    %while3A_21 = arith.constant 0 : i32
    %while3A_22 = arith.constant 0 : i32
    %while3A_23 = arith.subi %div3A_20, %while3A_22 : i32
    %while3A_24 = arith.addi %while3A_22, %while3A_23 : i32
    %while3A_25 = arith.constant 1 : i32
    %while3A_26 = arith.divsi %while3A_23, %while3A_25 : i32
    %while3A_27 = arith.muli %while3A_26, %while3A_25 : i32
    %while3A_28 = arith.addi %while3A_22, %while3A_27 : i32
    %while3A_29 = arith.constant 1 : i32
    scf.for %while3A_37 = %while3A_22 to %while3A_28 step %while3A_29  : i32 {
      %mul3A_38 = arith.muli %while3A_37, %while3A : i32
      %add3A_39 = arith.addi %while3A_21, %mul3A_38 : i32
      %mul3A_40 = arith.constant 40 : i32
      %mul3A_41 = arith.muli %add3A_39, %mul3A_40 : i32
      %add3A_42 = arith.addi %select_n3A_14, %mul3A_41 : i32
      "tpu.region"() ({
        %run_scoped3A = tpu.sem_alloc : memref<!tpu.dma_semaphore, #tpu.memory_space<semaphore_mem>>
        %dma_start3A_75 = arith.constant 0 : i32
        %dma_start3A_76 = tpu.memref_slice %arg3[%add3A_42, %dma_start3A_75] : memref<5120x64xi32, #tpu.memory_space<hbm>> -> memref<40x64xi32, #tpu.memory_space<hbm>>
        %dma_start3A_77 = arith.constant 0 : i32
        %dma_start3A_78 = tpu.memref_slice %arg3[%add3A_42, %dma_start3A_77] : memref<5120x64xi32, #tpu.memory_space<hbm>> -> memref<40x64xi32, #tpu.memory_space<hbm>>
        tpu.enqueue_dma source(%dma_start3A_78 : memref<40x64xi32, #tpu.memory_space<hbm>>) target(%arg7 : memref<40x64xi32, #tpu.memory_space<vmem>>) target_semaphore(%run_scoped3A : memref<!tpu.dma_semaphore, #tpu.memory_space<semaphore_mem>>)
        %dma_wait3A = arith.constant 0 : i32
        %dma_wait3A_79 = tpu.memref_slice %arg3[%add3A_42, %dma_wait3A] : memref<5120x64xi32, #tpu.memory_space<hbm>> -> memref<40x64xi32, #tpu.memory_space<hbm>>
        %dma_wait3A_80 = arith.constant 0 : i32
        %dma_wait3A_81 = tpu.memref_slice %arg3[%add3A_42, %dma_wait3A_80] : memref<5120x64xi32, #tpu.memory_space<hbm>> -> memref<40x64xi32, #tpu.memory_space<hbm>>
        tpu.wait_dma2 semaphore(%run_scoped3A : memref<!tpu.dma_semaphore, #tpu.memory_space<semaphore_mem>>) src(%dma_wait3A_81 : memref<40x64xi32, #tpu.memory_space<hbm>>) dst(%arg7 : memref<40x64xi32, #tpu.memory_space<vmem>>)
        tpu.yield
      }) : () -> ()
      "tpu.region"() ({
        %run_scoped3A = tpu.sem_alloc : memref<!tpu.dma_semaphore, #tpu.memory_space<semaphore_mem>>
        %dma_start3A_75 = arith.constant 0 : i32
        %dma_start3A_76 = tpu.memref_slice %arg4[%add3A_42, %dma_start3A_75] : memref<5120x64xi32, #tpu.memory_space<hbm>> -> memref<40x64xi32, #tpu.memory_space<hbm>>
        %dma_start3A_77 = arith.constant 0 : i32
        %dma_start3A_78 = tpu.memref_slice %arg4[%add3A_42, %dma_start3A_77] : memref<5120x64xi32, #tpu.memory_space<hbm>> -> memref<40x64xi32, #tpu.memory_space<hbm>>
        tpu.enqueue_dma source(%dma_start3A_78 : memref<40x64xi32, #tpu.memory_space<hbm>>) target(%arg8 : memref<40x64xi32, #tpu.memory_space<vmem>>) target_semaphore(%run_scoped3A : memref<!tpu.dma_semaphore, #tpu.memory_space<semaphore_mem>>)
        %dma_wait3A = arith.constant 0 : i32
        %dma_wait3A_79 = tpu.memref_slice %arg4[%add3A_42, %dma_wait3A] : memref<5120x64xi32, #tpu.memory_space<hbm>> -> memref<40x64xi32, #tpu.memory_space<hbm>>
        %dma_wait3A_80 = arith.constant 0 : i32
        %dma_wait3A_81 = tpu.memref_slice %arg4[%add3A_42, %dma_wait3A_80] : memref<5120x64xi32, #tpu.memory_space<hbm>> -> memref<40x64xi32, #tpu.memory_space<hbm>>
        tpu.wait_dma2 semaphore(%run_scoped3A : memref<!tpu.dma_semaphore, #tpu.memory_space<semaphore_mem>>) src(%dma_wait3A_81 : memref<40x64xi32, #tpu.memory_space<hbm>>) dst(%arg8 : memref<40x64xi32, #tpu.memory_space<vmem>>)
        tpu.yield
      }) : () -> ()
      %dma_start3A = arith.constant 0 : i32
      %dma_start3A_43 = arith.constant 0 : i32
      %dma_start3A_44 = tpu.memref_slice %arg7[%dma_start3A, %dma_start3A_43] : memref<40x64xi32, #tpu.memory_space<vmem>> -> memref<1x64xi32, #tpu.memory_space<vmem>>
      %dma_start3A_45 = tpu.memref_squeeze %dma_start3A_44 : memref<1x64xi32, #tpu.memory_space<vmem>> -> memref<64xi32, #tpu.memory_space<vmem>>
      %dma_start3A_46 = arith.constant 0 : i32
      %dma_start3A_47 = arith.constant 0 : i32
      %dma_start3A_48 = tpu.memref_slice %arg2[%dma_start3A_46, %dma_start3A_47] : memref<10240x128xf32, #tpu.memory_space<hbm>> -> memref<10240x128xf32, #tpu.memory_space<hbm>>
      tpu.enqueue_indirect_dma source(%dma_start3A_48 : memref<10240x128xf32, #tpu.memory_space<hbm>>) target(%arg9 : memref<64x128xf32, #tpu.memory_space<vmem>>) offsets(%dma_start3A_45 : memref<64xi32, #tpu.memory_space<vmem>>) semaphore(%arg13 : memref<!tpu.dma_semaphore, #tpu.memory_space<semaphore_mem>>)
      %dma_start3A_49 = arith.constant 1 : i32
      %dma_start3A_50 = arith.constant 0 : i32
      %dma_start3A_51 = tpu.memref_slice %arg7[%dma_start3A_49, %dma_start3A_50] : memref<40x64xi32, #tpu.memory_space<vmem>> -> memref<1x64xi32, #tpu.memory_space<vmem>>
      %dma_start3A_52 = tpu.memref_squeeze %dma_start3A_51 : memref<1x64xi32, #tpu.memory_space<vmem>> -> memref<64xi32, #tpu.memory_space<vmem>>
      %dma_start3A_53 = arith.constant 0 : i32
      %dma_start3A_54 = arith.constant 0 : i32
      %dma_start3A_55 = tpu.memref_slice %arg2[%dma_start3A_53, %dma_start3A_54] : memref<10240x128xf32, #tpu.memory_space<hbm>> -> memref<10240x128xf32, #tpu.memory_space<hbm>>
      tpu.enqueue_indirect_dma source(%dma_start3A_55 : memref<10240x128xf32, #tpu.memory_space<hbm>>) target(%arg10 : memref<64x128xf32, #tpu.memory_space<vmem>>) offsets(%dma_start3A_52 : memref<64xi32, #tpu.memory_space<vmem>>) semaphore(%arg14 : memref<!tpu.dma_semaphore, #tpu.memory_space<semaphore_mem>>)
      %dma_start3A_56 = arith.constant 2 : i32
      %dma_start3A_57 = arith.constant 0 : i32
      %dma_start3A_58 = tpu.memref_slice %arg7[%dma_start3A_56, %dma_start3A_57] : memref<40x64xi32, #tpu.memory_space<vmem>> -> memref<1x64xi32, #tpu.memory_space<vmem>>
      %dma_start3A_59 = tpu.memref_squeeze %dma_start3A_58 : memref<1x64xi32, #tpu.memory_space<vmem>> -> memref<64xi32, #tpu.memory_space<vmem>>
      %dma_start3A_60 = arith.constant 0 : i32
      %dma_start3A_61 = arith.constant 0 : i32
      %dma_start3A_62 = tpu.memref_slice %arg2[%dma_start3A_60, %dma_start3A_61] : memref<10240x128xf32, #tpu.memory_space<hbm>> -> memref<10240x128xf32, #tpu.memory_space<hbm>>
      tpu.enqueue_indirect_dma source(%dma_start3A_62 : memref<10240x128xf32, #tpu.memory_space<hbm>>) target(%arg11 : memref<64x128xf32, #tpu.memory_space<vmem>>) offsets(%dma_start3A_59 : memref<64xi32, #tpu.memory_space<vmem>>) semaphore(%arg15 : memref<!tpu.dma_semaphore, #tpu.memory_space<semaphore_mem>>)
      %dma_start3A_63 = arith.constant 3 : i32
      %dma_start3A_64 = arith.constant 0 : i32
      %dma_start3A_65 = tpu.memref_slice %arg7[%dma_start3A_63, %dma_start3A_64] : memref<40x64xi32, #tpu.memory_space<vmem>> -> memref<1x64xi32, #tpu.memory_space<vmem>>
      %dma_start3A_66 = tpu.memref_squeeze %dma_start3A_65 : memref<1x64xi32, #tpu.memory_space<vmem>> -> memref<64xi32, #tpu.memory_space<vmem>>
      %dma_start3A_67 = arith.constant 0 : i32
      %dma_start3A_68 = arith.constant 0 : i32
      %dma_start3A_69 = tpu.memref_slice %arg2[%dma_start3A_67, %dma_start3A_68] : memref<10240x128xf32, #tpu.memory_space<hbm>> -> memref<10240x128xf32, #tpu.memory_space<hbm>>
      tpu.enqueue_indirect_dma source(%dma_start3A_69 : memref<10240x128xf32, #tpu.memory_space<hbm>>) target(%arg12 : memref<64x128xf32, #tpu.memory_space<vmem>>) offsets(%dma_start3A_66 : memref<64xi32, #tpu.memory_space<vmem>>) semaphore(%arg16 : memref<!tpu.dma_semaphore, #tpu.memory_space<semaphore_mem>>)
      %scan3A_70 = arith.constant 0 : i32
      %scan3A_71 = arith.constant 10 : i32
      %scan3A_72 = arith.addi %scan3A_70, %scan3A_71 : i32
      %scan3A_73 = arith.constant 1 : i32
      scf.for %scan3A_75 = %scan3A_70 to %scan3A_72 step %scan3A_73  : i32 {
        %mul3A_76 = arith.constant 1 : i32
        %mul3A_77 = arith.muli %scan3A_75, %mul3A_76 : i32
        %add3A_78 = arith.constant 0 : i32
        %add3A_79 = arith.addi %add3A_78, %mul3A_77 : i32
        %dma_wait3A = arith.constant 0 : i32
        %dma_wait3A_80 = arith.constant 0 : i32
        %dma_wait3A_81 = tpu.memref_slice %arg5[%dma_wait3A, %dma_wait3A_80] : memref<128x128xf32, #tpu.memory_space<hbm>> -> memref<64x128xf32, #tpu.memory_space<hbm>>
        %dma_wait3A_82 = arith.constant 0 : i32
        %dma_wait3A_83 = arith.constant 0 : i32
        %dma_wait3A_84 = tpu.memref_slice %arg5[%dma_wait3A_82, %dma_wait3A_83] : memref<128x128xf32, #tpu.memory_space<hbm>> -> memref<64x128xf32, #tpu.memory_space<hbm>>
        tpu.wait_dma2 semaphore(%arg13 : memref<!tpu.dma_semaphore, #tpu.memory_space<semaphore_mem>>) src(%dma_wait3A_84 : memref<64x128xf32, #tpu.memory_space<hbm>>) dst(%arg9 : memref<64x128xf32, #tpu.memory_space<vmem>>)
        %mul3A_85 = arith.constant 4 : i32
        %mul3A_86 = arith.muli %mul3A_85, %add3A_79 : i32
        %add3A_87 = arith.constant 0 : i32
        %add3A_88 = arith.addi %mul3A_86, %add3A_87 : i32
        "tpu.region"() ({
          %run_scoped3A = tpu.sem_alloc : memref<!tpu.dma_semaphore, #tpu.memory_space<semaphore_mem>>
          %dma_start3A_136 = arith.constant 0 : i32
          %dma_start3A_137 = tpu.memref_slice %arg8[%add3A_88, %dma_start3A_136] : memref<40x64xi32, #tpu.memory_space<vmem>> -> memref<1x64xi32, #tpu.memory_space<vmem>>
          %dma_start3A_138 = tpu.memref_squeeze %dma_start3A_137 : memref<1x64xi32, #tpu.memory_space<vmem>> -> memref<64xi32, #tpu.memory_space<vmem>>
          %dma_start3A_139 = arith.constant 0 : i32
          %dma_start3A_140 = arith.constant 0 : i32
          %dma_start3A_141 = tpu.memref_slice %arg17[%dma_start3A_139, %dma_start3A_140] : memref<10240x128xf32, #tpu.memory_space<vmem_shared>> -> memref<10240x128xf32, #tpu.memory_space<vmem_shared>>
          tpu.enqueue_indirect_dma source(%arg9 : memref<64x128xf32, #tpu.memory_space<vmem>>) target(%dma_start3A_141 : memref<10240x128xf32, #tpu.memory_space<vmem_shared>>) offsets(%dma_start3A_138 : memref<64xi32, #tpu.memory_space<vmem>>) semaphore(%run_scoped3A : memref<!tpu.dma_semaphore, #tpu.memory_space<semaphore_mem>>) {add = true}
          %dma_wait3A_142 = arith.constant 0 : i32
          %dma_wait3A_143 = tpu.memref_slice %arg8[%add3A_88, %dma_wait3A_142] : memref<40x64xi32, #tpu.memory_space<vmem>> -> memref<1x64xi32, #tpu.memory_space<vmem>>
          %dma_wait3A_144 = tpu.memref_squeeze %dma_wait3A_143 : memref<1x64xi32, #tpu.memory_space<vmem>> -> memref<64xi32, #tpu.memory_space<vmem>>
          %dma_wait3A_145 = arith.constant 0 : i32
          %dma_wait3A_146 = arith.constant 0 : i32
          %dma_wait3A_147 = tpu.memref_slice %arg17[%dma_wait3A_145, %dma_wait3A_146] : memref<10240x128xf32, #tpu.memory_space<vmem_shared>> -> memref<10240x128xf32, #tpu.memory_space<vmem_shared>>
          tpu.wait_indirect_dma semaphore(%run_scoped3A : memref<!tpu.dma_semaphore, #tpu.memory_space<semaphore_mem>>) src(%arg9 : memref<64x128xf32, #tpu.memory_space<vmem>>) dst(%dma_wait3A_147 : memref<10240x128xf32, #tpu.memory_space<vmem_shared>>)
          tpu.yield
        }) : () -> ()
        %lt3A = arith.constant 9 : i32
        %lt3A_89 = arith.cmpi slt, %add3A_79, %lt3A : i32
        %convert_element_type3A = arith.extui %lt3A_89 : i1 to i32
        %cond3A = arith.constant 0 : i32
        %cond3A_90 = arith.cmpi ne, %convert_element_type3A, %cond3A : i32
        scf.if %cond3A_90 {
          %add3A_136 = arith.constant 1 : i32
          %add3A_137 = arith.addi %add3A_79, %add3A_136 : i32
          %mul3A_138 = arith.constant 4 : i32
          %mul3A_139 = arith.muli %mul3A_138, %add3A_137 : i32
          %add3A_140 = arith.constant 0 : i32
          %add3A_141 = arith.addi %mul3A_139, %add3A_140 : i32
          %dma_start3A_142 = arith.constant 0 : i32
          %dma_start3A_143 = tpu.memref_slice %arg7[%add3A_141, %dma_start3A_142] : memref<40x64xi32, #tpu.memory_space<vmem>> -> memref<1x64xi32, #tpu.memory_space<vmem>>
          %dma_start3A_144 = tpu.memref_squeeze %dma_start3A_143 : memref<1x64xi32, #tpu.memory_space<vmem>> -> memref<64xi32, #tpu.memory_space<vmem>>
          %dma_start3A_145 = arith.constant 0 : i32
          %dma_start3A_146 = arith.constant 0 : i32
          %dma_start3A_147 = tpu.memref_slice %arg2[%dma_start3A_145, %dma_start3A_146] : memref<10240x128xf32, #tpu.memory_space<hbm>> -> memref<10240x128xf32, #tpu.memory_space<hbm>>
          tpu.enqueue_indirect_dma source(%dma_start3A_147 : memref<10240x128xf32, #tpu.memory_space<hbm>>) target(%arg9 : memref<64x128xf32, #tpu.memory_space<vmem>>) offsets(%dma_start3A_144 : memref<64xi32, #tpu.memory_space<vmem>>) semaphore(%arg13 : memref<!tpu.dma_semaphore, #tpu.memory_space<semaphore_mem>>)
        } else {
        }
        %dma_wait3A_91 = arith.constant 0 : i32
        %dma_wait3A_92 = arith.constant 0 : i32
        %dma_wait3A_93 = tpu.memref_slice %arg5[%dma_wait3A_91, %dma_wait3A_92] : memref<128x128xf32, #tpu.memory_space<hbm>> -> memref<64x128xf32, #tpu.memory_space<hbm>>
        %dma_wait3A_94 = arith.constant 0 : i32
        %dma_wait3A_95 = arith.constant 0 : i32
        %dma_wait3A_96 = tpu.memref_slice %arg5[%dma_wait3A_94, %dma_wait3A_95] : memref<128x128xf32, #tpu.memory_space<hbm>> -> memref<64x128xf32, #tpu.memory_space<hbm>>
        tpu.wait_dma2 semaphore(%arg14 : memref<!tpu.dma_semaphore, #tpu.memory_space<semaphore_mem>>) src(%dma_wait3A_96 : memref<64x128xf32, #tpu.memory_space<hbm>>) dst(%arg10 : memref<64x128xf32, #tpu.memory_space<vmem>>)
        %mul3A_97 = arith.constant 4 : i32
        %mul3A_98 = arith.muli %mul3A_97, %add3A_79 : i32
        %add3A_99 = arith.constant 1 : i32
        %add3A_100 = arith.addi %mul3A_98, %add3A_99 : i32
        "tpu.region"() ({
          %run_scoped3A = tpu.sem_alloc : memref<!tpu.dma_semaphore, #tpu.memory_space<semaphore_mem>>
          %dma_start3A_136 = arith.constant 0 : i32
          %dma_start3A_137 = tpu.memref_slice %arg8[%add3A_100, %dma_start3A_136] : memref<40x64xi32, #tpu.memory_space<vmem>> -> memref<1x64xi32, #tpu.memory_space<vmem>>
          %dma_start3A_138 = tpu.memref_squeeze %dma_start3A_137 : memref<1x64xi32, #tpu.memory_space<vmem>> -> memref<64xi32, #tpu.memory_space<vmem>>
          %dma_start3A_139 = arith.constant 0 : i32
          %dma_start3A_140 = arith.constant 0 : i32
          %dma_start3A_141 = tpu.memref_slice %arg17[%dma_start3A_139, %dma_start3A_140] : memref<10240x128xf32, #tpu.memory_space<vmem_shared>> -> memref<10240x128xf32, #tpu.memory_space<vmem_shared>>
          tpu.enqueue_indirect_dma source(%arg10 : memref<64x128xf32, #tpu.memory_space<vmem>>) target(%dma_start3A_141 : memref<10240x128xf32, #tpu.memory_space<vmem_shared>>) offsets(%dma_start3A_138 : memref<64xi32, #tpu.memory_space<vmem>>) semaphore(%run_scoped3A : memref<!tpu.dma_semaphore, #tpu.memory_space<semaphore_mem>>) {add = true}
          %dma_wait3A_142 = arith.constant 0 : i32
          %dma_wait3A_143 = tpu.memref_slice %arg8[%add3A_100, %dma_wait3A_142] : memref<40x64xi32, #tpu.memory_space<vmem>> -> memref<1x64xi32, #tpu.memory_space<vmem>>
          %dma_wait3A_144 = tpu.memref_squeeze %dma_wait3A_143 : memref<1x64xi32, #tpu.memory_space<vmem>> -> memref<64xi32, #tpu.memory_space<vmem>>
          %dma_wait3A_145 = arith.constant 0 : i32
          %dma_wait3A_146 = arith.constant 0 : i32
          %dma_wait3A_147 = tpu.memref_slice %arg17[%dma_wait3A_145, %dma_wait3A_146] : memref<10240x128xf32, #tpu.memory_space<vmem_shared>> -> memref<10240x128xf32, #tpu.memory_space<vmem_shared>>
          tpu.wait_indirect_dma semaphore(%run_scoped3A : memref<!tpu.dma_semaphore, #tpu.memory_space<semaphore_mem>>) src(%arg10 : memref<64x128xf32, #tpu.memory_space<vmem>>) dst(%dma_wait3A_147 : memref<10240x128xf32, #tpu.memory_space<vmem_shared>>)
          tpu.yield
        }) : () -> ()
        %lt3A_101 = arith.constant 9 : i32
        %lt3A_102 = arith.cmpi slt, %add3A_79, %lt3A_101 : i32
        %convert_element_type3A_103 = arith.extui %lt3A_102 : i1 to i32
        %cond3A_104 = arith.constant 0 : i32
        %cond3A_105 = arith.cmpi ne, %convert_element_type3A_103, %cond3A_104 : i32
        scf.if %cond3A_105 {
          %add3A_136 = arith.constant 1 : i32
          %add3A_137 = arith.addi %add3A_79, %add3A_136 : i32
          %mul3A_138 = arith.constant 4 : i32
          %mul3A_139 = arith.muli %mul3A_138, %add3A_137 : i32
          %add3A_140 = arith.constant 1 : i32
          %add3A_141 = arith.addi %mul3A_139, %add3A_140 : i32
          %dma_start3A_142 = arith.constant 0 : i32
          %dma_start3A_143 = tpu.memref_slice %arg7[%add3A_141, %dma_start3A_142] : memref<40x64xi32, #tpu.memory_space<vmem>> -> memref<1x64xi32, #tpu.memory_space<vmem>>
          %dma_start3A_144 = tpu.memref_squeeze %dma_start3A_143 : memref<1x64xi32, #tpu.memory_space<vmem>> -> memref<64xi32, #tpu.memory_space<vmem>>
          %dma_start3A_145 = arith.constant 0 : i32
          %dma_start3A_146 = arith.constant 0 : i32
          %dma_start3A_147 = tpu.memref_slice %arg2[%dma_start3A_145, %dma_start3A_146] : memref<10240x128xf32, #tpu.memory_space<hbm>> -> memref<10240x128xf32, #tpu.memory_space<hbm>>
          tpu.enqueue_indirect_dma source(%dma_start3A_147 : memref<10240x128xf32, #tpu.memory_space<hbm>>) target(%arg10 : memref<64x128xf32, #tpu.memory_space<vmem>>) offsets(%dma_start3A_144 : memref<64xi32, #tpu.memory_space<vmem>>) semaphore(%arg14 : memref<!tpu.dma_semaphore, #tpu.memory_space<semaphore_mem>>)
        } else {
        }
        %dma_wait3A_106 = arith.constant 0 : i32
        %dma_wait3A_107 = arith.constant 0 : i32
        %dma_wait3A_108 = tpu.memref_slice %arg5[%dma_wait3A_106, %dma_wait3A_107] : memref<128x128xf32, #tpu.memory_space<hbm>> -> memref<64x128xf32, #tpu.memory_space<hbm>>
        %dma_wait3A_109 = arith.constant 0 : i32
        %dma_wait3A_110 = arith.constant 0 : i32
        %dma_wait3A_111 = tpu.memref_slice %arg5[%dma_wait3A_109, %dma_wait3A_110] : memref<128x128xf32, #tpu.memory_space<hbm>> -> memref<64x128xf32, #tpu.memory_space<hbm>>
        tpu.wait_dma2 semaphore(%arg15 : memref<!tpu.dma_semaphore, #tpu.memory_space<semaphore_mem>>) src(%dma_wait3A_111 : memref<64x128xf32, #tpu.memory_space<hbm>>) dst(%arg11 : memref<64x128xf32, #tpu.memory_space<vmem>>)
        %mul3A_112 = arith.constant 4 : i32
        %mul3A_113 = arith.muli %mul3A_112, %add3A_79 : i32
        %add3A_114 = arith.constant 2 : i32
        %add3A_115 = arith.addi %mul3A_113, %add3A_114 : i32
        "tpu.region"() ({
          %run_scoped3A = tpu.sem_alloc : memref<!tpu.dma_semaphore, #tpu.memory_space<semaphore_mem>>
          %dma_start3A_136 = arith.constant 0 : i32
          %dma_start3A_137 = tpu.memref_slice %arg8[%add3A_115, %dma_start3A_136] : memref<40x64xi32, #tpu.memory_space<vmem>> -> memref<1x64xi32, #tpu.memory_space<vmem>>
          %dma_start3A_138 = tpu.memref_squeeze %dma_start3A_137 : memref<1x64xi32, #tpu.memory_space<vmem>> -> memref<64xi32, #tpu.memory_space<vmem>>
          %dma_start3A_139 = arith.constant 0 : i32
          %dma_start3A_140 = arith.constant 0 : i32
          %dma_start3A_141 = tpu.memref_slice %arg17[%dma_start3A_139, %dma_start3A_140] : memref<10240x128xf32, #tpu.memory_space<vmem_shared>> -> memref<10240x128xf32, #tpu.memory_space<vmem_shared>>
          tpu.enqueue_indirect_dma source(%arg11 : memref<64x128xf32, #tpu.memory_space<vmem>>) target(%dma_start3A_141 : memref<10240x128xf32, #tpu.memory_space<vmem_shared>>) offsets(%dma_start3A_138 : memref<64xi32, #tpu.memory_space<vmem>>) semaphore(%run_scoped3A : memref<!tpu.dma_semaphore, #tpu.memory_space<semaphore_mem>>) {add = true}
          %dma_wait3A_142 = arith.constant 0 : i32
          %dma_wait3A_143 = tpu.memref_slice %arg8[%add3A_115, %dma_wait3A_142] : memref<40x64xi32, #tpu.memory_space<vmem>> -> memref<1x64xi32, #tpu.memory_space<vmem>>
          %dma_wait3A_144 = tpu.memref_squeeze %dma_wait3A_143 : memref<1x64xi32, #tpu.memory_space<vmem>> -> memref<64xi32, #tpu.memory_space<vmem>>
          %dma_wait3A_145 = arith.constant 0 : i32
          %dma_wait3A_146 = arith.constant 0 : i32
          %dma_wait3A_147 = tpu.memref_slice %arg17[%dma_wait3A_145, %dma_wait3A_146] : memref<10240x128xf32, #tpu.memory_space<vmem_shared>> -> memref<10240x128xf32, #tpu.memory_space<vmem_shared>>
          tpu.wait_indirect_dma semaphore(%run_scoped3A : memref<!tpu.dma_semaphore, #tpu.memory_space<semaphore_mem>>) src(%arg11 : memref<64x128xf32, #tpu.memory_space<vmem>>) dst(%dma_wait3A_147 : memref<10240x128xf32, #tpu.memory_space<vmem_shared>>)
          tpu.yield
        }) : () -> ()
        %lt3A_116 = arith.constant 9 : i32
        %lt3A_117 = arith.cmpi slt, %add3A_79, %lt3A_116 : i32
        %convert_element_type3A_118 = arith.extui %lt3A_117 : i1 to i32
        %cond3A_119 = arith.constant 0 : i32
        %cond3A_120 = arith.cmpi ne, %convert_element_type3A_118, %cond3A_119 : i32
        scf.if %cond3A_120 {
          %add3A_136 = arith.constant 1 : i32
          %add3A_137 = arith.addi %add3A_79, %add3A_136 : i32
          %mul3A_138 = arith.constant 4 : i32
          %mul3A_139 = arith.muli %mul3A_138, %add3A_137 : i32
          %add3A_140 = arith.constant 2 : i32
          %add3A_141 = arith.addi %mul3A_139, %add3A_140 : i32
          %dma_start3A_142 = arith.constant 0 : i32
          %dma_start3A_143 = tpu.memref_slice %arg7[%add3A_141, %dma_start3A_142] : memref<40x64xi32, #tpu.memory_space<vmem>> -> memref<1x64xi32, #tpu.memory_space<vmem>>
          %dma_start3A_144 = tpu.memref_squeeze %dma_start3A_143 : memref<1x64xi32, #tpu.memory_space<vmem>> -> memref<64xi32, #tpu.memory_space<vmem>>
          %dma_start3A_145 = arith.constant 0 : i32
          %dma_start3A_146 = arith.constant 0 : i32
          %dma_start3A_147 = tpu.memref_slice %arg2[%dma_start3A_145, %dma_start3A_146] : memref<10240x128xf32, #tpu.memory_space<hbm>> -> memref<10240x128xf32, #tpu.memory_space<hbm>>
          tpu.enqueue_indirect_dma source(%dma_start3A_147 : memref<10240x128xf32, #tpu.memory_space<hbm>>) target(%arg11 : memref<64x128xf32, #tpu.memory_space<vmem>>) offsets(%dma_start3A_144 : memref<64xi32, #tpu.memory_space<vmem>>) semaphore(%arg15 : memref<!tpu.dma_semaphore, #tpu.memory_space<semaphore_mem>>)
        } else {
        }
        %dma_wait3A_121 = arith.constant 0 : i32
        %dma_wait3A_122 = arith.constant 0 : i32
        %dma_wait3A_123 = tpu.memref_slice %arg5[%dma_wait3A_121, %dma_wait3A_122] : memref<128x128xf32, #tpu.memory_space<hbm>> -> memref<64x128xf32, #tpu.memory_space<hbm>>
        %dma_wait3A_124 = arith.constant 0 : i32
        %dma_wait3A_125 = arith.constant 0 : i32
        %dma_wait3A_126 = tpu.memref_slice %arg5[%dma_wait3A_124, %dma_wait3A_125] : memref<128x128xf32, #tpu.memory_space<hbm>> -> memref<64x128xf32, #tpu.memory_space<hbm>>
        tpu.wait_dma2 semaphore(%arg16 : memref<!tpu.dma_semaphore, #tpu.memory_space<semaphore_mem>>) src(%dma_wait3A_126 : memref<64x128xf32, #tpu.memory_space<hbm>>) dst(%arg12 : memref<64x128xf32, #tpu.memory_space<vmem>>)
        %mul3A_127 = arith.constant 4 : i32
        %mul3A_128 = arith.muli %mul3A_127, %add3A_79 : i32
        %add3A_129 = arith.constant 3 : i32
        %add3A_130 = arith.addi %mul3A_128, %add3A_129 : i32
        "tpu.region"() ({
          %run_scoped3A = tpu.sem_alloc : memref<!tpu.dma_semaphore, #tpu.memory_space<semaphore_mem>>
          %dma_start3A_136 = arith.constant 0 : i32
          %dma_start3A_137 = tpu.memref_slice %arg8[%add3A_130, %dma_start3A_136] : memref<40x64xi32, #tpu.memory_space<vmem>> -> memref<1x64xi32, #tpu.memory_space<vmem>>
          %dma_start3A_138 = tpu.memref_squeeze %dma_start3A_137 : memref<1x64xi32, #tpu.memory_space<vmem>> -> memref<64xi32, #tpu.memory_space<vmem>>
          %dma_start3A_139 = arith.constant 0 : i32
          %dma_start3A_140 = arith.constant 0 : i32
          %dma_start3A_141 = tpu.memref_slice %arg17[%dma_start3A_139, %dma_start3A_140] : memref<10240x128xf32, #tpu.memory_space<vmem_shared>> -> memref<10240x128xf32, #tpu.memory_space<vmem_shared>>
          tpu.enqueue_indirect_dma source(%arg12 : memref<64x128xf32, #tpu.memory_space<vmem>>) target(%dma_start3A_141 : memref<10240x128xf32, #tpu.memory_space<vmem_shared>>) offsets(%dma_start3A_138 : memref<64xi32, #tpu.memory_space<vmem>>) semaphore(%run_scoped3A : memref<!tpu.dma_semaphore, #tpu.memory_space<semaphore_mem>>) {add = true}
          %dma_wait3A_142 = arith.constant 0 : i32
          %dma_wait3A_143 = tpu.memref_slice %arg8[%add3A_130, %dma_wait3A_142] : memref<40x64xi32, #tpu.memory_space<vmem>> -> memref<1x64xi32, #tpu.memory_space<vmem>>
          %dma_wait3A_144 = tpu.memref_squeeze %dma_wait3A_143 : memref<1x64xi32, #tpu.memory_space<vmem>> -> memref<64xi32, #tpu.memory_space<vmem>>
          %dma_wait3A_145 = arith.constant 0 : i32
          %dma_wait3A_146 = arith.constant 0 : i32
          %dma_wait3A_147 = tpu.memref_slice %arg17[%dma_wait3A_145, %dma_wait3A_146] : memref<10240x128xf32, #tpu.memory_space<vmem_shared>> -> memref<10240x128xf32, #tpu.memory_space<vmem_shared>>
          tpu.wait_indirect_dma semaphore(%run_scoped3A : memref<!tpu.dma_semaphore, #tpu.memory_space<semaphore_mem>>) src(%arg12 : memref<64x128xf32, #tpu.memory_space<vmem>>) dst(%dma_wait3A_147 : memref<10240x128xf32, #tpu.memory_space<vmem_shared>>)
          tpu.yield
        }) : () -> ()
        %lt3A_131 = arith.constant 9 : i32
        %lt3A_132 = arith.cmpi slt, %add3A_79, %lt3A_131 : i32
        %convert_element_type3A_133 = arith.extui %lt3A_132 : i1 to i32
        %cond3A_134 = arith.constant 0 : i32
        %cond3A_135 = arith.cmpi ne, %convert_element_type3A_133, %cond3A_134 : i32
        scf.if %cond3A_135 {
          %add3A_136 = arith.constant 1 : i32
          %add3A_137 = arith.addi %add3A_79, %add3A_136 : i32
          %mul3A_138 = arith.constant 4 : i32
          %mul3A_139 = arith.muli %mul3A_138, %add3A_137 : i32
          %add3A_140 = arith.constant 3 : i32
          %add3A_141 = arith.addi %mul3A_139, %add3A_140 : i32
          %dma_start3A_142 = arith.constant 0 : i32
          %dma_start3A_143 = tpu.memref_slice %arg7[%add3A_141, %dma_start3A_142] : memref<40x64xi32, #tpu.memory_space<vmem>> -> memref<1x64xi32, #tpu.memory_space<vmem>>
          %dma_start3A_144 = tpu.memref_squeeze %dma_start3A_143 : memref<1x64xi32, #tpu.memory_space<vmem>> -> memref<64xi32, #tpu.memory_space<vmem>>
          %dma_start3A_145 = arith.constant 0 : i32
          %dma_start3A_146 = arith.constant 0 : i32
          %dma_start3A_147 = tpu.memref_slice %arg2[%dma_start3A_145, %dma_start3A_146] : memref<10240x128xf32, #tpu.memory_space<hbm>> -> memref<10240x128xf32, #tpu.memory_space<hbm>>
          tpu.enqueue_indirect_dma source(%dma_start3A_147 : memref<10240x128xf32, #tpu.memory_space<hbm>>) target(%arg12 : memref<64x128xf32, #tpu.memory_space<vmem>>) offsets(%dma_start3A_144 : memref<64xi32, #tpu.memory_space<vmem>>) semaphore(%arg16 : memref<!tpu.dma_semaphore, #tpu.memory_space<semaphore_mem>>)
        } else {
        }
      }
      %scan3A_74 = arith.constant 10 : i32
    }
    %while3A_30 = arith.constant 1 : i32
    scf.for %while3A_37 = %while3A_28 to %while3A_24 step %while3A_30  : i32 {
      %mul3A_38 = arith.muli %while3A_37, %while3A : i32
      %add3A_39 = arith.addi %while3A_21, %mul3A_38 : i32
      %mul3A_40 = arith.constant 40 : i32
      %mul3A_41 = arith.muli %add3A_39, %mul3A_40 : i32
      %add3A_42 = arith.addi %select_n3A_14, %mul3A_41 : i32
      "tpu.region"() ({
        %run_scoped3A = tpu.sem_alloc : memref<!tpu.dma_semaphore, #tpu.memory_space<semaphore_mem>>
        %dma_start3A_75 = arith.constant 0 : i32
        %dma_start3A_76 = tpu.memref_slice %arg3[%add3A_42, %dma_start3A_75] : memref<5120x64xi32, #tpu.memory_space<hbm>> -> memref<40x64xi32, #tpu.memory_space<hbm>>
        %dma_start3A_77 = arith.constant 0 : i32
        %dma_start3A_78 = tpu.memref_slice %arg3[%add3A_42, %dma_start3A_77] : memref<5120x64xi32, #tpu.memory_space<hbm>> -> memref<40x64xi32, #tpu.memory_space<hbm>>
        tpu.enqueue_dma source(%dma_start3A_78 : memref<40x64xi32, #tpu.memory_space<hbm>>) target(%arg7 : memref<40x64xi32, #tpu.memory_space<vmem>>) target_semaphore(%run_scoped3A : memref<!tpu.dma_semaphore, #tpu.memory_space<semaphore_mem>>)
        %dma_wait3A = arith.constant 0 : i32
        %dma_wait3A_79 = tpu.memref_slice %arg3[%add3A_42, %dma_wait3A] : memref<5120x64xi32, #tpu.memory_space<hbm>> -> memref<40x64xi32, #tpu.memory_space<hbm>>
        %dma_wait3A_80 = arith.constant 0 : i32
        %dma_wait3A_81 = tpu.memref_slice %arg3[%add3A_42, %dma_wait3A_80] : memref<5120x64xi32, #tpu.memory_space<hbm>> -> memref<40x64xi32, #tpu.memory_space<hbm>>
        tpu.wait_dma2 semaphore(%run_scoped3A : memref<!tpu.dma_semaphore, #tpu.memory_space<semaphore_mem>>) src(%dma_wait3A_81 : memref<40x64xi32, #tpu.memory_space<hbm>>) dst(%arg7 : memref<40x64xi32, #tpu.memory_space<vmem>>)
        tpu.yield
      }) : () -> ()
      "tpu.region"() ({
        %run_scoped3A = tpu.sem_alloc : memref<!tpu.dma_semaphore, #tpu.memory_space<semaphore_mem>>
        %dma_start3A_75 = arith.constant 0 : i32
        %dma_start3A_76 = tpu.memref_slice %arg4[%add3A_42, %dma_start3A_75] : memref<5120x64xi32, #tpu.memory_space<hbm>> -> memref<40x64xi32, #tpu.memory_space<hbm>>
        %dma_start3A_77 = arith.constant 0 : i32
        %dma_start3A_78 = tpu.memref_slice %arg4[%add3A_42, %dma_start3A_77] : memref<5120x64xi32, #tpu.memory_space<hbm>> -> memref<40x64xi32, #tpu.memory_space<hbm>>
        tpu.enqueue_dma source(%dma_start3A_78 : memref<40x64xi32, #tpu.memory_space<hbm>>) target(%arg8 : memref<40x64xi32, #tpu.memory_space<vmem>>) target_semaphore(%run_scoped3A : memref<!tpu.dma_semaphore, #tpu.memory_space<semaphore_mem>>)
        %dma_wait3A = arith.constant 0 : i32
        %dma_wait3A_79 = tpu.memref_slice %arg4[%add3A_42, %dma_wait3A] : memref<5120x64xi32, #tpu.memory_space<hbm>> -> memref<40x64xi32, #tpu.memory_space<hbm>>
        %dma_wait3A_80 = arith.constant 0 : i32
        %dma_wait3A_81 = tpu.memref_slice %arg4[%add3A_42, %dma_wait3A_80] : memref<5120x64xi32, #tpu.memory_space<hbm>> -> memref<40x64xi32, #tpu.memory_space<hbm>>
        tpu.wait_dma2 semaphore(%run_scoped3A : memref<!tpu.dma_semaphore, #tpu.memory_space<semaphore_mem>>) src(%dma_wait3A_81 : memref<40x64xi32, #tpu.memory_space<hbm>>) dst(%arg8 : memref<40x64xi32, #tpu.memory_space<vmem>>)
        tpu.yield
      }) : () -> ()
      %dma_start3A = arith.constant 0 : i32
      %dma_start3A_43 = arith.constant 0 : i32
      %dma_start3A_44 = tpu.memref_slice %arg7[%dma_start3A, %dma_start3A_43] : memref<40x64xi32, #tpu.memory_space<vmem>> -> memref<1x64xi32, #tpu.memory_space<vmem>>
      %dma_start3A_45 = tpu.memref_squeeze %dma_start3A_44 : memref<1x64xi32, #tpu.memory_space<vmem>> -> memref<64xi32, #tpu.memory_space<vmem>>
      %dma_start3A_46 = arith.constant 0 : i32
      %dma_start3A_47 = arith.constant 0 : i32
      %dma_start3A_48 = tpu.memref_slice %arg2[%dma_start3A_46, %dma_start3A_47] : memref<10240x128xf32, #tpu.memory_space<hbm>> -> memref<10240x128xf32, #tpu.memory_space<hbm>>
      tpu.enqueue_indirect_dma source(%dma_start3A_48 : memref<10240x128xf32, #tpu.memory_space<hbm>>) target(%arg9 : memref<64x128xf32, #tpu.memory_space<vmem>>) offsets(%dma_start3A_45 : memref<64xi32, #tpu.memory_space<vmem>>) semaphore(%arg13 : memref<!tpu.dma_semaphore, #tpu.memory_space<semaphore_mem>>)
      %dma_start3A_49 = arith.constant 1 : i32
      %dma_start3A_50 = arith.constant 0 : i32
      %dma_start3A_51 = tpu.memref_slice %arg7[%dma_start3A_49, %dma_start3A_50] : memref<40x64xi32, #tpu.memory_space<vmem>> -> memref<1x64xi32, #tpu.memory_space<vmem>>
      %dma_start3A_52 = tpu.memref_squeeze %dma_start3A_51 : memref<1x64xi32, #tpu.memory_space<vmem>> -> memref<64xi32, #tpu.memory_space<vmem>>
      %dma_start3A_53 = arith.constant 0 : i32
      %dma_start3A_54 = arith.constant 0 : i32
      %dma_start3A_55 = tpu.memref_slice %arg2[%dma_start3A_53, %dma_start3A_54] : memref<10240x128xf32, #tpu.memory_space<hbm>> -> memref<10240x128xf32, #tpu.memory_space<hbm>>
      tpu.enqueue_indirect_dma source(%dma_start3A_55 : memref<10240x128xf32, #tpu.memory_space<hbm>>) target(%arg10 : memref<64x128xf32, #tpu.memory_space<vmem>>) offsets(%dma_start3A_52 : memref<64xi32, #tpu.memory_space<vmem>>) semaphore(%arg14 : memref<!tpu.dma_semaphore, #tpu.memory_space<semaphore_mem>>)
      %dma_start3A_56 = arith.constant 2 : i32
      %dma_start3A_57 = arith.constant 0 : i32
      %dma_start3A_58 = tpu.memref_slice %arg7[%dma_start3A_56, %dma_start3A_57] : memref<40x64xi32, #tpu.memory_space<vmem>> -> memref<1x64xi32, #tpu.memory_space<vmem>>
      %dma_start3A_59 = tpu.memref_squeeze %dma_start3A_58 : memref<1x64xi32, #tpu.memory_space<vmem>> -> memref<64xi32, #tpu.memory_space<vmem>>
      %dma_start3A_60 = arith.constant 0 : i32
      %dma_start3A_61 = arith.constant 0 : i32
      %dma_start3A_62 = tpu.memref_slice %arg2[%dma_start3A_60, %dma_start3A_61] : memref<10240x128xf32, #tpu.memory_space<hbm>> -> memref<10240x128xf32, #tpu.memory_space<hbm>>
      tpu.enqueue_indirect_dma source(%dma_start3A_62 : memref<10240x128xf32, #tpu.memory_space<hbm>>) target(%arg11 : memref<64x128xf32, #tpu.memory_space<vmem>>) offsets(%dma_start3A_59 : memref<64xi32, #tpu.memory_space<vmem>>) semaphore(%arg15 : memref<!tpu.dma_semaphore, #tpu.memory_space<semaphore_mem>>)
      %dma_start3A_63 = arith.constant 3 : i32
      %dma_start3A_64 = arith.constant 0 : i32
      %dma_start3A_65 = tpu.memref_slice %arg7[%dma_start3A_63, %dma_start3A_64] : memref<40x64xi32, #tpu.memory_space<vmem>> -> memref<1x64xi32, #tpu.memory_space<vmem>>
      %dma_start3A_66 = tpu.memref_squeeze %dma_start3A_65 : memref<1x64xi32, #tpu.memory_space<vmem>> -> memref<64xi32, #tpu.memory_space<vmem>>
      %dma_start3A_67 = arith.constant 0 : i32
      %dma_start3A_68 = arith.constant 0 : i32
      %dma_start3A_69 = tpu.memref_slice %arg2[%dma_start3A_67, %dma_start3A_68] : memref<10240x128xf32, #tpu.memory_space<hbm>> -> memref<10240x128xf32, #tpu.memory_space<hbm>>
      tpu.enqueue_indirect_dma source(%dma_start3A_69 : memref<10240x128xf32, #tpu.memory_space<hbm>>) target(%arg12 : memref<64x128xf32, #tpu.memory_space<vmem>>) offsets(%dma_start3A_66 : memref<64xi32, #tpu.memory_space<vmem>>) semaphore(%arg16 : memref<!tpu.dma_semaphore, #tpu.memory_space<semaphore_mem>>)
      %scan3A_70 = arith.constant 0 : i32
      %scan3A_71 = arith.constant 10 : i32
      %scan3A_72 = arith.addi %scan3A_70, %scan3A_71 : i32
      %scan3A_73 = arith.constant 1 : i32
      scf.for %scan3A_75 = %scan3A_70 to %scan3A_72 step %scan3A_73  : i32 {
        %mul3A_76 = arith.constant 1 : i32
        %mul3A_77 = arith.muli %scan3A_75, %mul3A_76 : i32
        %add3A_78 = arith.constant 0 : i32
        %add3A_79 = arith.addi %add3A_78, %mul3A_77 : i32
        %dma_wait3A = arith.constant 0 : i32
        %dma_wait3A_80 = arith.constant 0 : i32
        %dma_wait3A_81 = tpu.memref_slice %arg5[%dma_wait3A, %dma_wait3A_80] : memref<128x128xf32, #tpu.memory_space<hbm>> -> memref<64x128xf32, #tpu.memory_space<hbm>>
        %dma_wait3A_82 = arith.constant 0 : i32
        %dma_wait3A_83 = arith.constant 0 : i32
        %dma_wait3A_84 = tpu.memref_slice %arg5[%dma_wait3A_82, %dma_wait3A_83] : memref<128x128xf32, #tpu.memory_space<hbm>> -> memref<64x128xf32, #tpu.memory_space<hbm>>
        tpu.wait_dma2 semaphore(%arg13 : memref<!tpu.dma_semaphore, #tpu.memory_space<semaphore_mem>>) src(%dma_wait3A_84 : memref<64x128xf32, #tpu.memory_space<hbm>>) dst(%arg9 : memref<64x128xf32, #tpu.memory_space<vmem>>)
        %mul3A_85 = arith.constant 4 : i32
        %mul3A_86 = arith.muli %mul3A_85, %add3A_79 : i32
        %add3A_87 = arith.constant 0 : i32
        %add3A_88 = arith.addi %mul3A_86, %add3A_87 : i32
        "tpu.region"() ({
          %run_scoped3A = tpu.sem_alloc : memref<!tpu.dma_semaphore, #tpu.memory_space<semaphore_mem>>
          %dma_start3A_136 = arith.constant 0 : i32
          %dma_start3A_137 = tpu.memref_slice %arg8[%add3A_88, %dma_start3A_136] : memref<40x64xi32, #tpu.memory_space<vmem>> -> memref<1x64xi32, #tpu.memory_space<vmem>>
          %dma_start3A_138 = tpu.memref_squeeze %dma_start3A_137 : memref<1x64xi32, #tpu.memory_space<vmem>> -> memref<64xi32, #tpu.memory_space<vmem>>
          %dma_start3A_139 = arith.constant 0 : i32
          %dma_start3A_140 = arith.constant 0 : i32
          %dma_start3A_141 = tpu.memref_slice %arg17[%dma_start3A_139, %dma_start3A_140] : memref<10240x128xf32, #tpu.memory_space<vmem_shared>> -> memref<10240x128xf32, #tpu.memory_space<vmem_shared>>
          tpu.enqueue_indirect_dma source(%arg9 : memref<64x128xf32, #tpu.memory_space<vmem>>) target(%dma_start3A_141 : memref<10240x128xf32, #tpu.memory_space<vmem_shared>>) offsets(%dma_start3A_138 : memref<64xi32, #tpu.memory_space<vmem>>) semaphore(%run_scoped3A : memref<!tpu.dma_semaphore, #tpu.memory_space<semaphore_mem>>) {add = true}
          %dma_wait3A_142 = arith.constant 0 : i32
          %dma_wait3A_143 = tpu.memref_slice %arg8[%add3A_88, %dma_wait3A_142] : memref<40x64xi32, #tpu.memory_space<vmem>> -> memref<1x64xi32, #tpu.memory_space<vmem>>
          %dma_wait3A_144 = tpu.memref_squeeze %dma_wait3A_143 : memref<1x64xi32, #tpu.memory_space<vmem>> -> memref<64xi32, #tpu.memory_space<vmem>>
          %dma_wait3A_145 = arith.constant 0 : i32
          %dma_wait3A_146 = arith.constant 0 : i32
          %dma_wait3A_147 = tpu.memref_slice %arg17[%dma_wait3A_145, %dma_wait3A_146] : memref<10240x128xf32, #tpu.memory_space<vmem_shared>> -> memref<10240x128xf32, #tpu.memory_space<vmem_shared>>
          tpu.wait_indirect_dma semaphore(%run_scoped3A : memref<!tpu.dma_semaphore, #tpu.memory_space<semaphore_mem>>) src(%arg9 : memref<64x128xf32, #tpu.memory_space<vmem>>) dst(%dma_wait3A_147 : memref<10240x128xf32, #tpu.memory_space<vmem_shared>>)
          tpu.yield
        }) : () -> ()
        %lt3A = arith.constant 9 : i32
        %lt3A_89 = arith.cmpi slt, %add3A_79, %lt3A : i32
        %convert_element_type3A = arith.extui %lt3A_89 : i1 to i32
        %cond3A = arith.constant 0 : i32
        %cond3A_90 = arith.cmpi ne, %convert_element_type3A, %cond3A : i32
        scf.if %cond3A_90 {
          %add3A_136 = arith.constant 1 : i32
          %add3A_137 = arith.addi %add3A_79, %add3A_136 : i32
          %mul3A_138 = arith.constant 4 : i32
          %mul3A_139 = arith.muli %mul3A_138, %add3A_137 : i32
          %add3A_140 = arith.constant 0 : i32
          %add3A_141 = arith.addi %mul3A_139, %add3A_140 : i32
          %dma_start3A_142 = arith.constant 0 : i32
          %dma_start3A_143 = tpu.memref_slice %arg7[%add3A_141, %dma_start3A_142] : memref<40x64xi32, #tpu.memory_space<vmem>> -> memref<1x64xi32, #tpu.memory_space<vmem>>
          %dma_start3A_144 = tpu.memref_squeeze %dma_start3A_143 : memref<1x64xi32, #tpu.memory_space<vmem>> -> memref<64xi32, #tpu.memory_space<vmem>>
          %dma_start3A_145 = arith.constant 0 : i32
          %dma_start3A_146 = arith.constant 0 : i32
          %dma_start3A_147 = tpu.memref_slice %arg2[%dma_start3A_145, %dma_start3A_146] : memref<10240x128xf32, #tpu.memory_space<hbm>> -> memref<10240x128xf32, #tpu.memory_space<hbm>>
          tpu.enqueue_indirect_dma source(%dma_start3A_147 : memref<10240x128xf32, #tpu.memory_space<hbm>>) target(%arg9 : memref<64x128xf32, #tpu.memory_space<vmem>>) offsets(%dma_start3A_144 : memref<64xi32, #tpu.memory_space<vmem>>) semaphore(%arg13 : memref<!tpu.dma_semaphore, #tpu.memory_space<semaphore_mem>>)
        } else {
        }
        %dma_wait3A_91 = arith.constant 0 : i32
        %dma_wait3A_92 = arith.constant 0 : i32
        %dma_wait3A_93 = tpu.memref_slice %arg5[%dma_wait3A_91, %dma_wait3A_92] : memref<128x128xf32, #tpu.memory_space<hbm>> -> memref<64x128xf32, #tpu.memory_space<hbm>>
        %dma_wait3A_94 = arith.constant 0 : i32
        %dma_wait3A_95 = arith.constant 0 : i32
        %dma_wait3A_96 = tpu.memref_slice %arg5[%dma_wait3A_94, %dma_wait3A_95] : memref<128x128xf32, #tpu.memory_space<hbm>> -> memref<64x128xf32, #tpu.memory_space<hbm>>
        tpu.wait_dma2 semaphore(%arg14 : memref<!tpu.dma_semaphore, #tpu.memory_space<semaphore_mem>>) src(%dma_wait3A_96 : memref<64x128xf32, #tpu.memory_space<hbm>>) dst(%arg10 : memref<64x128xf32, #tpu.memory_space<vmem>>)
        %mul3A_97 = arith.constant 4 : i32
        %mul3A_98 = arith.muli %mul3A_97, %add3A_79 : i32
        %add3A_99 = arith.constant 1 : i32
        %add3A_100 = arith.addi %mul3A_98, %add3A_99 : i32
        "tpu.region"() ({
          %run_scoped3A = tpu.sem_alloc : memref<!tpu.dma_semaphore, #tpu.memory_space<semaphore_mem>>
          %dma_start3A_136 = arith.constant 0 : i32
          %dma_start3A_137 = tpu.memref_slice %arg8[%add3A_100, %dma_start3A_136] : memref<40x64xi32, #tpu.memory_space<vmem>> -> memref<1x64xi32, #tpu.memory_space<vmem>>
          %dma_start3A_138 = tpu.memref_squeeze %dma_start3A_137 : memref<1x64xi32, #tpu.memory_space<vmem>> -> memref<64xi32, #tpu.memory_space<vmem>>
          %dma_start3A_139 = arith.constant 0 : i32
          %dma_start3A_140 = arith.constant 0 : i32
          %dma_start3A_141 = tpu.memref_slice %arg17[%dma_start3A_139, %dma_start3A_140] : memref<10240x128xf32, #tpu.memory_space<vmem_shared>> -> memref<10240x128xf32, #tpu.memory_space<vmem_shared>>
          tpu.enqueue_indirect_dma source(%arg10 : memref<64x128xf32, #tpu.memory_space<vmem>>) target(%dma_start3A_141 : memref<10240x128xf32, #tpu.memory_space<vmem_shared>>) offsets(%dma_start3A_138 : memref<64xi32, #tpu.memory_space<vmem>>) semaphore(%run_scoped3A : memref<!tpu.dma_semaphore, #tpu.memory_space<semaphore_mem>>) {add = true}
          %dma_wait3A_142 = arith.constant 0 : i32
          %dma_wait3A_143 = tpu.memref_slice %arg8[%add3A_100, %dma_wait3A_142] : memref<40x64xi32, #tpu.memory_space<vmem>> -> memref<1x64xi32, #tpu.memory_space<vmem>>
          %dma_wait3A_144 = tpu.memref_squeeze %dma_wait3A_143 : memref<1x64xi32, #tpu.memory_space<vmem>> -> memref<64xi32, #tpu.memory_space<vmem>>
          %dma_wait3A_145 = arith.constant 0 : i32
          %dma_wait3A_146 = arith.constant 0 : i32
          %dma_wait3A_147 = tpu.memref_slice %arg17[%dma_wait3A_145, %dma_wait3A_146] : memref<10240x128xf32, #tpu.memory_space<vmem_shared>> -> memref<10240x128xf32, #tpu.memory_space<vmem_shared>>
          tpu.wait_indirect_dma semaphore(%run_scoped3A : memref<!tpu.dma_semaphore, #tpu.memory_space<semaphore_mem>>) src(%arg10 : memref<64x128xf32, #tpu.memory_space<vmem>>) dst(%dma_wait3A_147 : memref<10240x128xf32, #tpu.memory_space<vmem_shared>>)
          tpu.yield
        }) : () -> ()
        %lt3A_101 = arith.constant 9 : i32
        %lt3A_102 = arith.cmpi slt, %add3A_79, %lt3A_101 : i32
        %convert_element_type3A_103 = arith.extui %lt3A_102 : i1 to i32
        %cond3A_104 = arith.constant 0 : i32
        %cond3A_105 = arith.cmpi ne, %convert_element_type3A_103, %cond3A_104 : i32
        scf.if %cond3A_105 {
          %add3A_136 = arith.constant 1 : i32
          %add3A_137 = arith.addi %add3A_79, %add3A_136 : i32
          %mul3A_138 = arith.constant 4 : i32
          %mul3A_139 = arith.muli %mul3A_138, %add3A_137 : i32
          %add3A_140 = arith.constant 1 : i32
          %add3A_141 = arith.addi %mul3A_139, %add3A_140 : i32
          %dma_start3A_142 = arith.constant 0 : i32
          %dma_start3A_143 = tpu.memref_slice %arg7[%add3A_141, %dma_start3A_142] : memref<40x64xi32, #tpu.memory_space<vmem>> -> memref<1x64xi32, #tpu.memory_space<vmem>>
          %dma_start3A_144 = tpu.memref_squeeze %dma_start3A_143 : memref<1x64xi32, #tpu.memory_space<vmem>> -> memref<64xi32, #tpu.memory_space<vmem>>
          %dma_start3A_145 = arith.constant 0 : i32
          %dma_start3A_146 = arith.constant 0 : i32
          %dma_start3A_147 = tpu.memref_slice %arg2[%dma_start3A_145, %dma_start3A_146] : memref<10240x128xf32, #tpu.memory_space<hbm>> -> memref<10240x128xf32, #tpu.memory_space<hbm>>
          tpu.enqueue_indirect_dma source(%dma_start3A_147 : memref<10240x128xf32, #tpu.memory_space<hbm>>) target(%arg10 : memref<64x128xf32, #tpu.memory_space<vmem>>) offsets(%dma_start3A_144 : memref<64xi32, #tpu.memory_space<vmem>>) semaphore(%arg14 : memref<!tpu.dma_semaphore, #tpu.memory_space<semaphore_mem>>)
        } else {
        }
        %dma_wait3A_106 = arith.constant 0 : i32
        %dma_wait3A_107 = arith.constant 0 : i32
        %dma_wait3A_108 = tpu.memref_slice %arg5[%dma_wait3A_106, %dma_wait3A_107] : memref<128x128xf32, #tpu.memory_space<hbm>> -> memref<64x128xf32, #tpu.memory_space<hbm>>
        %dma_wait3A_109 = arith.constant 0 : i32
        %dma_wait3A_110 = arith.constant 0 : i32
        %dma_wait3A_111 = tpu.memref_slice %arg5[%dma_wait3A_109, %dma_wait3A_110] : memref<128x128xf32, #tpu.memory_space<hbm>> -> memref<64x128xf32, #tpu.memory_space<hbm>>
        tpu.wait_dma2 semaphore(%arg15 : memref<!tpu.dma_semaphore, #tpu.memory_space<semaphore_mem>>) src(%dma_wait3A_111 : memref<64x128xf32, #tpu.memory_space<hbm>>) dst(%arg11 : memref<64x128xf32, #tpu.memory_space<vmem>>)
        %mul3A_112 = arith.constant 4 : i32
        %mul3A_113 = arith.muli %mul3A_112, %add3A_79 : i32
        %add3A_114 = arith.constant 2 : i32
        %add3A_115 = arith.addi %mul3A_113, %add3A_114 : i32
        "tpu.region"() ({
          %run_scoped3A = tpu.sem_alloc : memref<!tpu.dma_semaphore, #tpu.memory_space<semaphore_mem>>
          %dma_start3A_136 = arith.constant 0 : i32
          %dma_start3A_137 = tpu.memref_slice %arg8[%add3A_115, %dma_start3A_136] : memref<40x64xi32, #tpu.memory_space<vmem>> -> memref<1x64xi32, #tpu.memory_space<vmem>>
          %dma_start3A_138 = tpu.memref_squeeze %dma_start3A_137 : memref<1x64xi32, #tpu.memory_space<vmem>> -> memref<64xi32, #tpu.memory_space<vmem>>
          %dma_start3A_139 = arith.constant 0 : i32
          %dma_start3A_140 = arith.constant 0 : i32
          %dma_start3A_141 = tpu.memref_slice %arg17[%dma_start3A_139, %dma_start3A_140] : memref<10240x128xf32, #tpu.memory_space<vmem_shared>> -> memref<10240x128xf32, #tpu.memory_space<vmem_shared>>
          tpu.enqueue_indirect_dma source(%arg11 : memref<64x128xf32, #tpu.memory_space<vmem>>) target(%dma_start3A_141 : memref<10240x128xf32, #tpu.memory_space<vmem_shared>>) offsets(%dma_start3A_138 : memref<64xi32, #tpu.memory_space<vmem>>) semaphore(%run_scoped3A : memref<!tpu.dma_semaphore, #tpu.memory_space<semaphore_mem>>) {add = true}
          %dma_wait3A_142 = arith.constant 0 : i32
          %dma_wait3A_143 = tpu.memref_slice %arg8[%add3A_115, %dma_wait3A_142] : memref<40x64xi32, #tpu.memory_space<vmem>> -> memref<1x64xi32, #tpu.memory_space<vmem>>
          %dma_wait3A_144 = tpu.memref_squeeze %dma_wait3A_143 : memref<1x64xi32, #tpu.memory_space<vmem>> -> memref<64xi32, #tpu.memory_space<vmem>>
          %dma_wait3A_145 = arith.constant 0 : i32
          %dma_wait3A_146 = arith.constant 0 : i32
          %dma_wait3A_147 = tpu.memref_slice %arg17[%dma_wait3A_145, %dma_wait3A_146] : memref<10240x128xf32, #tpu.memory_space<vmem_shared>> -> memref<10240x128xf32, #tpu.memory_space<vmem_shared>>
          tpu.wait_indirect_dma semaphore(%run_scoped3A : memref<!tpu.dma_semaphore, #tpu.memory_space<semaphore_mem>>) src(%arg11 : memref<64x128xf32, #tpu.memory_space<vmem>>) dst(%dma_wait3A_147 : memref<10240x128xf32, #tpu.memory_space<vmem_shared>>)
          tpu.yield
        }) : () -> ()
        %lt3A_116 = arith.constant 9 : i32
        %lt3A_117 = arith.cmpi slt, %add3A_79, %lt3A_116 : i32
        %convert_element_type3A_118 = arith.extui %lt3A_117 : i1 to i32
        %cond3A_119 = arith.constant 0 : i32
        %cond3A_120 = arith.cmpi ne, %convert_element_type3A_118, %cond3A_119 : i32
        scf.if %cond3A_120 {
          %add3A_136 = arith.constant 1 : i32
          %add3A_137 = arith.addi %add3A_79, %add3A_136 : i32
          %mul3A_138 = arith.constant 4 : i32
          %mul3A_139 = arith.muli %mul3A_138, %add3A_137 : i32
          %add3A_140 = arith.constant 2 : i32
          %add3A_141 = arith.addi %mul3A_139, %add3A_140 : i32
          %dma_start3A_142 = arith.constant 0 : i32
          %dma_start3A_143 = tpu.memref_slice %arg7[%add3A_141, %dma_start3A_142] : memref<40x64xi32, #tpu.memory_space<vmem>> -> memref<1x64xi32, #tpu.memory_space<vmem>>
          %dma_start3A_144 = tpu.memref_squeeze %dma_start3A_143 : memref<1x64xi32, #tpu.memory_space<vmem>> -> memref<64xi32, #tpu.memory_space<vmem>>
          %dma_start3A_145 = arith.constant 0 : i32
          %dma_start3A_146 = arith.constant 0 : i32
          %dma_start3A_147 = tpu.memref_slice %arg2[%dma_start3A_145, %dma_start3A_146] : memref<10240x128xf32, #tpu.memory_space<hbm>> -> memref<10240x128xf32, #tpu.memory_space<hbm>>
          tpu.enqueue_indirect_dma source(%dma_start3A_147 : memref<10240x128xf32, #tpu.memory_space<hbm>>) target(%arg11 : memref<64x128xf32, #tpu.memory_space<vmem>>) offsets(%dma_start3A_144 : memref<64xi32, #tpu.memory_space<vmem>>) semaphore(%arg15 : memref<!tpu.dma_semaphore, #tpu.memory_space<semaphore_mem>>)
        } else {
        }
        %dma_wait3A_121 = arith.constant 0 : i32
        %dma_wait3A_122 = arith.constant 0 : i32
        %dma_wait3A_123 = tpu.memref_slice %arg5[%dma_wait3A_121, %dma_wait3A_122] : memref<128x128xf32, #tpu.memory_space<hbm>> -> memref<64x128xf32, #tpu.memory_space<hbm>>
        %dma_wait3A_124 = arith.constant 0 : i32
        %dma_wait3A_125 = arith.constant 0 : i32
        %dma_wait3A_126 = tpu.memref_slice %arg5[%dma_wait3A_124, %dma_wait3A_125] : memref<128x128xf32, #tpu.memory_space<hbm>> -> memref<64x128xf32, #tpu.memory_space<hbm>>
        tpu.wait_dma2 semaphore(%arg16 : memref<!tpu.dma_semaphore, #tpu.memory_space<semaphore_mem>>) src(%dma_wait3A_126 : memref<64x128xf32, #tpu.memory_space<hbm>>) dst(%arg12 : memref<64x128xf32, #tpu.memory_space<vmem>>)
        %mul3A_127 = arith.constant 4 : i32
        %mul3A_128 = arith.muli %mul3A_127, %add3A_79 : i32
        %add3A_129 = arith.constant 3 : i32
        %add3A_130 = arith.addi %mul3A_128, %add3A_129 : i32
        "tpu.region"() ({
          %run_scoped3A = tpu.sem_alloc : memref<!tpu.dma_semaphore, #tpu.memory_space<semaphore_mem>>
          %dma_start3A_136 = arith.constant 0 : i32
          %dma_start3A_137 = tpu.memref_slice %arg8[%add3A_130, %dma_start3A_136] : memref<40x64xi32, #tpu.memory_space<vmem>> -> memref<1x64xi32, #tpu.memory_space<vmem>>
          %dma_start3A_138 = tpu.memref_squeeze %dma_start3A_137 : memref<1x64xi32, #tpu.memory_space<vmem>> -> memref<64xi32, #tpu.memory_space<vmem>>
          %dma_start3A_139 = arith.constant 0 : i32
          %dma_start3A_140 = arith.constant 0 : i32
          %dma_start3A_141 = tpu.memref_slice %arg17[%dma_start3A_139, %dma_start3A_140] : memref<10240x128xf32, #tpu.memory_space<vmem_shared>> -> memref<10240x128xf32, #tpu.memory_space<vmem_shared>>
          tpu.enqueue_indirect_dma source(%arg12 : memref<64x128xf32, #tpu.memory_space<vmem>>) target(%dma_start3A_141 : memref<10240x128xf32, #tpu.memory_space<vmem_shared>>) offsets(%dma_start3A_138 : memref<64xi32, #tpu.memory_space<vmem>>) semaphore(%run_scoped3A : memref<!tpu.dma_semaphore, #tpu.memory_space<semaphore_mem>>) {add = true}
          %dma_wait3A_142 = arith.constant 0 : i32
          %dma_wait3A_143 = tpu.memref_slice %arg8[%add3A_130, %dma_wait3A_142] : memref<40x64xi32, #tpu.memory_space<vmem>> -> memref<1x64xi32, #tpu.memory_space<vmem>>
          %dma_wait3A_144 = tpu.memref_squeeze %dma_wait3A_143 : memref<1x64xi32, #tpu.memory_space<vmem>> -> memref<64xi32, #tpu.memory_space<vmem>>
          %dma_wait3A_145 = arith.constant 0 : i32
          %dma_wait3A_146 = arith.constant 0 : i32
          %dma_wait3A_147 = tpu.memref_slice %arg17[%dma_wait3A_145, %dma_wait3A_146] : memref<10240x128xf32, #tpu.memory_space<vmem_shared>> -> memref<10240x128xf32, #tpu.memory_space<vmem_shared>>
          tpu.wait_indirect_dma semaphore(%run_scoped3A : memref<!tpu.dma_semaphore, #tpu.memory_space<semaphore_mem>>) src(%arg12 : memref<64x128xf32, #tpu.memory_space<vmem>>) dst(%dma_wait3A_147 : memref<10240x128xf32, #tpu.memory_space<vmem_shared>>)
          tpu.yield
        }) : () -> ()
        %lt3A_131 = arith.constant 9 : i32
        %lt3A_132 = arith.cmpi slt, %add3A_79, %lt3A_131 : i32
        %convert_element_type3A_133 = arith.extui %lt3A_132 : i1 to i32
        %cond3A_134 = arith.constant 0 : i32
        %cond3A_135 = arith.cmpi ne, %convert_element_type3A_133, %cond3A_134 : i32
        scf.if %cond3A_135 {
          %add3A_136 = arith.constant 1 : i32
          %add3A_137 = arith.addi %add3A_79, %add3A_136 : i32
          %mul3A_138 = arith.constant 4 : i32
          %mul3A_139 = arith.muli %mul3A_138, %add3A_137 : i32
          %add3A_140 = arith.constant 3 : i32
          %add3A_141 = arith.addi %mul3A_139, %add3A_140 : i32
          %dma_start3A_142 = arith.constant 0 : i32
          %dma_start3A_143 = tpu.memref_slice %arg7[%add3A_141, %dma_start3A_142] : memref<40x64xi32, #tpu.memory_space<vmem>> -> memref<1x64xi32, #tpu.memory_space<vmem>>
          %dma_start3A_144 = tpu.memref_squeeze %dma_start3A_143 : memref<1x64xi32, #tpu.memory_space<vmem>> -> memref<64xi32, #tpu.memory_space<vmem>>
          %dma_start3A_145 = arith.constant 0 : i32
          %dma_start3A_146 = arith.constant 0 : i32
          %dma_start3A_147 = tpu.memref_slice %arg2[%dma_start3A_145, %dma_start3A_146] : memref<10240x128xf32, #tpu.memory_space<hbm>> -> memref<10240x128xf32, #tpu.memory_space<hbm>>
          tpu.enqueue_indirect_dma source(%dma_start3A_147 : memref<10240x128xf32, #tpu.memory_space<hbm>>) target(%arg12 : memref<64x128xf32, #tpu.memory_space<vmem>>) offsets(%dma_start3A_144 : memref<64xi32, #tpu.memory_space<vmem>>) semaphore(%arg16 : memref<!tpu.dma_semaphore, #tpu.memory_space<semaphore_mem>>)
        } else {
        }
      }
      %scan3A_74 = arith.constant 10 : i32
    }
    %barrier3A_31 = arith.constant 0 : index
    tpu.barrier barrier_id(%barrier3A_31)
    %scan3A_32 = arith.constant 0 : i32
    %scan3A_33 = arith.constant 5 : i32
    %scan3A_34 = arith.addi %scan3A_32, %scan3A_33 : i32
    %scan3A_35 = arith.constant 1 : i32
    scf.for %scan3A_37 = %scan3A_32 to %scan3A_34 step %scan3A_35  : i32 {
      %mul3A_38 = arith.constant 1 : i32
      %mul3A_39 = arith.muli %scan3A_37, %mul3A_38 : i32
      %add3A_40 = arith.constant 0 : i32
      %add3A_41 = arith.addi %add3A_40, %mul3A_39 : i32
      %mul3A_42 = arith.constant 128 : i32
      %mul3A_43 = arith.muli %add3A_41, %mul3A_42 : i32
      %add3A_44 = arith.addi %mul3A_0, %mul3A_43 : i32
      %mul3A_45 = arith.constant 10240 : i32
      %mul3A_46 = arith.muli %arg0, %mul3A_45 : i32
      %add3A_47 = arith.addi %mul3A_46, %add3A_44 : i32
      "tpu.region"() ({
        %run_scoped3A = tpu.sem_alloc : memref<!tpu.dma_semaphore, #tpu.memory_space<semaphore_mem>>
        %dma_start3A = arith.constant 0 : i32
        %dma_start3A_48 = tpu.memref_slice %arg6[%add3A_47, %dma_start3A] : memref<20480x128xf32, #tpu.memory_space<hbm>> -> memref<128x128xf32, #tpu.memory_space<hbm>>
        %dma_start3A_49 = arith.constant 0 : i32
        %dma_start3A_50 = tpu.memref_slice %arg17[%add3A_44, %dma_start3A_49] : memref<10240x128xf32, #tpu.memory_space<vmem_shared>> -> memref<128x128xf32, #tpu.memory_space<vmem_shared>>
        tpu.enqueue_dma source(%dma_start3A_50 : memref<128x128xf32, #tpu.memory_space<vmem_shared>>) target(%dma_start3A_48 : memref<128x128xf32, #tpu.memory_space<hbm>>) target_semaphore(%run_scoped3A : memref<!tpu.dma_semaphore, #tpu.memory_space<semaphore_mem>>)
        %dma_wait3A = arith.constant 0 : i32
        %dma_wait3A_51 = tpu.memref_slice %arg6[%add3A_47, %dma_wait3A] : memref<20480x128xf32, #tpu.memory_space<hbm>> -> memref<128x128xf32, #tpu.memory_space<hbm>>
        %dma_wait3A_52 = arith.constant 0 : i32
        %dma_wait3A_53 = tpu.memref_slice %arg17[%add3A_44, %dma_wait3A_52] : memref<10240x128xf32, #tpu.memory_space<vmem_shared>> -> memref<128x128xf32, #tpu.memory_space<vmem_shared>>
        tpu.wait_dma2 semaphore(%run_scoped3A : memref<!tpu.dma_semaphore, #tpu.memory_space<semaphore_mem>>) src(%dma_wait3A_53 : memref<128x128xf32, #tpu.memory_space<vmem_shared>>) dst(%dma_wait3A_51 : memref<128x128xf32, #tpu.memory_space<hbm>>)
        tpu.yield
      }) : () -> ()
    }
    %scan3A_36 = arith.constant 5 : i32
    return
  }
}

#map = affine_map<(d0, d1) -> (0, 0)>
module attributes {stable_mosaic.version = 14 : i64} {
  func.func @run(%arg0: i32, %arg1: i32, %arg2: memref<10240x128xf32, #tpu.memory_space<hbm>>, %arg3: memref<5120x64xi32, #tpu.memory_space<hbm>>, %arg4: memref<5120x64xi32, #tpu.memory_space<hbm>>, %arg5: memref<128x128xf32, #tpu.memory_space<hbm>>, %arg6: memref<20480x128xf32, #tpu.memory_space<hbm>>, %arg7: memref<40x64xi32, #tpu.memory_space<vmem>>, %arg8: memref<40x64xi32, #tpu.memory_space<vmem>>, %arg9: memref<64x128xf32, #tpu.memory_space<vmem>>, %arg10: memref<64x128xf32, #tpu.memory_space<vmem>>, %arg11: memref<64x128xf32, #tpu.memory_space<vmem>>, %arg12: memref<64x128xf32, #tpu.memory_space<vmem>>, %arg13: memref<!tpu.dma_semaphore, #tpu.memory_space<semaphore_mem>>, %arg14: memref<!tpu.dma_semaphore, #tpu.memory_space<semaphore_mem>>, %arg15: memref<!tpu.dma_semaphore, #tpu.memory_space<semaphore_mem>>, %arg16: memref<!tpu.dma_semaphore, #tpu.memory_space<semaphore_mem>>, %arg17: memref<10240x128xf32, #tpu.memory_space<vmem_shared>>) attributes {dimension_semantics = [#tpu.dimension_semantics<core_parallel>, #tpu.dimension_semantics<subcore_parallel>], iteration_bounds = array<i64: 2, 16>, scalar_prefetch = 0 : i64, scratch_operands = 11 : i64, tpu.core_type = #tpu.core_type<sc_vector_subcore>, window_params = [{transform_indices = #map}, {transform_indices = #map}, {transform_indices = #map}, {transform_indices = #map}, {transform_indices = #map}]} {
    %mul3A = arith.constant 640 : i32
    %mul3A_0 = arith.muli %arg1, %mul3A : i32
    %scan3A = arith.constant 0 : i32
    %scan3A_1 = arith.constant 5 : i32
    %scan3A_2 = arith.addi %scan3A, %scan3A_1 : i32
    %scan3A_3 = arith.constant 1 : i32
    scf.for %scan3A_37 = %scan3A to %scan3A_2 step %scan3A_3  : i32 {
      %mul3A_38 = arith.constant 1 : i32
      %mul3A_39 = arith.muli %scan3A_37, %mul3A_38 : i32
      %add3A_40 = arith.constant 0 : i32
      %add3A_41 = arith.addi %add3A_40, %mul3A_39 : i32
      %mul3A_42 = arith.constant 128 : i32
      %mul3A_43 = arith.muli %add3A_41, %mul3A_42 : i32
      %add3A_44 = arith.addi %mul3A_0, %mul3A_43 : i32
      "tpu.region"() ({
        %run_scoped3A = tpu.sem_alloc : memref<!tpu.dma_semaphore, #tpu.memory_space<semaphore_mem>>
        %dma_start3A = arith.constant 0 : i32
        %dma_start3A_45 = tpu.memref_slice %arg17[%add3A_44, %dma_start3A] : memref<10240x128xf32, #tpu.memory_space<vmem_shared>> -> memref<128x128xf32, #tpu.memory_space<vmem_shared>>
        tpu.enqueue_dma source(%arg5 : memref<128x128xf32, #tpu.memory_space<hbm>>) target(%dma_start3A_45 : memref<128x128xf32, #tpu.memory_space<vmem_shared>>) target_semaphore(%run_scoped3A : memref<!tpu.dma_semaphore, #tpu.memory_space<semaphore_mem>>)
        %dma_wait3A = arith.constant 0 : i32
        %dma_wait3A_46 = tpu.memref_slice %arg17[%add3A_44, %dma_wait3A] : memref<10240x128xf32, #tpu.memory_space<vmem_shared>> -> memref<128x128xf32, #tpu.memory_space<vmem_shared>>
        tpu.wait_dma2 semaphore(%run_scoped3A : memref<!tpu.dma_semaphore, #tpu.memory_space<semaphore_mem>>) src(%arg5 : memref<128x128xf32, #tpu.memory_space<hbm>>) dst(%dma_wait3A_46 : memref<128x128xf32, #tpu.memory_space<vmem_shared>>)
        tpu.yield
      }) : () -> ()
    }
    %scan3A_4 = arith.constant 5 : i32
    %barrier3A = arith.constant 0 : index
    tpu.barrier barrier_id(%barrier3A)
    %eq3A = arith.constant 0 : i32
    %eq3A_5 = arith.cmpi eq, %arg0, %eq3A : i32
    %jit3A = arith.constant 6 : i32
    %jit3A_6 = arith.constant 2 : i32
    %select_n3A = arith.select %eq3A_5, %jit3A, %jit3A_6 : i32
    %eq3A_7 = arith.constant 0 : i32
    %eq3A_8 = arith.cmpi eq, %arg0, %eq3A_7 : i32
    %mul3A_9 = arith.constant 240 : i32
    %mul3A_10 = arith.muli %arg1, %mul3A_9 : i32
    %mul3A_11 = arith.constant 80 : i32
    %mul3A_12 = arith.muli %arg1, %mul3A_11 : i32
    %add3A = arith.constant 3840 : i32
    %add3A_13 = arith.addi %add3A, %mul3A_12 : i32
    %select_n3A_14 = arith.select %eq3A_8, %mul3A_10, %add3A_13 : i32
    %sub3A = arith.constant 0 : i32
    %sub3A_15 = arith.subi %select_n3A, %sub3A : i32
    %sub3A_16 = arith.constant 1 : i32
    %sub3A_17 = arith.constant 1 : i32
    %sub3A_18 = arith.subi %sub3A_16, %sub3A_17 : i32
    %add3A_19 = arith.addi %sub3A_15, %sub3A_18 : i32
    %div3A = arith.constant 1 : i32
    %div3A_20 = arith.divsi %add3A_19, %div3A : i32
    %while3A = arith.constant 1 : i32
    %while3A_21 = arith.constant 0 : i32
    %while3A_22 = arith.constant 0 : i32
    %while3A_23 = arith.subi %div3A_20, %while3A_22 : i32
    %while3A_24 = arith.addi %while3A_22, %while3A_23 : i32
    %while3A_25 = arith.constant 1 : i32
    %while3A_26 = arith.divsi %while3A_23, %while3A_25 : i32
    %while3A_27 = arith.muli %while3A_26, %while3A_25 : i32
    %while3A_28 = arith.addi %while3A_22, %while3A_27 : i32
    %while3A_29 = arith.constant 1 : i32
    scf.for %while3A_37 = %while3A_22 to %while3A_28 step %while3A_29  : i32 {
      %mul3A_38 = arith.muli %while3A_37, %while3A : i32
      %add3A_39 = arith.addi %while3A_21, %mul3A_38 : i32
      %mul3A_40 = arith.constant 40 : i32
      %mul3A_41 = arith.muli %add3A_39, %mul3A_40 : i32
      %add3A_42 = arith.addi %select_n3A_14, %mul3A_41 : i32
      "tpu.region"() ({
        %run_scoped3A = tpu.sem_alloc : memref<!tpu.dma_semaphore, #tpu.memory_space<semaphore_mem>>
        %dma_start3A_75 = arith.constant 0 : i32
        %dma_start3A_76 = tpu.memref_slice %arg3[%add3A_42, %dma_start3A_75] : memref<5120x64xi32, #tpu.memory_space<hbm>> -> memref<40x64xi32, #tpu.memory_space<hbm>>
        %dma_start3A_77 = arith.constant 0 : i32
        %dma_start3A_78 = tpu.memref_slice %arg3[%add3A_42, %dma_start3A_77] : memref<5120x64xi32, #tpu.memory_space<hbm>> -> memref<40x64xi32, #tpu.memory_space<hbm>>
        tpu.enqueue_dma source(%dma_start3A_78 : memref<40x64xi32, #tpu.memory_space<hbm>>) target(%arg7 : memref<40x64xi32, #tpu.memory_space<vmem>>) target_semaphore(%run_scoped3A : memref<!tpu.dma_semaphore, #tpu.memory_space<semaphore_mem>>)
        %dma_wait3A = arith.constant 0 : i32
        %dma_wait3A_79 = tpu.memref_slice %arg3[%add3A_42, %dma_wait3A] : memref<5120x64xi32, #tpu.memory_space<hbm>> -> memref<40x64xi32, #tpu.memory_space<hbm>>
        %dma_wait3A_80 = arith.constant 0 : i32
        %dma_wait3A_81 = tpu.memref_slice %arg3[%add3A_42, %dma_wait3A_80] : memref<5120x64xi32, #tpu.memory_space<hbm>> -> memref<40x64xi32, #tpu.memory_space<hbm>>
        tpu.wait_dma2 semaphore(%run_scoped3A : memref<!tpu.dma_semaphore, #tpu.memory_space<semaphore_mem>>) src(%dma_wait3A_81 : memref<40x64xi32, #tpu.memory_space<hbm>>) dst(%arg7 : memref<40x64xi32, #tpu.memory_space<vmem>>)
        tpu.yield
      }) : () -> ()
      "tpu.region"() ({
        %run_scoped3A = tpu.sem_alloc : memref<!tpu.dma_semaphore, #tpu.memory_space<semaphore_mem>>
        %dma_start3A_75 = arith.constant 0 : i32
        %dma_start3A_76 = tpu.memref_slice %arg4[%add3A_42, %dma_start3A_75] : memref<5120x64xi32, #tpu.memory_space<hbm>> -> memref<40x64xi32, #tpu.memory_space<hbm>>
        %dma_start3A_77 = arith.constant 0 : i32
        %dma_start3A_78 = tpu.memref_slice %arg4[%add3A_42, %dma_start3A_77] : memref<5120x64xi32, #tpu.memory_space<hbm>> -> memref<40x64xi32, #tpu.memory_space<hbm>>
        tpu.enqueue_dma source(%dma_start3A_78 : memref<40x64xi32, #tpu.memory_space<hbm>>) target(%arg8 : memref<40x64xi32, #tpu.memory_space<vmem>>) target_semaphore(%run_scoped3A : memref<!tpu.dma_semaphore, #tpu.memory_space<semaphore_mem>>)
        %dma_wait3A = arith.constant 0 : i32
        %dma_wait3A_79 = tpu.memref_slice %arg4[%add3A_42, %dma_wait3A] : memref<5120x64xi32, #tpu.memory_space<hbm>> -> memref<40x64xi32, #tpu.memory_space<hbm>>
        %dma_wait3A_80 = arith.constant 0 : i32
        %dma_wait3A_81 = tpu.memref_slice %arg4[%add3A_42, %dma_wait3A_80] : memref<5120x64xi32, #tpu.memory_space<hbm>> -> memref<40x64xi32, #tpu.memory_space<hbm>>
        tpu.wait_dma2 semaphore(%run_scoped3A : memref<!tpu.dma_semaphore, #tpu.memory_space<semaphore_mem>>) src(%dma_wait3A_81 : memref<40x64xi32, #tpu.memory_space<hbm>>) dst(%arg8 : memref<40x64xi32, #tpu.memory_space<vmem>>)
        tpu.yield
      }) : () -> ()
      %dma_start3A = arith.constant 0 : i32
      %dma_start3A_43 = arith.constant 0 : i32
      %dma_start3A_44 = tpu.memref_slice %arg7[%dma_start3A, %dma_start3A_43] : memref<40x64xi32, #tpu.memory_space<vmem>> -> memref<1x64xi32, #tpu.memory_space<vmem>>
      %dma_start3A_45 = tpu.memref_squeeze %dma_start3A_44 : memref<1x64xi32, #tpu.memory_space<vmem>> -> memref<64xi32, #tpu.memory_space<vmem>>
      %dma_start3A_46 = arith.constant 0 : i32
      %dma_start3A_47 = arith.constant 0 : i32
      %dma_start3A_48 = tpu.memref_slice %arg2[%dma_start3A_46, %dma_start3A_47] : memref<10240x128xf32, #tpu.memory_space<hbm>> -> memref<10240x128xf32, #tpu.memory_space<hbm>>
      tpu.enqueue_indirect_dma source(%dma_start3A_48 : memref<10240x128xf32, #tpu.memory_space<hbm>>) target(%arg9 : memref<64x128xf32, #tpu.memory_space<vmem>>) offsets(%dma_start3A_45 : memref<64xi32, #tpu.memory_space<vmem>>) semaphore(%arg13 : memref<!tpu.dma_semaphore, #tpu.memory_space<semaphore_mem>>)
      %dma_start3A_49 = arith.constant 1 : i32
      %dma_start3A_50 = arith.constant 0 : i32
      %dma_start3A_51 = tpu.memref_slice %arg7[%dma_start3A_49, %dma_start3A_50] : memref<40x64xi32, #tpu.memory_space<vmem>> -> memref<1x64xi32, #tpu.memory_space<vmem>>
      %dma_start3A_52 = tpu.memref_squeeze %dma_start3A_51 : memref<1x64xi32, #tpu.memory_space<vmem>> -> memref<64xi32, #tpu.memory_space<vmem>>
      %dma_start3A_53 = arith.constant 0 : i32
      %dma_start3A_54 = arith.constant 0 : i32
      %dma_start3A_55 = tpu.memref_slice %arg2[%dma_start3A_53, %dma_start3A_54] : memref<10240x128xf32, #tpu.memory_space<hbm>> -> memref<10240x128xf32, #tpu.memory_space<hbm>>
      tpu.enqueue_indirect_dma source(%dma_start3A_55 : memref<10240x128xf32, #tpu.memory_space<hbm>>) target(%arg10 : memref<64x128xf32, #tpu.memory_space<vmem>>) offsets(%dma_start3A_52 : memref<64xi32, #tpu.memory_space<vmem>>) semaphore(%arg14 : memref<!tpu.dma_semaphore, #tpu.memory_space<semaphore_mem>>)
      %dma_start3A_56 = arith.constant 2 : i32
      %dma_start3A_57 = arith.constant 0 : i32
      %dma_start3A_58 = tpu.memref_slice %arg7[%dma_start3A_56, %dma_start3A_57] : memref<40x64xi32, #tpu.memory_space<vmem>> -> memref<1x64xi32, #tpu.memory_space<vmem>>
      %dma_start3A_59 = tpu.memref_squeeze %dma_start3A_58 : memref<1x64xi32, #tpu.memory_space<vmem>> -> memref<64xi32, #tpu.memory_space<vmem>>
      %dma_start3A_60 = arith.constant 0 : i32
      %dma_start3A_61 = arith.constant 0 : i32
      %dma_start3A_62 = tpu.memref_slice %arg2[%dma_start3A_60, %dma_start3A_61] : memref<10240x128xf32, #tpu.memory_space<hbm>> -> memref<10240x128xf32, #tpu.memory_space<hbm>>
      tpu.enqueue_indirect_dma source(%dma_start3A_62 : memref<10240x128xf32, #tpu.memory_space<hbm>>) target(%arg11 : memref<64x128xf32, #tpu.memory_space<vmem>>) offsets(%dma_start3A_59 : memref<64xi32, #tpu.memory_space<vmem>>) semaphore(%arg15 : memref<!tpu.dma_semaphore, #tpu.memory_space<semaphore_mem>>)
      %dma_start3A_63 = arith.constant 3 : i32
      %dma_start3A_64 = arith.constant 0 : i32
      %dma_start3A_65 = tpu.memref_slice %arg7[%dma_start3A_63, %dma_start3A_64] : memref<40x64xi32, #tpu.memory_space<vmem>> -> memref<1x64xi32, #tpu.memory_space<vmem>>
      %dma_start3A_66 = tpu.memref_squeeze %dma_start3A_65 : memref<1x64xi32, #tpu.memory_space<vmem>> -> memref<64xi32, #tpu.memory_space<vmem>>
      %dma_start3A_67 = arith.constant 0 : i32
      %dma_start3A_68 = arith.constant 0 : i32
      %dma_start3A_69 = tpu.memref_slice %arg2[%dma_start3A_67, %dma_start3A_68] : memref<10240x128xf32, #tpu.memory_space<hbm>> -> memref<10240x128xf32, #tpu.memory_space<hbm>>
      tpu.enqueue_indirect_dma source(%dma_start3A_69 : memref<10240x128xf32, #tpu.memory_space<hbm>>) target(%arg12 : memref<64x128xf32, #tpu.memory_space<vmem>>) offsets(%dma_start3A_66 : memref<64xi32, #tpu.memory_space<vmem>>) semaphore(%arg16 : memref<!tpu.dma_semaphore, #tpu.memory_space<semaphore_mem>>)
      %scan3A_70 = arith.constant 0 : i32
      %scan3A_71 = arith.constant 10 : i32
      %scan3A_72 = arith.addi %scan3A_70, %scan3A_71 : i32
      %scan3A_73 = arith.constant 1 : i32
      scf.for %scan3A_75 = %scan3A_70 to %scan3A_72 step %scan3A_73  : i32 {
        %mul3A_76 = arith.constant 1 : i32
        %mul3A_77 = arith.muli %scan3A_75, %mul3A_76 : i32
        %add3A_78 = arith.constant 0 : i32
        %add3A_79 = arith.addi %add3A_78, %mul3A_77 : i32
        %dma_wait3A = arith.constant 0 : i32
        %dma_wait3A_80 = arith.constant 0 : i32
        %dma_wait3A_81 = tpu.memref_slice %arg5[%dma_wait3A, %dma_wait3A_80] : memref<128x128xf32, #tpu.memory_space<hbm>> -> memref<64x128xf32, #tpu.memory_space<hbm>>
        %dma_wait3A_82 = arith.constant 0 : i32
        %dma_wait3A_83 = arith.constant 0 : i32
        %dma_wait3A_84 = tpu.memref_slice %arg5[%dma_wait3A_82, %dma_wait3A_83] : memref<128x128xf32, #tpu.memory_space<hbm>> -> memref<64x128xf32, #tpu.memory_space<hbm>>
        tpu.wait_dma2 semaphore(%arg13 : memref<!tpu.dma_semaphore, #tpu.memory_space<semaphore_mem>>) src(%dma_wait3A_84 : memref<64x128xf32, #tpu.memory_space<hbm>>) dst(%arg9 : memref<64x128xf32, #tpu.memory_space<vmem>>)
        %mul3A_85 = arith.constant 4 : i32
        %mul3A_86 = arith.muli %mul3A_85, %add3A_79 : i32
        %add3A_87 = arith.constant 0 : i32
        %add3A_88 = arith.addi %mul3A_86, %add3A_87 : i32
        "tpu.region"() ({
          %run_scoped3A = tpu.sem_alloc : memref<!tpu.dma_semaphore, #tpu.memory_space<semaphore_mem>>
          %dma_start3A_136 = arith.constant 0 : i32
          %dma_start3A_137 = tpu.memref_slice %arg8[%add3A_88, %dma_start3A_136] : memref<40x64xi32, #tpu.memory_space<vmem>> -> memref<1x64xi32, #tpu.memory_space<vmem>>
          %dma_start3A_138 = tpu.memref_squeeze %dma_start3A_137 : memref<1x64xi32, #tpu.memory_space<vmem>> -> memref<64xi32, #tpu.memory_space<vmem>>
          %dma_start3A_139 = arith.constant 0 : i32
          %dma_start3A_140 = arith.constant 0 : i32
          %dma_start3A_141 = tpu.memref_slice %arg17[%dma_start3A_139, %dma_start3A_140] : memref<10240x128xf32, #tpu.memory_space<vmem_shared>> -> memref<10240x128xf32, #tpu.memory_space<vmem_shared>>
          tpu.enqueue_indirect_dma source(%arg9 : memref<64x128xf32, #tpu.memory_space<vmem>>) target(%dma_start3A_141 : memref<10240x128xf32, #tpu.memory_space<vmem_shared>>) offsets(%dma_start3A_138 : memref<64xi32, #tpu.memory_space<vmem>>) semaphore(%run_scoped3A : memref<!tpu.dma_semaphore, #tpu.memory_space<semaphore_mem>>) {add = true}
          %dma_wait3A_142 = arith.constant 0 : i32
          %dma_wait3A_143 = tpu.memref_slice %arg8[%add3A_88, %dma_wait3A_142] : memref<40x64xi32, #tpu.memory_space<vmem>> -> memref<1x64xi32, #tpu.memory_space<vmem>>
          %dma_wait3A_144 = tpu.memref_squeeze %dma_wait3A_143 : memref<1x64xi32, #tpu.memory_space<vmem>> -> memref<64xi32, #tpu.memory_space<vmem>>
          %dma_wait3A_145 = arith.constant 0 : i32
          %dma_wait3A_146 = arith.constant 0 : i32
          %dma_wait3A_147 = tpu.memref_slice %arg17[%dma_wait3A_145, %dma_wait3A_146] : memref<10240x128xf32, #tpu.memory_space<vmem_shared>> -> memref<10240x128xf32, #tpu.memory_space<vmem_shared>>
          tpu.wait_indirect_dma semaphore(%run_scoped3A : memref<!tpu.dma_semaphore, #tpu.memory_space<semaphore_mem>>) src(%arg9 : memref<64x128xf32, #tpu.memory_space<vmem>>) dst(%dma_wait3A_147 : memref<10240x128xf32, #tpu.memory_space<vmem_shared>>)
          tpu.yield
        }) : () -> ()
        %lt3A = arith.constant 9 : i32
        %lt3A_89 = arith.cmpi slt, %add3A_79, %lt3A : i32
        %convert_element_type3A = arith.extui %lt3A_89 : i1 to i32
        %cond3A = arith.constant 0 : i32
        %cond3A_90 = arith.cmpi ne, %convert_element_type3A, %cond3A : i32
        scf.if %cond3A_90 {
          %add3A_136 = arith.constant 1 : i32
          %add3A_137 = arith.addi %add3A_79, %add3A_136 : i32
          %mul3A_138 = arith.constant 4 : i32
          %mul3A_139 = arith.muli %mul3A_138, %add3A_137 : i32
          %add3A_140 = arith.constant 0 : i32
          %add3A_141 = arith.addi %mul3A_139, %add3A_140 : i32
          %dma_start3A_142 = arith.constant 0 : i32
          %dma_start3A_143 = tpu.memref_slice %arg7[%add3A_141, %dma_start3A_142] : memref<40x64xi32, #tpu.memory_space<vmem>> -> memref<1x64xi32, #tpu.memory_space<vmem>>
          %dma_start3A_144 = tpu.memref_squeeze %dma_start3A_143 : memref<1x64xi32, #tpu.memory_space<vmem>> -> memref<64xi32, #tpu.memory_space<vmem>>
          %dma_start3A_145 = arith.constant 0 : i32
          %dma_start3A_146 = arith.constant 0 : i32
          %dma_start3A_147 = tpu.memref_slice %arg2[%dma_start3A_145, %dma_start3A_146] : memref<10240x128xf32, #tpu.memory_space<hbm>> -> memref<10240x128xf32, #tpu.memory_space<hbm>>
          tpu.enqueue_indirect_dma source(%dma_start3A_147 : memref<10240x128xf32, #tpu.memory_space<hbm>>) target(%arg9 : memref<64x128xf32, #tpu.memory_space<vmem>>) offsets(%dma_start3A_144 : memref<64xi32, #tpu.memory_space<vmem>>) semaphore(%arg13 : memref<!tpu.dma_semaphore, #tpu.memory_space<semaphore_mem>>)
        } else {
        }
        %dma_wait3A_91 = arith.constant 0 : i32
        %dma_wait3A_92 = arith.constant 0 : i32
        %dma_wait3A_93 = tpu.memref_slice %arg5[%dma_wait3A_91, %dma_wait3A_92] : memref<128x128xf32, #tpu.memory_space<hbm>> -> memref<64x128xf32, #tpu.memory_space<hbm>>
        %dma_wait3A_94 = arith.constant 0 : i32
        %dma_wait3A_95 = arith.constant 0 : i32
        %dma_wait3A_96 = tpu.memref_slice %arg5[%dma_wait3A_94, %dma_wait3A_95] : memref<128x128xf32, #tpu.memory_space<hbm>> -> memref<64x128xf32, #tpu.memory_space<hbm>>
        tpu.wait_dma2 semaphore(%arg14 : memref<!tpu.dma_semaphore, #tpu.memory_space<semaphore_mem>>) src(%dma_wait3A_96 : memref<64x128xf32, #tpu.memory_space<hbm>>) dst(%arg10 : memref<64x128xf32, #tpu.memory_space<vmem>>)
        %mul3A_97 = arith.constant 4 : i32
        %mul3A_98 = arith.muli %mul3A_97, %add3A_79 : i32
        %add3A_99 = arith.constant 1 : i32
        %add3A_100 = arith.addi %mul3A_98, %add3A_99 : i32
        "tpu.region"() ({
          %run_scoped3A = tpu.sem_alloc : memref<!tpu.dma_semaphore, #tpu.memory_space<semaphore_mem>>
          %dma_start3A_136 = arith.constant 0 : i32
          %dma_start3A_137 = tpu.memref_slice %arg8[%add3A_100, %dma_start3A_136] : memref<40x64xi32, #tpu.memory_space<vmem>> -> memref<1x64xi32, #tpu.memory_space<vmem>>
          %dma_start3A_138 = tpu.memref_squeeze %dma_start3A_137 : memref<1x64xi32, #tpu.memory_space<vmem>> -> memref<64xi32, #tpu.memory_space<vmem>>
          %dma_start3A_139 = arith.constant 0 : i32
          %dma_start3A_140 = arith.constant 0 : i32
          %dma_start3A_141 = tpu.memref_slice %arg17[%dma_start3A_139, %dma_start3A_140] : memref<10240x128xf32, #tpu.memory_space<vmem_shared>> -> memref<10240x128xf32, #tpu.memory_space<vmem_shared>>
          tpu.enqueue_indirect_dma source(%arg10 : memref<64x128xf32, #tpu.memory_space<vmem>>) target(%dma_start3A_141 : memref<10240x128xf32, #tpu.memory_space<vmem_shared>>) offsets(%dma_start3A_138 : memref<64xi32, #tpu.memory_space<vmem>>) semaphore(%run_scoped3A : memref<!tpu.dma_semaphore, #tpu.memory_space<semaphore_mem>>) {add = true}
          %dma_wait3A_142 = arith.constant 0 : i32
          %dma_wait3A_143 = tpu.memref_slice %arg8[%add3A_100, %dma_wait3A_142] : memref<40x64xi32, #tpu.memory_space<vmem>> -> memref<1x64xi32, #tpu.memory_space<vmem>>
          %dma_wait3A_144 = tpu.memref_squeeze %dma_wait3A_143 : memref<1x64xi32, #tpu.memory_space<vmem>> -> memref<64xi32, #tpu.memory_space<vmem>>
          %dma_wait3A_145 = arith.constant 0 : i32
          %dma_wait3A_146 = arith.constant 0 : i32
          %dma_wait3A_147 = tpu.memref_slice %arg17[%dma_wait3A_145, %dma_wait3A_146] : memref<10240x128xf32, #tpu.memory_space<vmem_shared>> -> memref<10240x128xf32, #tpu.memory_space<vmem_shared>>
          tpu.wait_indirect_dma semaphore(%run_scoped3A : memref<!tpu.dma_semaphore, #tpu.memory_space<semaphore_mem>>) src(%arg10 : memref<64x128xf32, #tpu.memory_space<vmem>>) dst(%dma_wait3A_147 : memref<10240x128xf32, #tpu.memory_space<vmem_shared>>)
          tpu.yield
        }) : () -> ()
        %lt3A_101 = arith.constant 9 : i32
        %lt3A_102 = arith.cmpi slt, %add3A_79, %lt3A_101 : i32
        %convert_element_type3A_103 = arith.extui %lt3A_102 : i1 to i32
        %cond3A_104 = arith.constant 0 : i32
        %cond3A_105 = arith.cmpi ne, %convert_element_type3A_103, %cond3A_104 : i32
        scf.if %cond3A_105 {
          %add3A_136 = arith.constant 1 : i32
          %add3A_137 = arith.addi %add3A_79, %add3A_136 : i32
          %mul3A_138 = arith.constant 4 : i32
          %mul3A_139 = arith.muli %mul3A_138, %add3A_137 : i32
          %add3A_140 = arith.constant 1 : i32
          %add3A_141 = arith.addi %mul3A_139, %add3A_140 : i32
          %dma_start3A_142 = arith.constant 0 : i32
          %dma_start3A_143 = tpu.memref_slice %arg7[%add3A_141, %dma_start3A_142] : memref<40x64xi32, #tpu.memory_space<vmem>> -> memref<1x64xi32, #tpu.memory_space<vmem>>
          %dma_start3A_144 = tpu.memref_squeeze %dma_start3A_143 : memref<1x64xi32, #tpu.memory_space<vmem>> -> memref<64xi32, #tpu.memory_space<vmem>>
          %dma_start3A_145 = arith.constant 0 : i32
          %dma_start3A_146 = arith.constant 0 : i32
          %dma_start3A_147 = tpu.memref_slice %arg2[%dma_start3A_145, %dma_start3A_146] : memref<10240x128xf32, #tpu.memory_space<hbm>> -> memref<10240x128xf32, #tpu.memory_space<hbm>>
          tpu.enqueue_indirect_dma source(%dma_start3A_147 : memref<10240x128xf32, #tpu.memory_space<hbm>>) target(%arg10 : memref<64x128xf32, #tpu.memory_space<vmem>>) offsets(%dma_start3A_144 : memref<64xi32, #tpu.memory_space<vmem>>) semaphore(%arg14 : memref<!tpu.dma_semaphore, #tpu.memory_space<semaphore_mem>>)
        } else {
        }
        %dma_wait3A_106 = arith.constant 0 : i32
        %dma_wait3A_107 = arith.constant 0 : i32
        %dma_wait3A_108 = tpu.memref_slice %arg5[%dma_wait3A_106, %dma_wait3A_107] : memref<128x128xf32, #tpu.memory_space<hbm>> -> memref<64x128xf32, #tpu.memory_space<hbm>>
        %dma_wait3A_109 = arith.constant 0 : i32
        %dma_wait3A_110 = arith.constant 0 : i32
        %dma_wait3A_111 = tpu.memref_slice %arg5[%dma_wait3A_109, %dma_wait3A_110] : memref<128x128xf32, #tpu.memory_space<hbm>> -> memref<64x128xf32, #tpu.memory_space<hbm>>
        tpu.wait_dma2 semaphore(%arg15 : memref<!tpu.dma_semaphore, #tpu.memory_space<semaphore_mem>>) src(%dma_wait3A_111 : memref<64x128xf32, #tpu.memory_space<hbm>>) dst(%arg11 : memref<64x128xf32, #tpu.memory_space<vmem>>)
        %mul3A_112 = arith.constant 4 : i32
        %mul3A_113 = arith.muli %mul3A_112, %add3A_79 : i32
        %add3A_114 = arith.constant 2 : i32
        %add3A_115 = arith.addi %mul3A_113, %add3A_114 : i32
        "tpu.region"() ({
          %run_scoped3A = tpu.sem_alloc : memref<!tpu.dma_semaphore, #tpu.memory_space<semaphore_mem>>
          %dma_start3A_136 = arith.constant 0 : i32
          %dma_start3A_137 = tpu.memref_slice %arg8[%add3A_115, %dma_start3A_136] : memref<40x64xi32, #tpu.memory_space<vmem>> -> memref<1x64xi32, #tpu.memory_space<vmem>>
          %dma_start3A_138 = tpu.memref_squeeze %dma_start3A_137 : memref<1x64xi32, #tpu.memory_space<vmem>> -> memref<64xi32, #tpu.memory_space<vmem>>
          %dma_start3A_139 = arith.constant 0 : i32
          %dma_start3A_140 = arith.constant 0 : i32
          %dma_start3A_141 = tpu.memref_slice %arg17[%dma_start3A_139, %dma_start3A_140] : memref<10240x128xf32, #tpu.memory_space<vmem_shared>> -> memref<10240x128xf32, #tpu.memory_space<vmem_shared>>
          tpu.enqueue_indirect_dma source(%arg11 : memref<64x128xf32, #tpu.memory_space<vmem>>) target(%dma_start3A_141 : memref<10240x128xf32, #tpu.memory_space<vmem_shared>>) offsets(%dma_start3A_138 : memref<64xi32, #tpu.memory_space<vmem>>) semaphore(%run_scoped3A : memref<!tpu.dma_semaphore, #tpu.memory_space<semaphore_mem>>) {add = true}
          %dma_wait3A_142 = arith.constant 0 : i32
          %dma_wait3A_143 = tpu.memref_slice %arg8[%add3A_115, %dma_wait3A_142] : memref<40x64xi32, #tpu.memory_space<vmem>> -> memref<1x64xi32, #tpu.memory_space<vmem>>
          %dma_wait3A_144 = tpu.memref_squeeze %dma_wait3A_143 : memref<1x64xi32, #tpu.memory_space<vmem>> -> memref<64xi32, #tpu.memory_space<vmem>>
          %dma_wait3A_145 = arith.constant 0 : i32
          %dma_wait3A_146 = arith.constant 0 : i32
          %dma_wait3A_147 = tpu.memref_slice %arg17[%dma_wait3A_145, %dma_wait3A_146] : memref<10240x128xf32, #tpu.memory_space<vmem_shared>> -> memref<10240x128xf32, #tpu.memory_space<vmem_shared>>
          tpu.wait_indirect_dma semaphore(%run_scoped3A : memref<!tpu.dma_semaphore, #tpu.memory_space<semaphore_mem>>) src(%arg11 : memref<64x128xf32, #tpu.memory_space<vmem>>) dst(%dma_wait3A_147 : memref<10240x128xf32, #tpu.memory_space<vmem_shared>>)
          tpu.yield
        }) : () -> ()
        %lt3A_116 = arith.constant 9 : i32
        %lt3A_117 = arith.cmpi slt, %add3A_79, %lt3A_116 : i32
        %convert_element_type3A_118 = arith.extui %lt3A_117 : i1 to i32
        %cond3A_119 = arith.constant 0 : i32
        %cond3A_120 = arith.cmpi ne, %convert_element_type3A_118, %cond3A_119 : i32
        scf.if %cond3A_120 {
          %add3A_136 = arith.constant 1 : i32
          %add3A_137 = arith.addi %add3A_79, %add3A_136 : i32
          %mul3A_138 = arith.constant 4 : i32
          %mul3A_139 = arith.muli %mul3A_138, %add3A_137 : i32
          %add3A_140 = arith.constant 2 : i32
          %add3A_141 = arith.addi %mul3A_139, %add3A_140 : i32
          %dma_start3A_142 = arith.constant 0 : i32
          %dma_start3A_143 = tpu.memref_slice %arg7[%add3A_141, %dma_start3A_142] : memref<40x64xi32, #tpu.memory_space<vmem>> -> memref<1x64xi32, #tpu.memory_space<vmem>>
          %dma_start3A_144 = tpu.memref_squeeze %dma_start3A_143 : memref<1x64xi32, #tpu.memory_space<vmem>> -> memref<64xi32, #tpu.memory_space<vmem>>
          %dma_start3A_145 = arith.constant 0 : i32
          %dma_start3A_146 = arith.constant 0 : i32
          %dma_start3A_147 = tpu.memref_slice %arg2[%dma_start3A_145, %dma_start3A_146] : memref<10240x128xf32, #tpu.memory_space<hbm>> -> memref<10240x128xf32, #tpu.memory_space<hbm>>
          tpu.enqueue_indirect_dma source(%dma_start3A_147 : memref<10240x128xf32, #tpu.memory_space<hbm>>) target(%arg11 : memref<64x128xf32, #tpu.memory_space<vmem>>) offsets(%dma_start3A_144 : memref<64xi32, #tpu.memory_space<vmem>>) semaphore(%arg15 : memref<!tpu.dma_semaphore, #tpu.memory_space<semaphore_mem>>)
        } else {
        }
        %dma_wait3A_121 = arith.constant 0 : i32
        %dma_wait3A_122 = arith.constant 0 : i32
        %dma_wait3A_123 = tpu.memref_slice %arg5[%dma_wait3A_121, %dma_wait3A_122] : memref<128x128xf32, #tpu.memory_space<hbm>> -> memref<64x128xf32, #tpu.memory_space<hbm>>
        %dma_wait3A_124 = arith.constant 0 : i32
        %dma_wait3A_125 = arith.constant 0 : i32
        %dma_wait3A_126 = tpu.memref_slice %arg5[%dma_wait3A_124, %dma_wait3A_125] : memref<128x128xf32, #tpu.memory_space<hbm>> -> memref<64x128xf32, #tpu.memory_space<hbm>>
        tpu.wait_dma2 semaphore(%arg16 : memref<!tpu.dma_semaphore, #tpu.memory_space<semaphore_mem>>) src(%dma_wait3A_126 : memref<64x128xf32, #tpu.memory_space<hbm>>) dst(%arg12 : memref<64x128xf32, #tpu.memory_space<vmem>>)
        %mul3A_127 = arith.constant 4 : i32
        %mul3A_128 = arith.muli %mul3A_127, %add3A_79 : i32
        %add3A_129 = arith.constant 3 : i32
        %add3A_130 = arith.addi %mul3A_128, %add3A_129 : i32
        "tpu.region"() ({
          %run_scoped3A = tpu.sem_alloc : memref<!tpu.dma_semaphore, #tpu.memory_space<semaphore_mem>>
          %dma_start3A_136 = arith.constant 0 : i32
          %dma_start3A_137 = tpu.memref_slice %arg8[%add3A_130, %dma_start3A_136] : memref<40x64xi32, #tpu.memory_space<vmem>> -> memref<1x64xi32, #tpu.memory_space<vmem>>
          %dma_start3A_138 = tpu.memref_squeeze %dma_start3A_137 : memref<1x64xi32, #tpu.memory_space<vmem>> -> memref<64xi32, #tpu.memory_space<vmem>>
          %dma_start3A_139 = arith.constant 0 : i32
          %dma_start3A_140 = arith.constant 0 : i32
          %dma_start3A_141 = tpu.memref_slice %arg17[%dma_start3A_139, %dma_start3A_140] : memref<10240x128xf32, #tpu.memory_space<vmem_shared>> -> memref<10240x128xf32, #tpu.memory_space<vmem_shared>>
          tpu.enqueue_indirect_dma source(%arg12 : memref<64x128xf32, #tpu.memory_space<vmem>>) target(%dma_start3A_141 : memref<10240x128xf32, #tpu.memory_space<vmem_shared>>) offsets(%dma_start3A_138 : memref<64xi32, #tpu.memory_space<vmem>>) semaphore(%run_scoped3A : memref<!tpu.dma_semaphore, #tpu.memory_space<semaphore_mem>>) {add = true}
          %dma_wait3A_142 = arith.constant 0 : i32
          %dma_wait3A_143 = tpu.memref_slice %arg8[%add3A_130, %dma_wait3A_142] : memref<40x64xi32, #tpu.memory_space<vmem>> -> memref<1x64xi32, #tpu.memory_space<vmem>>
          %dma_wait3A_144 = tpu.memref_squeeze %dma_wait3A_143 : memref<1x64xi32, #tpu.memory_space<vmem>> -> memref<64xi32, #tpu.memory_space<vmem>>
          %dma_wait3A_145 = arith.constant 0 : i32
          %dma_wait3A_146 = arith.constant 0 : i32
          %dma_wait3A_147 = tpu.memref_slice %arg17[%dma_wait3A_145, %dma_wait3A_146] : memref<10240x128xf32, #tpu.memory_space<vmem_shared>> -> memref<10240x128xf32, #tpu.memory_space<vmem_shared>>
          tpu.wait_indirect_dma semaphore(%run_scoped3A : memref<!tpu.dma_semaphore, #tpu.memory_space<semaphore_mem>>) src(%arg12 : memref<64x128xf32, #tpu.memory_space<vmem>>) dst(%dma_wait3A_147 : memref<10240x128xf32, #tpu.memory_space<vmem_shared>>)
          tpu.yield
        }) : () -> ()
        %lt3A_131 = arith.constant 9 : i32
        %lt3A_132 = arith.cmpi slt, %add3A_79, %lt3A_131 : i32
        %convert_element_type3A_133 = arith.extui %lt3A_132 : i1 to i32
        %cond3A_134 = arith.constant 0 : i32
        %cond3A_135 = arith.cmpi ne, %convert_element_type3A_133, %cond3A_134 : i32
        scf.if %cond3A_135 {
          %add3A_136 = arith.constant 1 : i32
          %add3A_137 = arith.addi %add3A_79, %add3A_136 : i32
          %mul3A_138 = arith.constant 4 : i32
          %mul3A_139 = arith.muli %mul3A_138, %add3A_137 : i32
          %add3A_140 = arith.constant 3 : i32
          %add3A_141 = arith.addi %mul3A_139, %add3A_140 : i32
          %dma_start3A_142 = arith.constant 0 : i32
          %dma_start3A_143 = tpu.memref_slice %arg7[%add3A_141, %dma_start3A_142] : memref<40x64xi32, #tpu.memory_space<vmem>> -> memref<1x64xi32, #tpu.memory_space<vmem>>
          %dma_start3A_144 = tpu.memref_squeeze %dma_start3A_143 : memref<1x64xi32, #tpu.memory_space<vmem>> -> memref<64xi32, #tpu.memory_space<vmem>>
          %dma_start3A_145 = arith.constant 0 : i32
          %dma_start3A_146 = arith.constant 0 : i32
          %dma_start3A_147 = tpu.memref_slice %arg2[%dma_start3A_145, %dma_start3A_146] : memref<10240x128xf32, #tpu.memory_space<hbm>> -> memref<10240x128xf32, #tpu.memory_space<hbm>>
          tpu.enqueue_indirect_dma source(%dma_start3A_147 : memref<10240x128xf32, #tpu.memory_space<hbm>>) target(%arg12 : memref<64x128xf32, #tpu.memory_space<vmem>>) offsets(%dma_start3A_144 : memref<64xi32, #tpu.memory_space<vmem>>) semaphore(%arg16 : memref<!tpu.dma_semaphore, #tpu.memory_space<semaphore_mem>>)
        } else {
        }
      }
      %scan3A_74 = arith.constant 10 : i32
    }
    %while3A_30 = arith.constant 1 : i32
    scf.for %while3A_37 = %while3A_28 to %while3A_24 step %while3A_30  : i32 {
      %mul3A_38 = arith.muli %while3A_37, %while3A : i32
      %add3A_39 = arith.addi %while3A_21, %mul3A_38 : i32
      %mul3A_40 = arith.constant 40 : i32
      %mul3A_41 = arith.muli %add3A_39, %mul3A_40 : i32
      %add3A_42 = arith.addi %select_n3A_14, %mul3A_41 : i32
      "tpu.region"() ({
        %run_scoped3A = tpu.sem_alloc : memref<!tpu.dma_semaphore, #tpu.memory_space<semaphore_mem>>
        %dma_start3A_75 = arith.constant 0 : i32
        %dma_start3A_76 = tpu.memref_slice %arg3[%add3A_42, %dma_start3A_75] : memref<5120x64xi32, #tpu.memory_space<hbm>> -> memref<40x64xi32, #tpu.memory_space<hbm>>
        %dma_start3A_77 = arith.constant 0 : i32
        %dma_start3A_78 = tpu.memref_slice %arg3[%add3A_42, %dma_start3A_77] : memref<5120x64xi32, #tpu.memory_space<hbm>> -> memref<40x64xi32, #tpu.memory_space<hbm>>
        tpu.enqueue_dma source(%dma_start3A_78 : memref<40x64xi32, #tpu.memory_space<hbm>>) target(%arg7 : memref<40x64xi32, #tpu.memory_space<vmem>>) target_semaphore(%run_scoped3A : memref<!tpu.dma_semaphore, #tpu.memory_space<semaphore_mem>>)
        %dma_wait3A = arith.constant 0 : i32
        %dma_wait3A_79 = tpu.memref_slice %arg3[%add3A_42, %dma_wait3A] : memref<5120x64xi32, #tpu.memory_space<hbm>> -> memref<40x64xi32, #tpu.memory_space<hbm>>
        %dma_wait3A_80 = arith.constant 0 : i32
        %dma_wait3A_81 = tpu.memref_slice %arg3[%add3A_42, %dma_wait3A_80] : memref<5120x64xi32, #tpu.memory_space<hbm>> -> memref<40x64xi32, #tpu.memory_space<hbm>>
        tpu.wait_dma2 semaphore(%run_scoped3A : memref<!tpu.dma_semaphore, #tpu.memory_space<semaphore_mem>>) src(%dma_wait3A_81 : memref<40x64xi32, #tpu.memory_space<hbm>>) dst(%arg7 : memref<40x64xi32, #tpu.memory_space<vmem>>)
        tpu.yield
      }) : () -> ()
      "tpu.region"() ({
        %run_scoped3A = tpu.sem_alloc : memref<!tpu.dma_semaphore, #tpu.memory_space<semaphore_mem>>
        %dma_start3A_75 = arith.constant 0 : i32
        %dma_start3A_76 = tpu.memref_slice %arg4[%add3A_42, %dma_start3A_75] : memref<5120x64xi32, #tpu.memory_space<hbm>> -> memref<40x64xi32, #tpu.memory_space<hbm>>
        %dma_start3A_77 = arith.constant 0 : i32
        %dma_start3A_78 = tpu.memref_slice %arg4[%add3A_42, %dma_start3A_77] : memref<5120x64xi32, #tpu.memory_space<hbm>> -> memref<40x64xi32, #tpu.memory_space<hbm>>
        tpu.enqueue_dma source(%dma_start3A_78 : memref<40x64xi32, #tpu.memory_space<hbm>>) target(%arg8 : memref<40x64xi32, #tpu.memory_space<vmem>>) target_semaphore(%run_scoped3A : memref<!tpu.dma_semaphore, #tpu.memory_space<semaphore_mem>>)
        %dma_wait3A = arith.constant 0 : i32
        %dma_wait3A_79 = tpu.memref_slice %arg4[%add3A_42, %dma_wait3A] : memref<5120x64xi32, #tpu.memory_space<hbm>> -> memref<40x64xi32, #tpu.memory_space<hbm>>
        %dma_wait3A_80 = arith.constant 0 : i32
        %dma_wait3A_81 = tpu.memref_slice %arg4[%add3A_42, %dma_wait3A_80] : memref<5120x64xi32, #tpu.memory_space<hbm>> -> memref<40x64xi32, #tpu.memory_space<hbm>>
        tpu.wait_dma2 semaphore(%run_scoped3A : memref<!tpu.dma_semaphore, #tpu.memory_space<semaphore_mem>>) src(%dma_wait3A_81 : memref<40x64xi32, #tpu.memory_space<hbm>>) dst(%arg8 : memref<40x64xi32, #tpu.memory_space<vmem>>)
        tpu.yield
      }) : () -> ()
      %dma_start3A = arith.constant 0 : i32
      %dma_start3A_43 = arith.constant 0 : i32
      %dma_start3A_44 = tpu.memref_slice %arg7[%dma_start3A, %dma_start3A_43] : memref<40x64xi32, #tpu.memory_space<vmem>> -> memref<1x64xi32, #tpu.memory_space<vmem>>
      %dma_start3A_45 = tpu.memref_squeeze %dma_start3A_44 : memref<1x64xi32, #tpu.memory_space<vmem>> -> memref<64xi32, #tpu.memory_space<vmem>>
      %dma_start3A_46 = arith.constant 0 : i32
      %dma_start3A_47 = arith.constant 0 : i32
      %dma_start3A_48 = tpu.memref_slice %arg2[%dma_start3A_46, %dma_start3A_47] : memref<10240x128xf32, #tpu.memory_space<hbm>> -> memref<10240x128xf32, #tpu.memory_space<hbm>>
      tpu.enqueue_indirect_dma source(%dma_start3A_48 : memref<10240x128xf32, #tpu.memory_space<hbm>>) target(%arg9 : memref<64x128xf32, #tpu.memory_space<vmem>>) offsets(%dma_start3A_45 : memref<64xi32, #tpu.memory_space<vmem>>) semaphore(%arg13 : memref<!tpu.dma_semaphore, #tpu.memory_space<semaphore_mem>>)
      %dma_start3A_49 = arith.constant 1 : i32
      %dma_start3A_50 = arith.constant 0 : i32
      %dma_start3A_51 = tpu.memref_slice %arg7[%dma_start3A_49, %dma_start3A_50] : memref<40x64xi32, #tpu.memory_space<vmem>> -> memref<1x64xi32, #tpu.memory_space<vmem>>
      %dma_start3A_52 = tpu.memref_squeeze %dma_start3A_51 : memref<1x64xi32, #tpu.memory_space<vmem>> -> memref<64xi32, #tpu.memory_space<vmem>>
      %dma_start3A_53 = arith.constant 0 : i32
      %dma_start3A_54 = arith.constant 0 : i32
      %dma_start3A_55 = tpu.memref_slice %arg2[%dma_start3A_53, %dma_start3A_54] : memref<10240x128xf32, #tpu.memory_space<hbm>> -> memref<10240x128xf32, #tpu.memory_space<hbm>>
      tpu.enqueue_indirect_dma source(%dma_start3A_55 : memref<10240x128xf32, #tpu.memory_space<hbm>>) target(%arg10 : memref<64x128xf32, #tpu.memory_space<vmem>>) offsets(%dma_start3A_52 : memref<64xi32, #tpu.memory_space<vmem>>) semaphore(%arg14 : memref<!tpu.dma_semaphore, #tpu.memory_space<semaphore_mem>>)
      %dma_start3A_56 = arith.constant 2 : i32
      %dma_start3A_57 = arith.constant 0 : i32
      %dma_start3A_58 = tpu.memref_slice %arg7[%dma_start3A_56, %dma_start3A_57] : memref<40x64xi32, #tpu.memory_space<vmem>> -> memref<1x64xi32, #tpu.memory_space<vmem>>
      %dma_start3A_59 = tpu.memref_squeeze %dma_start3A_58 : memref<1x64xi32, #tpu.memory_space<vmem>> -> memref<64xi32, #tpu.memory_space<vmem>>
      %dma_start3A_60 = arith.constant 0 : i32
      %dma_start3A_61 = arith.constant 0 : i32
      %dma_start3A_62 = tpu.memref_slice %arg2[%dma_start3A_60, %dma_start3A_61] : memref<10240x128xf32, #tpu.memory_space<hbm>> -> memref<10240x128xf32, #tpu.memory_space<hbm>>
      tpu.enqueue_indirect_dma source(%dma_start3A_62 : memref<10240x128xf32, #tpu.memory_space<hbm>>) target(%arg11 : memref<64x128xf32, #tpu.memory_space<vmem>>) offsets(%dma_start3A_59 : memref<64xi32, #tpu.memory_space<vmem>>) semaphore(%arg15 : memref<!tpu.dma_semaphore, #tpu.memory_space<semaphore_mem>>)
      %dma_start3A_63 = arith.constant 3 : i32
      %dma_start3A_64 = arith.constant 0 : i32
      %dma_start3A_65 = tpu.memref_slice %arg7[%dma_start3A_63, %dma_start3A_64] : memref<40x64xi32, #tpu.memory_space<vmem>> -> memref<1x64xi32, #tpu.memory_space<vmem>>
      %dma_start3A_66 = tpu.memref_squeeze %dma_start3A_65 : memref<1x64xi32, #tpu.memory_space<vmem>> -> memref<64xi32, #tpu.memory_space<vmem>>
      %dma_start3A_67 = arith.constant 0 : i32
      %dma_start3A_68 = arith.constant 0 : i32
      %dma_start3A_69 = tpu.memref_slice %arg2[%dma_start3A_67, %dma_start3A_68] : memref<10240x128xf32, #tpu.memory_space<hbm>> -> memref<10240x128xf32, #tpu.memory_space<hbm>>
      tpu.enqueue_indirect_dma source(%dma_start3A_69 : memref<10240x128xf32, #tpu.memory_space<hbm>>) target(%arg12 : memref<64x128xf32, #tpu.memory_space<vmem>>) offsets(%dma_start3A_66 : memref<64xi32, #tpu.memory_space<vmem>>) semaphore(%arg16 : memref<!tpu.dma_semaphore, #tpu.memory_space<semaphore_mem>>)
      %scan3A_70 = arith.constant 0 : i32
      %scan3A_71 = arith.constant 10 : i32
      %scan3A_72 = arith.addi %scan3A_70, %scan3A_71 : i32
      %scan3A_73 = arith.constant 1 : i32
      scf.for %scan3A_75 = %scan3A_70 to %scan3A_72 step %scan3A_73  : i32 {
        %mul3A_76 = arith.constant 1 : i32
        %mul3A_77 = arith.muli %scan3A_75, %mul3A_76 : i32
        %add3A_78 = arith.constant 0 : i32
        %add3A_79 = arith.addi %add3A_78, %mul3A_77 : i32
        %dma_wait3A = arith.constant 0 : i32
        %dma_wait3A_80 = arith.constant 0 : i32
        %dma_wait3A_81 = tpu.memref_slice %arg5[%dma_wait3A, %dma_wait3A_80] : memref<128x128xf32, #tpu.memory_space<hbm>> -> memref<64x128xf32, #tpu.memory_space<hbm>>
        %dma_wait3A_82 = arith.constant 0 : i32
        %dma_wait3A_83 = arith.constant 0 : i32
        %dma_wait3A_84 = tpu.memref_slice %arg5[%dma_wait3A_82, %dma_wait3A_83] : memref<128x128xf32, #tpu.memory_space<hbm>> -> memref<64x128xf32, #tpu.memory_space<hbm>>
        tpu.wait_dma2 semaphore(%arg13 : memref<!tpu.dma_semaphore, #tpu.memory_space<semaphore_mem>>) src(%dma_wait3A_84 : memref<64x128xf32, #tpu.memory_space<hbm>>) dst(%arg9 : memref<64x128xf32, #tpu.memory_space<vmem>>)
        %mul3A_85 = arith.constant 4 : i32
        %mul3A_86 = arith.muli %mul3A_85, %add3A_79 : i32
        %add3A_87 = arith.constant 0 : i32
        %add3A_88 = arith.addi %mul3A_86, %add3A_87 : i32
        "tpu.region"() ({
          %run_scoped3A = tpu.sem_alloc : memref<!tpu.dma_semaphore, #tpu.memory_space<semaphore_mem>>
          %dma_start3A_136 = arith.constant 0 : i32
          %dma_start3A_137 = tpu.memref_slice %arg8[%add3A_88, %dma_start3A_136] : memref<40x64xi32, #tpu.memory_space<vmem>> -> memref<1x64xi32, #tpu.memory_space<vmem>>
          %dma_start3A_138 = tpu.memref_squeeze %dma_start3A_137 : memref<1x64xi32, #tpu.memory_space<vmem>> -> memref<64xi32, #tpu.memory_space<vmem>>
          %dma_start3A_139 = arith.constant 0 : i32
          %dma_start3A_140 = arith.constant 0 : i32
          %dma_start3A_141 = tpu.memref_slice %arg17[%dma_start3A_139, %dma_start3A_140] : memref<10240x128xf32, #tpu.memory_space<vmem_shared>> -> memref<10240x128xf32, #tpu.memory_space<vmem_shared>>
          tpu.enqueue_indirect_dma source(%arg9 : memref<64x128xf32, #tpu.memory_space<vmem>>) target(%dma_start3A_141 : memref<10240x128xf32, #tpu.memory_space<vmem_shared>>) offsets(%dma_start3A_138 : memref<64xi32, #tpu.memory_space<vmem>>) semaphore(%run_scoped3A : memref<!tpu.dma_semaphore, #tpu.memory_space<semaphore_mem>>) {add = true}
          %dma_wait3A_142 = arith.constant 0 : i32
          %dma_wait3A_143 = tpu.memref_slice %arg8[%add3A_88, %dma_wait3A_142] : memref<40x64xi32, #tpu.memory_space<vmem>> -> memref<1x64xi32, #tpu.memory_space<vmem>>
          %dma_wait3A_144 = tpu.memref_squeeze %dma_wait3A_143 : memref<1x64xi32, #tpu.memory_space<vmem>> -> memref<64xi32, #tpu.memory_space<vmem>>
          %dma_wait3A_145 = arith.constant 0 : i32
          %dma_wait3A_146 = arith.constant 0 : i32
          %dma_wait3A_147 = tpu.memref_slice %arg17[%dma_wait3A_145, %dma_wait3A_146] : memref<10240x128xf32, #tpu.memory_space<vmem_shared>> -> memref<10240x128xf32, #tpu.memory_space<vmem_shared>>
          tpu.wait_indirect_dma semaphore(%run_scoped3A : memref<!tpu.dma_semaphore, #tpu.memory_space<semaphore_mem>>) src(%arg9 : memref<64x128xf32, #tpu.memory_space<vmem>>) dst(%dma_wait3A_147 : memref<10240x128xf32, #tpu.memory_space<vmem_shared>>)
          tpu.yield
        }) : () -> ()
        %lt3A = arith.constant 9 : i32
        %lt3A_89 = arith.cmpi slt, %add3A_79, %lt3A : i32
        %convert_element_type3A = arith.extui %lt3A_89 : i1 to i32
        %cond3A = arith.constant 0 : i32
        %cond3A_90 = arith.cmpi ne, %convert_element_type3A, %cond3A : i32
        scf.if %cond3A_90 {
          %add3A_136 = arith.constant 1 : i32
          %add3A_137 = arith.addi %add3A_79, %add3A_136 : i32
          %mul3A_138 = arith.constant 4 : i32
          %mul3A_139 = arith.muli %mul3A_138, %add3A_137 : i32
          %add3A_140 = arith.constant 0 : i32
          %add3A_141 = arith.addi %mul3A_139, %add3A_140 : i32
          %dma_start3A_142 = arith.constant 0 : i32
          %dma_start3A_143 = tpu.memref_slice %arg7[%add3A_141, %dma_start3A_142] : memref<40x64xi32, #tpu.memory_space<vmem>> -> memref<1x64xi32, #tpu.memory_space<vmem>>
          %dma_start3A_144 = tpu.memref_squeeze %dma_start3A_143 : memref<1x64xi32, #tpu.memory_space<vmem>> -> memref<64xi32, #tpu.memory_space<vmem>>
          %dma_start3A_145 = arith.constant 0 : i32
          %dma_start3A_146 = arith.constant 0 : i32
          %dma_start3A_147 = tpu.memref_slice %arg2[%dma_start3A_145, %dma_start3A_146] : memref<10240x128xf32, #tpu.memory_space<hbm>> -> memref<10240x128xf32, #tpu.memory_space<hbm>>
          tpu.enqueue_indirect_dma source(%dma_start3A_147 : memref<10240x128xf32, #tpu.memory_space<hbm>>) target(%arg9 : memref<64x128xf32, #tpu.memory_space<vmem>>) offsets(%dma_start3A_144 : memref<64xi32, #tpu.memory_space<vmem>>) semaphore(%arg13 : memref<!tpu.dma_semaphore, #tpu.memory_space<semaphore_mem>>)
        } else {
        }
        %dma_wait3A_91 = arith.constant 0 : i32
        %dma_wait3A_92 = arith.constant 0 : i32
        %dma_wait3A_93 = tpu.memref_slice %arg5[%dma_wait3A_91, %dma_wait3A_92] : memref<128x128xf32, #tpu.memory_space<hbm>> -> memref<64x128xf32, #tpu.memory_space<hbm>>
        %dma_wait3A_94 = arith.constant 0 : i32
        %dma_wait3A_95 = arith.constant 0 : i32
        %dma_wait3A_96 = tpu.memref_slice %arg5[%dma_wait3A_94, %dma_wait3A_95] : memref<128x128xf32, #tpu.memory_space<hbm>> -> memref<64x128xf32, #tpu.memory_space<hbm>>
        tpu.wait_dma2 semaphore(%arg14 : memref<!tpu.dma_semaphore, #tpu.memory_space<semaphore_mem>>) src(%dma_wait3A_96 : memref<64x128xf32, #tpu.memory_space<hbm>>) dst(%arg10 : memref<64x128xf32, #tpu.memory_space<vmem>>)
        %mul3A_97 = arith.constant 4 : i32
        %mul3A_98 = arith.muli %mul3A_97, %add3A_79 : i32
        %add3A_99 = arith.constant 1 : i32
        %add3A_100 = arith.addi %mul3A_98, %add3A_99 : i32
        "tpu.region"() ({
          %run_scoped3A = tpu.sem_alloc : memref<!tpu.dma_semaphore, #tpu.memory_space<semaphore_mem>>
          %dma_start3A_136 = arith.constant 0 : i32
          %dma_start3A_137 = tpu.memref_slice %arg8[%add3A_100, %dma_start3A_136] : memref<40x64xi32, #tpu.memory_space<vmem>> -> memref<1x64xi32, #tpu.memory_space<vmem>>
          %dma_start3A_138 = tpu.memref_squeeze %dma_start3A_137 : memref<1x64xi32, #tpu.memory_space<vmem>> -> memref<64xi32, #tpu.memory_space<vmem>>
          %dma_start3A_139 = arith.constant 0 : i32
          %dma_start3A_140 = arith.constant 0 : i32
          %dma_start3A_141 = tpu.memref_slice %arg17[%dma_start3A_139, %dma_start3A_140] : memref<10240x128xf32, #tpu.memory_space<vmem_shared>> -> memref<10240x128xf32, #tpu.memory_space<vmem_shared>>
          tpu.enqueue_indirect_dma source(%arg10 : memref<64x128xf32, #tpu.memory_space<vmem>>) target(%dma_start3A_141 : memref<10240x128xf32, #tpu.memory_space<vmem_shared>>) offsets(%dma_start3A_138 : memref<64xi32, #tpu.memory_space<vmem>>) semaphore(%run_scoped3A : memref<!tpu.dma_semaphore, #tpu.memory_space<semaphore_mem>>) {add = true}
          %dma_wait3A_142 = arith.constant 0 : i32
          %dma_wait3A_143 = tpu.memref_slice %arg8[%add3A_100, %dma_wait3A_142] : memref<40x64xi32, #tpu.memory_space<vmem>> -> memref<1x64xi32, #tpu.memory_space<vmem>>
          %dma_wait3A_144 = tpu.memref_squeeze %dma_wait3A_143 : memref<1x64xi32, #tpu.memory_space<vmem>> -> memref<64xi32, #tpu.memory_space<vmem>>
          %dma_wait3A_145 = arith.constant 0 : i32
          %dma_wait3A_146 = arith.constant 0 : i32
          %dma_wait3A_147 = tpu.memref_slice %arg17[%dma_wait3A_145, %dma_wait3A_146] : memref<10240x128xf32, #tpu.memory_space<vmem_shared>> -> memref<10240x128xf32, #tpu.memory_space<vmem_shared>>
          tpu.wait_indirect_dma semaphore(%run_scoped3A : memref<!tpu.dma_semaphore, #tpu.memory_space<semaphore_mem>>) src(%arg10 : memref<64x128xf32, #tpu.memory_space<vmem>>) dst(%dma_wait3A_147 : memref<10240x128xf32, #tpu.memory_space<vmem_shared>>)
          tpu.yield
        }) : () -> ()
        %lt3A_101 = arith.constant 9 : i32
        %lt3A_102 = arith.cmpi slt, %add3A_79, %lt3A_101 : i32
        %convert_element_type3A_103 = arith.extui %lt3A_102 : i1 to i32
        %cond3A_104 = arith.constant 0 : i32
        %cond3A_105 = arith.cmpi ne, %convert_element_type3A_103, %cond3A_104 : i32
        scf.if %cond3A_105 {
          %add3A_136 = arith.constant 1 : i32
          %add3A_137 = arith.addi %add3A_79, %add3A_136 : i32
          %mul3A_138 = arith.constant 4 : i32
          %mul3A_139 = arith.muli %mul3A_138, %add3A_137 : i32
          %add3A_140 = arith.constant 1 : i32
          %add3A_141 = arith.addi %mul3A_139, %add3A_140 : i32
          %dma_start3A_142 = arith.constant 0 : i32
          %dma_start3A_143 = tpu.memref_slice %arg7[%add3A_141, %dma_start3A_142] : memref<40x64xi32, #tpu.memory_space<vmem>> -> memref<1x64xi32, #tpu.memory_space<vmem>>
          %dma_start3A_144 = tpu.memref_squeeze %dma_start3A_143 : memref<1x64xi32, #tpu.memory_space<vmem>> -> memref<64xi32, #tpu.memory_space<vmem>>
          %dma_start3A_145 = arith.constant 0 : i32
          %dma_start3A_146 = arith.constant 0 : i32
          %dma_start3A_147 = tpu.memref_slice %arg2[%dma_start3A_145, %dma_start3A_146] : memref<10240x128xf32, #tpu.memory_space<hbm>> -> memref<10240x128xf32, #tpu.memory_space<hbm>>
          tpu.enqueue_indirect_dma source(%dma_start3A_147 : memref<10240x128xf32, #tpu.memory_space<hbm>>) target(%arg10 : memref<64x128xf32, #tpu.memory_space<vmem>>) offsets(%dma_start3A_144 : memref<64xi32, #tpu.memory_space<vmem>>) semaphore(%arg14 : memref<!tpu.dma_semaphore, #tpu.memory_space<semaphore_mem>>)
        } else {
        }
        %dma_wait3A_106 = arith.constant 0 : i32
        %dma_wait3A_107 = arith.constant 0 : i32
        %dma_wait3A_108 = tpu.memref_slice %arg5[%dma_wait3A_106, %dma_wait3A_107] : memref<128x128xf32, #tpu.memory_space<hbm>> -> memref<64x128xf32, #tpu.memory_space<hbm>>
        %dma_wait3A_109 = arith.constant 0 : i32
        %dma_wait3A_110 = arith.constant 0 : i32
        %dma_wait3A_111 = tpu.memref_slice %arg5[%dma_wait3A_109, %dma_wait3A_110] : memref<128x128xf32, #tpu.memory_space<hbm>> -> memref<64x128xf32, #tpu.memory_space<hbm>>
        tpu.wait_dma2 semaphore(%arg15 : memref<!tpu.dma_semaphore, #tpu.memory_space<semaphore_mem>>) src(%dma_wait3A_111 : memref<64x128xf32, #tpu.memory_space<hbm>>) dst(%arg11 : memref<64x128xf32, #tpu.memory_space<vmem>>)
        %mul3A_112 = arith.constant 4 : i32
        %mul3A_113 = arith.muli %mul3A_112, %add3A_79 : i32
        %add3A_114 = arith.constant 2 : i32
        %add3A_115 = arith.addi %mul3A_113, %add3A_114 : i32
        "tpu.region"() ({
          %run_scoped3A = tpu.sem_alloc : memref<!tpu.dma_semaphore, #tpu.memory_space<semaphore_mem>>
          %dma_start3A_136 = arith.constant 0 : i32
          %dma_start3A_137 = tpu.memref_slice %arg8[%add3A_115, %dma_start3A_136] : memref<40x64xi32, #tpu.memory_space<vmem>> -> memref<1x64xi32, #tpu.memory_space<vmem>>
          %dma_start3A_138 = tpu.memref_squeeze %dma_start3A_137 : memref<1x64xi32, #tpu.memory_space<vmem>> -> memref<64xi32, #tpu.memory_space<vmem>>
          %dma_start3A_139 = arith.constant 0 : i32
          %dma_start3A_140 = arith.constant 0 : i32
          %dma_start3A_141 = tpu.memref_slice %arg17[%dma_start3A_139, %dma_start3A_140] : memref<10240x128xf32, #tpu.memory_space<vmem_shared>> -> memref<10240x128xf32, #tpu.memory_space<vmem_shared>>
          tpu.enqueue_indirect_dma source(%arg11 : memref<64x128xf32, #tpu.memory_space<vmem>>) target(%dma_start3A_141 : memref<10240x128xf32, #tpu.memory_space<vmem_shared>>) offsets(%dma_start3A_138 : memref<64xi32, #tpu.memory_space<vmem>>) semaphore(%run_scoped3A : memref<!tpu.dma_semaphore, #tpu.memory_space<semaphore_mem>>) {add = true}
          %dma_wait3A_142 = arith.constant 0 : i32
          %dma_wait3A_143 = tpu.memref_slice %arg8[%add3A_115, %dma_wait3A_142] : memref<40x64xi32, #tpu.memory_space<vmem>> -> memref<1x64xi32, #tpu.memory_space<vmem>>
          %dma_wait3A_144 = tpu.memref_squeeze %dma_wait3A_143 : memref<1x64xi32, #tpu.memory_space<vmem>> -> memref<64xi32, #tpu.memory_space<vmem>>
          %dma_wait3A_145 = arith.constant 0 : i32
          %dma_wait3A_146 = arith.constant 0 : i32
          %dma_wait3A_147 = tpu.memref_slice %arg17[%dma_wait3A_145, %dma_wait3A_146] : memref<10240x128xf32, #tpu.memory_space<vmem_shared>> -> memref<10240x128xf32, #tpu.memory_space<vmem_shared>>
          tpu.wait_indirect_dma semaphore(%run_scoped3A : memref<!tpu.dma_semaphore, #tpu.memory_space<semaphore_mem>>) src(%arg11 : memref<64x128xf32, #tpu.memory_space<vmem>>) dst(%dma_wait3A_147 : memref<10240x128xf32, #tpu.memory_space<vmem_shared>>)
          tpu.yield
        }) : () -> ()
        %lt3A_116 = arith.constant 9 : i32
        %lt3A_117 = arith.cmpi slt, %add3A_79, %lt3A_116 : i32
        %convert_element_type3A_118 = arith.extui %lt3A_117 : i1 to i32
        %cond3A_119 = arith.constant 0 : i32
        %cond3A_120 = arith.cmpi ne, %convert_element_type3A_118, %cond3A_119 : i32
        scf.if %cond3A_120 {
          %add3A_136 = arith.constant 1 : i32
          %add3A_137 = arith.addi %add3A_79, %add3A_136 : i32
          %mul3A_138 = arith.constant 4 : i32
          %mul3A_139 = arith.muli %mul3A_138, %add3A_137 : i32
          %add3A_140 = arith.constant 2 : i32
          %add3A_141 = arith.addi %mul3A_139, %add3A_140 : i32
          %dma_start3A_142 = arith.constant 0 : i32
          %dma_start3A_143 = tpu.memref_slice %arg7[%add3A_141, %dma_start3A_142] : memref<40x64xi32, #tpu.memory_space<vmem>> -> memref<1x64xi32, #tpu.memory_space<vmem>>
          %dma_start3A_144 = tpu.memref_squeeze %dma_start3A_143 : memref<1x64xi32, #tpu.memory_space<vmem>> -> memref<64xi32, #tpu.memory_space<vmem>>
          %dma_start3A_145 = arith.constant 0 : i32
          %dma_start3A_146 = arith.constant 0 : i32
          %dma_start3A_147 = tpu.memref_slice %arg2[%dma_start3A_145, %dma_start3A_146] : memref<10240x128xf32, #tpu.memory_space<hbm>> -> memref<10240x128xf32, #tpu.memory_space<hbm>>
          tpu.enqueue_indirect_dma source(%dma_start3A_147 : memref<10240x128xf32, #tpu.memory_space<hbm>>) target(%arg11 : memref<64x128xf32, #tpu.memory_space<vmem>>) offsets(%dma_start3A_144 : memref<64xi32, #tpu.memory_space<vmem>>) semaphore(%arg15 : memref<!tpu.dma_semaphore, #tpu.memory_space<semaphore_mem>>)
        } else {
        }
        %dma_wait3A_121 = arith.constant 0 : i32
        %dma_wait3A_122 = arith.constant 0 : i32
        %dma_wait3A_123 = tpu.memref_slice %arg5[%dma_wait3A_121, %dma_wait3A_122] : memref<128x128xf32, #tpu.memory_space<hbm>> -> memref<64x128xf32, #tpu.memory_space<hbm>>
        %dma_wait3A_124 = arith.constant 0 : i32
        %dma_wait3A_125 = arith.constant 0 : i32
        %dma_wait3A_126 = tpu.memref_slice %arg5[%dma_wait3A_124, %dma_wait3A_125] : memref<128x128xf32, #tpu.memory_space<hbm>> -> memref<64x128xf32, #tpu.memory_space<hbm>>
        tpu.wait_dma2 semaphore(%arg16 : memref<!tpu.dma_semaphore, #tpu.memory_space<semaphore_mem>>) src(%dma_wait3A_126 : memref<64x128xf32, #tpu.memory_space<hbm>>) dst(%arg12 : memref<64x128xf32, #tpu.memory_space<vmem>>)
        %mul3A_127 = arith.constant 4 : i32
        %mul3A_128 = arith.muli %mul3A_127, %add3A_79 : i32
        %add3A_129 = arith.constant 3 : i32
        %add3A_130 = arith.addi %mul3A_128, %add3A_129 : i32
        "tpu.region"() ({
          %run_scoped3A = tpu.sem_alloc : memref<!tpu.dma_semaphore, #tpu.memory_space<semaphore_mem>>
          %dma_start3A_136 = arith.constant 0 : i32
          %dma_start3A_137 = tpu.memref_slice %arg8[%add3A_130, %dma_start3A_136] : memref<40x64xi32, #tpu.memory_space<vmem>> -> memref<1x64xi32, #tpu.memory_space<vmem>>
          %dma_start3A_138 = tpu.memref_squeeze %dma_start3A_137 : memref<1x64xi32, #tpu.memory_space<vmem>> -> memref<64xi32, #tpu.memory_space<vmem>>
          %dma_start3A_139 = arith.constant 0 : i32
          %dma_start3A_140 = arith.constant 0 : i32
          %dma_start3A_141 = tpu.memref_slice %arg17[%dma_start3A_139, %dma_start3A_140] : memref<10240x128xf32, #tpu.memory_space<vmem_shared>> -> memref<10240x128xf32, #tpu.memory_space<vmem_shared>>
          tpu.enqueue_indirect_dma source(%arg12 : memref<64x128xf32, #tpu.memory_space<vmem>>) target(%dma_start3A_141 : memref<10240x128xf32, #tpu.memory_space<vmem_shared>>) offsets(%dma_start3A_138 : memref<64xi32, #tpu.memory_space<vmem>>) semaphore(%run_scoped3A : memref<!tpu.dma_semaphore, #tpu.memory_space<semaphore_mem>>) {add = true}
          %dma_wait3A_142 = arith.constant 0 : i32
          %dma_wait3A_143 = tpu.memref_slice %arg8[%add3A_130, %dma_wait3A_142] : memref<40x64xi32, #tpu.memory_space<vmem>> -> memref<1x64xi32, #tpu.memory_space<vmem>>
          %dma_wait3A_144 = tpu.memref_squeeze %dma_wait3A_143 : memref<1x64xi32, #tpu.memory_space<vmem>> -> memref<64xi32, #tpu.memory_space<vmem>>
          %dma_wait3A_145 = arith.constant 0 : i32
          %dma_wait3A_146 = arith.constant 0 : i32
          %dma_wait3A_147 = tpu.memref_slice %arg17[%dma_wait3A_145, %dma_wait3A_146] : memref<10240x128xf32, #tpu.memory_space<vmem_shared>> -> memref<10240x128xf32, #tpu.memory_space<vmem_shared>>
          tpu.wait_indirect_dma semaphore(%run_scoped3A : memref<!tpu.dma_semaphore, #tpu.memory_space<semaphore_mem>>) src(%arg12 : memref<64x128xf32, #tpu.memory_space<vmem>>) dst(%dma_wait3A_147 : memref<10240x128xf32, #tpu.memory_space<vmem_shared>>)
          tpu.yield
        }) : () -> ()
        %lt3A_131 = arith.constant 9 : i32
        %lt3A_132 = arith.cmpi slt, %add3A_79, %lt3A_131 : i32
        %convert_element_type3A_133 = arith.extui %lt3A_132 : i1 to i32
        %cond3A_134 = arith.constant 0 : i32
        %cond3A_135 = arith.cmpi ne, %convert_element_type3A_133, %cond3A_134 : i32
        scf.if %cond3A_135 {
          %add3A_136 = arith.constant 1 : i32
          %add3A_137 = arith.addi %add3A_79, %add3A_136 : i32
          %mul3A_138 = arith.constant 4 : i32
          %mul3A_139 = arith.muli %mul3A_138, %add3A_137 : i32
          %add3A_140 = arith.constant 3 : i32
          %add3A_141 = arith.addi %mul3A_139, %add3A_140 : i32
          %dma_start3A_142 = arith.constant 0 : i32
          %dma_start3A_143 = tpu.memref_slice %arg7[%add3A_141, %dma_start3A_142] : memref<40x64xi32, #tpu.memory_space<vmem>> -> memref<1x64xi32, #tpu.memory_space<vmem>>
          %dma_start3A_144 = tpu.memref_squeeze %dma_start3A_143 : memref<1x64xi32, #tpu.memory_space<vmem>> -> memref<64xi32, #tpu.memory_space<vmem>>
          %dma_start3A_145 = arith.constant 0 : i32
          %dma_start3A_146 = arith.constant 0 : i32
          %dma_start3A_147 = tpu.memref_slice %arg2[%dma_start3A_145, %dma_start3A_146] : memref<10240x128xf32, #tpu.memory_space<hbm>> -> memref<10240x128xf32, #tpu.memory_space<hbm>>
          tpu.enqueue_indirect_dma source(%dma_start3A_147 : memref<10240x128xf32, #tpu.memory_space<hbm>>) target(%arg12 : memref<64x128xf32, #tpu.memory_space<vmem>>) offsets(%dma_start3A_144 : memref<64xi32, #tpu.memory_space<vmem>>) semaphore(%arg16 : memref<!tpu.dma_semaphore, #tpu.memory_space<semaphore_mem>>)
        } else {
        }
      }
      %scan3A_74 = arith.constant 10 : i32
    }
    %barrier3A_31 = arith.constant 0 : index
    tpu.barrier barrier_id(%barrier3A_31)
    %scan3A_32 = arith.constant 0 : i32
    %scan3A_33 = arith.constant 5 : i32
    %scan3A_34 = arith.addi %scan3A_32, %scan3A_33 : i32
    %scan3A_35 = arith.constant 1 : i32
    scf.for %scan3A_37 = %scan3A_32 to %scan3A_34 step %scan3A_35  : i32 {
      %mul3A_38 = arith.constant 1 : i32
      %mul3A_39 = arith.muli %scan3A_37, %mul3A_38 : i32
      %add3A_40 = arith.constant 0 : i32
      %add3A_41 = arith.addi %add3A_40, %mul3A_39 : i32
      %mul3A_42 = arith.constant 128 : i32
      %mul3A_43 = arith.muli %add3A_41, %mul3A_42 : i32
      %add3A_44 = arith.addi %mul3A_0, %mul3A_43 : i32
      %mul3A_45 = arith.constant 10240 : i32
      %mul3A_46 = arith.muli %arg0, %mul3A_45 : i32
      %add3A_47 = arith.addi %mul3A_46, %add3A_44 : i32
      "tpu.region"() ({
        %run_scoped3A = tpu.sem_alloc : memref<!tpu.dma_semaphore, #tpu.memory_space<semaphore_mem>>
        %dma_start3A = arith.constant 0 : i32
        %dma_start3A_48 = tpu.memref_slice %arg6[%add3A_47, %dma_start3A] : memref<20480x128xf32, #tpu.memory_space<hbm>> -> memref<128x128xf32, #tpu.memory_space<hbm>>
        %dma_start3A_49 = arith.constant 0 : i32
        %dma_start3A_50 = tpu.memref_slice %arg17[%add3A_44, %dma_start3A_49] : memref<10240x128xf32, #tpu.memory_space<vmem_shared>> -> memref<128x128xf32, #tpu.memory_space<vmem_shared>>
        tpu.enqueue_dma source(%dma_start3A_50 : memref<128x128xf32, #tpu.memory_space<vmem_shared>>) target(%dma_start3A_48 : memref<128x128xf32, #tpu.memory_space<hbm>>) target_semaphore(%run_scoped3A : memref<!tpu.dma_semaphore, #tpu.memory_space<semaphore_mem>>)
        %dma_wait3A = arith.constant 0 : i32
        %dma_wait3A_51 = tpu.memref_slice %arg6[%add3A_47, %dma_wait3A] : memref<20480x128xf32, #tpu.memory_space<hbm>> -> memref<128x128xf32, #tpu.memory_space<hbm>>
        %dma_wait3A_52 = arith.constant 0 : i32
        %dma_wait3A_53 = tpu.memref_slice %arg17[%add3A_44, %dma_wait3A_52] : memref<10240x128xf32, #tpu.memory_space<vmem_shared>> -> memref<128x128xf32, #tpu.memory_space<vmem_shared>>
        tpu.wait_dma2 semaphore(%run_scoped3A : memref<!tpu.dma_semaphore, #tpu.memory_space<semaphore_mem>>) src(%dma_wait3A_53 : memref<128x128xf32, #tpu.memory_space<vmem_shared>>) dst(%dma_wait3A_51 : memref<128x128xf32, #tpu.memory_space<hbm>>)
        tpu.yield
      }) : () -> ()
    }
    %scan3A_36 = arith.constant 5 : i32
    return
  }
}

module attributes {stable_mosaic.version = 14 : i64} {
  func.func @_tc_layer_body(%arg0: i32, %arg1: memref<512x128xf32, #tpu.memory_space<vmem>>, %arg2: memref<512x128xf32, #tpu.memory_space<vmem>>, %arg3: memref<512x128xf32, #tpu.memory_space<vmem>>, %arg4: memref<512x128xf32, #tpu.memory_space<vmem>>, %arg5: memref<512x128xf32, #tpu.memory_space<vmem>>, %arg6: memref<1x1x512xi32, #tpu.memory_space<vmem>>, %arg7: memref<128x128xf32, #tpu.memory_space<vmem>>, %arg8: memref<128x128xf32, #tpu.memory_space<vmem>>, %arg9: memref<1x128xf32, #tpu.memory_space<vmem>>, %arg10: memref<512x128xf32, #tpu.memory_space<vmem>>, %arg11: memref<64x128xf32, #tpu.memory_space<vmem>>, %arg12: memref<64x8xf32, #tpu.memory_space<vmem>>) attributes {dimension_semantics = [#tpu.dimension_semantics<arbitrary>], iteration_bounds = array<i64: 20>, scalar_prefetch = 0 : i64, scratch_operands = 0 : i64, tpu.core_type = #tpu.core_type<tc>, window_params = [{transform_indices = @transform_0, window_bounds = array<i64: 512, 128>}, {transform_indices = @transform_1, window_bounds = array<i64: 512, 128>}, {transform_indices = @transform_2, window_bounds = array<i64: 512, 128>}, {transform_indices = @transform_3, window_bounds = array<i64: 512, 128>}, {transform_indices = @transform_4, window_bounds = array<i64: 512, 128>}, {transform_indices = @transform_5, window_bounds = array<i64: 1, 1, 512>}, {pipeline_mode = #tpu.pipeline_mode<synchronous>, transform_indices = @transform_6, window_bounds = array<i64: 128, 128>}, {pipeline_mode = #tpu.pipeline_mode<synchronous>, transform_indices = @transform_7, window_bounds = array<i64: 128, 128>}, {pipeline_mode = #tpu.pipeline_mode<synchronous>, transform_indices = @transform_8, window_bounds = array<i64: 1, 128>}, {transform_indices = @transform_9, window_bounds = array<i64: 512, 128>}, {pipeline_mode = #tpu.pipeline_mode<synchronous>, transform_indices = @transform_10, window_bounds = array<i64: 64, 128>}, {pipeline_mode = #tpu.pipeline_mode<synchronous>, transform_indices = @transform_11, window_bounds = array<i64: 64, 8>}]} {
    %get3A = arith.constant 0 : index
    %get3A_0 = arith.constant 0 : index
    %get3A_1 = vector.load %arg2[%get3A, %get3A_0] : memref<512x128xf32, #tpu.memory_space<vmem>>, vector<512x128xf32>
    %get3A_2 = arith.constant 0 : index
    %get3A_3 = arith.constant 0 : index
    %get3A_4 = vector.load %arg3[%get3A_2, %get3A_3] : memref<512x128xf32, #tpu.memory_space<vmem>>, vector<512x128xf32>
    %add3A = arith.addf %get3A_1, %get3A_4 : vector<512x128xf32>
    %get3A_5 = arith.constant 0 : index
    %get3A_6 = arith.constant 0 : index
    %get3A_7 = vector.load %arg4[%get3A_5, %get3A_6] : memref<512x128xf32, #tpu.memory_space<vmem>>, vector<512x128xf32>
    %get3A_8 = arith.constant 0 : index
    %get3A_9 = arith.constant 0 : index
    %get3A_10 = vector.load %arg5[%get3A_8, %get3A_9] : memref<512x128xf32, #tpu.memory_space<vmem>>, vector<512x128xf32>
    %add3A_11 = arith.addf %get3A_7, %get3A_10 : vector<512x128xf32>
    %slice3A = vector.extract_strided_slice %add3A_11 {offsets = [0, 0], sizes = [512, 1], strides = [1, 1]} : vector<512x128xf32> to vector<512x1xf32>
    %max3A = arith.constant 1.000000e+00 : f32
    %max3A_12 = vector.broadcast %max3A : f32 to vector<512x1xf32>
    %max3A_13 = arith.maximumf %slice3A, %max3A_12 : vector<512x1xf32>
    %div3A = vector.broadcast %max3A_13 : vector<512x1xf32> to vector<512x128xf32>
    %div3A_14 = arith.divf %add3A, %div3A : vector<512x128xf32>
    %get3A_15 = arith.constant 0 : index
    %get3A_16 = arith.constant 0 : index
    %get3A_17 = vector.load %arg7[%get3A_15, %get3A_16] : memref<128x128xf32, #tpu.memory_space<vmem>>, vector<128x128xf32>
    %dot_general3A = arith.constant dense<0.000000e+00> : vector<512x128xf32>
    %dot_general3A_18 = tpu.matmul %div3A_14, %get3A_17, %dot_general3A {dimension_numbers = #tpu.dot_dimension_numbers<[1], [1], [0], [0], [0, 0, 1, 0], [], []>, transpose_lhs_hint = false} : vector<512x128xf32>, vector<128x128xf32>, vector<512x128xf32> -> vector<512x128xf32>
    %get3A_19 = arith.constant 0 : index
    %get3A_20 = arith.constant 0 : index
    %get3A_21 = vector.load %arg1[%get3A_19, %get3A_20] : memref<512x128xf32, #tpu.memory_space<vmem>>, vector<512x128xf32>
    %get3A_22 = arith.constant 0 : index
    %get3A_23 = arith.constant 0 : index
    %get3A_24 = vector.load %arg8[%get3A_22, %get3A_23] : memref<128x128xf32, #tpu.memory_space<vmem>>, vector<128x128xf32>
    %dot_general3A_25 = arith.constant dense<0.000000e+00> : vector<512x128xf32>
    %dot_general3A_26 = tpu.matmul %get3A_21, %get3A_24, %dot_general3A_25 {dimension_numbers = #tpu.dot_dimension_numbers<[1], [1], [0], [0], [0, 0, 1, 0], [], []>, transpose_lhs_hint = false} : vector<512x128xf32>, vector<128x128xf32>, vector<512x128xf32> -> vector<512x128xf32>
    %add3A_27 = arith.addf %dot_general3A_18, %dot_general3A_26 : vector<512x128xf32>
    %get3A_28 = arith.constant 0 : index
    %get3A_29 = arith.constant 0 : index
    %get3A_30 = vector.load %arg9[%get3A_28, %get3A_29] : memref<1x128xf32, #tpu.memory_space<vmem>>, vector<1x128xf32>
    %add3A_31 = vector.broadcast %get3A_30 : vector<1x128xf32> to vector<512x128xf32>
    %add3A_32 = arith.addf %add3A_27, %add3A_31 : vector<512x128xf32>
    %max3A_33 = arith.constant 0.000000e+00 : f32
    %max3A_34 = vector.broadcast %max3A_33 : f32 to vector<512x128xf32>
    %max3A_35 = arith.maximumf %add3A_32, %max3A_34 : vector<512x128xf32>
    %swap3A = arith.constant 0 : index
    %swap3A_36 = arith.constant 0 : index
    %swap3A_37 = vector.load %arg10[%swap3A, %swap3A_36] : memref<512x128xf32, #tpu.memory_space<vmem>>, vector<512x128xf32>
    tpu.vector_store %arg10[%swap3A, %swap3A_36], %max3A_35 {strides = array<i32>} : memref<512x128xf32, #tpu.memory_space<vmem>>, vector<512x128xf32>,
    %get3A_38 = arith.constant 0 : index
    %get3A_39 = arith.constant 0 : index
    %get3A_40 = arith.constant 0 : index
    %get3A_41 = vector.load %arg6[%get3A_38, %get3A_39, %get3A_40] : memref<1x1x512xi32, #tpu.memory_space<vmem>>, vector<1x1x512xi32>
    %get3A_42 = vector.shape_cast %get3A_41 : vector<1x1x512xi32> to vector<1x512xi32>
    %iota3A = tpu.iota {dimensions = array<i32: 0>} : vector<64x1xi32>
    %eq3A = vector.broadcast %get3A_42 : vector<1x512xi32> to vector<64x512xi32>
    %eq3A_43 = vector.broadcast %iota3A : vector<64x1xi32> to vector<64x512xi32>
    %eq3A_44 = arith.cmpi eq, %eq3A, %eq3A_43 : vector<64x512xi32>
    %convert_element_type3A = arith.extui %eq3A_44 : vector<64x512xi1> to vector<64x512xi32>
    %convert_element_type3A_45 = arith.sitofp %convert_element_type3A : vector<64x512xi32> to vector<64x512xf32>
    %dot_general3A_46 = arith.constant dense<0.000000e+00> : vector<64x128xf32>
    %dot_general3A_47 = tpu.matmul %convert_element_type3A_45, %max3A_35, %dot_general3A_46 {dimension_numbers = #tpu.dot_dimension_numbers<[1], [0], [0], [1], [0, 0, 1, 1], [], []>, transpose_lhs_hint = false} : vector<64x512xf32>, vector<512x128xf32>, vector<64x128xf32> -> vector<64x128xf32>
    %eq3A_48 = arith.constant 0 : i32
    %eq3A_49 = arith.cmpi eq, %arg0, %eq3A_48 : i32
    %convert_element_type3A_50 = arith.extui %eq3A_49 : i1 to i32
    %cond3A = arith.constant 0 : i32
    %cond3A_51 = arith.cmpi ne, %convert_element_type3A_50, %cond3A : i32
    scf.if %cond3A_51 {
      %broadcast_in_dim3A_69 = arith.constant 0.000000e+00 : f32
      %broadcast_in_dim3A_70 = vector.broadcast %broadcast_in_dim3A_69 : f32 to vector<64x128xf32>
      %swap3A_71 = arith.constant 0 : index
      %swap3A_72 = arith.constant 0 : index
      %swap3A_73 = vector.load %arg11[%swap3A_71, %swap3A_72] : memref<64x128xf32, #tpu.memory_space<vmem>>, vector<64x128xf32>
      tpu.vector_store %arg11[%swap3A_71, %swap3A_72], %broadcast_in_dim3A_70 {strides = array<i32>} : memref<64x128xf32, #tpu.memory_space<vmem>>, vector<64x128xf32>,
      %broadcast_in_dim3A_74 = arith.constant 0.000000e+00 : f32
      %broadcast_in_dim3A_75 = vector.broadcast %broadcast_in_dim3A_74 : f32 to vector<64x8xf32>
      %swap3A_76 = arith.constant 0 : index
      %swap3A_77 = arith.constant 0 : index
      %swap3A_78 = vector.load %arg12[%swap3A_76, %swap3A_77] : memref<64x8xf32, #tpu.memory_space<vmem>>, vector<64x8xf32>
      tpu.vector_store %arg12[%swap3A_76, %swap3A_77], %broadcast_in_dim3A_75 {strides = array<i32>} : memref<64x8xf32, #tpu.memory_space<vmem>>, vector<64x8xf32>,
    } else {
    }
    %get3A_52 = arith.constant 0 : index
    %get3A_53 = arith.constant 0 : index
    %get3A_54 = vector.load %arg11[%get3A_52, %get3A_53] : memref<64x128xf32, #tpu.memory_space<vmem>>, vector<64x128xf32>
    %add3A_55 = arith.addf %get3A_54, %dot_general3A_47 : vector<64x128xf32>
    %swap3A_56 = arith.constant 0 : index
    %swap3A_57 = arith.constant 0 : index
    %swap3A_58 = vector.load %arg11[%swap3A_56, %swap3A_57] : memref<64x128xf32, #tpu.memory_space<vmem>>, vector<64x128xf32>
    tpu.vector_store %arg11[%swap3A_56, %swap3A_57], %add3A_55 {strides = array<i32>} : memref<64x128xf32, #tpu.memory_space<vmem>>, vector<64x128xf32>,
    %broadcast_in_dim3A = arith.constant 1.000000e+00 : f32
    %broadcast_in_dim3A_59 = vector.broadcast %broadcast_in_dim3A : f32 to vector<512x8xf32>
    %get3A_60 = arith.constant 0 : index
    %get3A_61 = arith.constant 0 : index
    %get3A_62 = vector.load %arg12[%get3A_60, %get3A_61] : memref<64x8xf32, #tpu.memory_space<vmem>>, vector<64x8xf32>
    %dot_general3A_63 = arith.constant dense<0.000000e+00> : vector<64x8xf32>
    %dot_general3A_64 = tpu.matmul %convert_element_type3A_45, %broadcast_in_dim3A_59, %dot_general3A_63 {dimension_numbers = #tpu.dot_dimension_numbers<[1], [0], [0], [1], [0, 0, 1, 1], [], []>, transpose_lhs_hint = false} : vector<64x512xf32>, vector<512x8xf32>, vector<64x8xf32> -> vector<64x8xf32>
    %add3A_65 = arith.addf %get3A_62, %dot_general3A_64 : vector<64x8xf32>
    %swap3A_66 = arith.constant 0 : index
    %swap3A_67 = arith.constant 0 : index
    %swap3A_68 = vector.load %arg12[%swap3A_66, %swap3A_67] : memref<64x8xf32, #tpu.memory_space<vmem>>, vector<64x8xf32>
    tpu.vector_store %arg12[%swap3A_66, %swap3A_67], %add3A_65 {strides = array<i32>} : memref<64x8xf32, #tpu.memory_space<vmem>>, vector<64x8xf32>,
    return
  }
  func.func @transform_0(%arg0: i32) -> (i32, i32) {
    %c0_i32 = arith.constant 0 : i32
    %c0_i32_0 = arith.constant 0 : i32
    return %arg0, %c0_i32 : i32, i32
  }
  func.func @transform_1(%arg0: i32) -> (i32, i32) {
    %c0_i32 = arith.constant 0 : i32
    %c0_i32_0 = arith.constant 0 : i32
    return %arg0, %c0_i32 : i32, i32
  }
  func.func @transform_2(%arg0: i32) -> (i32, i32) {
    %add3A = arith.constant 20 : i32
    %add3A_0 = arith.addi %arg0, %add3A : i32
    %c0_i32 = arith.constant 0 : i32
    %c0_i32_1 = arith.constant 0 : i32
    return %add3A_0, %c0_i32 : i32, i32
  }
  func.func @transform_3(%arg0: i32) -> (i32, i32) {
    %c0_i32 = arith.constant 0 : i32
    %c0_i32_0 = arith.constant 0 : i32
    return %arg0, %c0_i32 : i32, i32
  }
  func.func @transform_4(%arg0: i32) -> (i32, i32) {
    %add3A = arith.constant 20 : i32
    %add3A_0 = arith.addi %arg0, %add3A : i32
    %c0_i32 = arith.constant 0 : i32
    %c0_i32_1 = arith.constant 0 : i32
    return %add3A_0, %c0_i32 : i32, i32
  }
  func.func @transform_5(%arg0: i32) -> (i32, i32, i32) {
    %c0_i32 = arith.constant 0 : i32
    %c0_i32_0 = arith.constant 0 : i32
    %c0_i32_1 = arith.constant 0 : i32
    return %arg0, %c0_i32, %c0_i32_0 : i32, i32, i32
  }
  func.func @transform_6(%arg0: i32) -> (i32, i32) {
    %c0_i32 = arith.constant 0 : i32
    %c0_i32_0 = arith.constant 0 : i32
    %c0_i32_1 = arith.constant 0 : i32
    return %c0_i32, %c0_i32_0 : i32, i32
  }
  func.func @transform_7(%arg0: i32) -> (i32, i32) {
    %c0_i32 = arith.constant 0 : i32
    %c0_i32_0 = arith.constant 0 : i32
    %c0_i32_1 = arith.constant 0 : i32
    return %c0_i32, %c0_i32_0 : i32, i32
  }
  func.func @transform_8(%arg0: i32) -> (i32, i32) {
    %c0_i32 = arith.constant 0 : i32
    %c0_i32_0 = arith.constant 0 : i32
    %c0_i32_1 = arith.constant 0 : i32
    return %c0_i32, %c0_i32_0 : i32, i32
  }
  func.func @transform_9(%arg0: i32) -> (i32, i32) {
    %c0_i32 = arith.constant 0 : i32
    %c0_i32_0 = arith.constant 0 : i32
    return %arg0, %c0_i32 : i32, i32
  }
  func.func @transform_10(%arg0: i32) -> (i32, i32) {
    %c0_i32 = arith.constant 0 : i32
    %c0_i32_0 = arith.constant 0 : i32
    %c0_i32_1 = arith.constant 0 : i32
    return %c0_i32, %c0_i32_0 : i32, i32
  }
  func.func @transform_11(%arg0: i32) -> (i32, i32) {
    %c0_i32 = arith.constant 0 : i32
    %c0_i32_0 = arith.constant 0 : i32
    %c0_i32_1 = arith.constant 0 : i32
    return %c0_i32, %c0_i32_0 : i32, i32
  }
}

module attributes {stable_mosaic.version = 14 : i64} {
  func.func @_tc_layer_body(%arg0: i32, %arg1: memref<512x128xf32, #tpu.memory_space<vmem>>, %arg2: memref<512x128xf32, #tpu.memory_space<vmem>>, %arg3: memref<512x128xf32, #tpu.memory_space<vmem>>, %arg4: memref<512x128xf32, #tpu.memory_space<vmem>>, %arg5: memref<512x128xf32, #tpu.memory_space<vmem>>, %arg6: memref<1x1x512xi32, #tpu.memory_space<vmem>>, %arg7: memref<128x128xf32, #tpu.memory_space<vmem>>, %arg8: memref<128x128xf32, #tpu.memory_space<vmem>>, %arg9: memref<1x128xf32, #tpu.memory_space<vmem>>, %arg10: memref<64x128xf32, #tpu.memory_space<vmem>>) attributes {dimension_semantics = [#tpu.dimension_semantics<arbitrary>], iteration_bounds = array<i64: 20>, scalar_prefetch = 0 : i64, scratch_operands = 0 : i64, tpu.core_type = #tpu.core_type<tc>, window_params = [{transform_indices = @transform_0, window_bounds = array<i64: 512, 128>}, {transform_indices = @transform_1, window_bounds = array<i64: 512, 128>}, {transform_indices = @transform_2, window_bounds = array<i64: 512, 128>}, {transform_indices = @transform_3, window_bounds = array<i64: 512, 128>}, {transform_indices = @transform_4, window_bounds = array<i64: 512, 128>}, {transform_indices = @transform_5, window_bounds = array<i64: 1, 1, 512>}, {pipeline_mode = #tpu.pipeline_mode<synchronous>, transform_indices = @transform_6, window_bounds = array<i64: 128, 128>}, {pipeline_mode = #tpu.pipeline_mode<synchronous>, transform_indices = @transform_7, window_bounds = array<i64: 128, 128>}, {pipeline_mode = #tpu.pipeline_mode<synchronous>, transform_indices = @transform_8, window_bounds = array<i64: 1, 128>}, {pipeline_mode = #tpu.pipeline_mode<synchronous>, transform_indices = @transform_9, window_bounds = array<i64: 64, 128>}]} {
    %get3A = arith.constant 0 : index
    %get3A_0 = arith.constant 0 : index
    %get3A_1 = vector.load %arg2[%get3A, %get3A_0] : memref<512x128xf32, #tpu.memory_space<vmem>>, vector<512x128xf32>
    %get3A_2 = arith.constant 0 : index
    %get3A_3 = arith.constant 0 : index
    %get3A_4 = vector.load %arg3[%get3A_2, %get3A_3] : memref<512x128xf32, #tpu.memory_space<vmem>>, vector<512x128xf32>
    %add3A = arith.addf %get3A_1, %get3A_4 : vector<512x128xf32>
    %get3A_5 = arith.constant 0 : index
    %get3A_6 = arith.constant 0 : index
    %get3A_7 = vector.load %arg4[%get3A_5, %get3A_6] : memref<512x128xf32, #tpu.memory_space<vmem>>, vector<512x128xf32>
    %get3A_8 = arith.constant 0 : index
    %get3A_9 = arith.constant 0 : index
    %get3A_10 = vector.load %arg5[%get3A_8, %get3A_9] : memref<512x128xf32, #tpu.memory_space<vmem>>, vector<512x128xf32>
    %add3A_11 = arith.addf %get3A_7, %get3A_10 : vector<512x128xf32>
    %slice3A = vector.extract_strided_slice %add3A_11 {offsets = [0, 0], sizes = [512, 1], strides = [1, 1]} : vector<512x128xf32> to vector<512x1xf32>
    %max3A = arith.constant 1.000000e+00 : f32
    %max3A_12 = vector.broadcast %max3A : f32 to vector<512x1xf32>
    %max3A_13 = arith.maximumf %slice3A, %max3A_12 : vector<512x1xf32>
    %div3A = vector.broadcast %max3A_13 : vector<512x1xf32> to vector<512x128xf32>
    %div3A_14 = arith.divf %add3A, %div3A : vector<512x128xf32>
    %get3A_15 = arith.constant 0 : index
    %get3A_16 = arith.constant 0 : index
    %get3A_17 = vector.load %arg7[%get3A_15, %get3A_16] : memref<128x128xf32, #tpu.memory_space<vmem>>, vector<128x128xf32>
    %dot_general3A = arith.constant dense<0.000000e+00> : vector<512x128xf32>
    %dot_general3A_18 = tpu.matmul %div3A_14, %get3A_17, %dot_general3A {dimension_numbers = #tpu.dot_dimension_numbers<[1], [1], [0], [0], [0, 0, 1, 0], [], []>, transpose_lhs_hint = false} : vector<512x128xf32>, vector<128x128xf32>, vector<512x128xf32> -> vector<512x128xf32>
    %get3A_19 = arith.constant 0 : index
    %get3A_20 = arith.constant 0 : index
    %get3A_21 = vector.load %arg1[%get3A_19, %get3A_20] : memref<512x128xf32, #tpu.memory_space<vmem>>, vector<512x128xf32>
    %get3A_22 = arith.constant 0 : index
    %get3A_23 = arith.constant 0 : index
    %get3A_24 = vector.load %arg8[%get3A_22, %get3A_23] : memref<128x128xf32, #tpu.memory_space<vmem>>, vector<128x128xf32>
    %dot_general3A_25 = arith.constant dense<0.000000e+00> : vector<512x128xf32>
    %dot_general3A_26 = tpu.matmul %get3A_21, %get3A_24, %dot_general3A_25 {dimension_numbers = #tpu.dot_dimension_numbers<[1], [1], [0], [0], [0, 0, 1, 0], [], []>, transpose_lhs_hint = false} : vector<512x128xf32>, vector<128x128xf32>, vector<512x128xf32> -> vector<512x128xf32>
    %add3A_27 = arith.addf %dot_general3A_18, %dot_general3A_26 : vector<512x128xf32>
    %get3A_28 = arith.constant 0 : index
    %get3A_29 = arith.constant 0 : index
    %get3A_30 = vector.load %arg9[%get3A_28, %get3A_29] : memref<1x128xf32, #tpu.memory_space<vmem>>, vector<1x128xf32>
    %add3A_31 = vector.broadcast %get3A_30 : vector<1x128xf32> to vector<512x128xf32>
    %add3A_32 = arith.addf %add3A_27, %add3A_31 : vector<512x128xf32>
    %max3A_33 = arith.constant 0.000000e+00 : f32
    %max3A_34 = vector.broadcast %max3A_33 : f32 to vector<512x128xf32>
    %max3A_35 = arith.maximumf %add3A_32, %max3A_34 : vector<512x128xf32>
    %get3A_36 = arith.constant 0 : index
    %get3A_37 = arith.constant 0 : index
    %get3A_38 = arith.constant 0 : index
    %get3A_39 = vector.load %arg6[%get3A_36, %get3A_37, %get3A_38] : memref<1x1x512xi32, #tpu.memory_space<vmem>>, vector<1x1x512xi32>
    %get3A_40 = vector.shape_cast %get3A_39 : vector<1x1x512xi32> to vector<1x512xi32>
    %iota3A = tpu.iota {dimensions = array<i32: 0>} : vector<64x1xi32>
    %eq3A = vector.broadcast %get3A_40 : vector<1x512xi32> to vector<64x512xi32>
    %eq3A_41 = vector.broadcast %iota3A : vector<64x1xi32> to vector<64x512xi32>
    %eq3A_42 = arith.cmpi eq, %eq3A, %eq3A_41 : vector<64x512xi32>
    %convert_element_type3A = arith.extui %eq3A_42 : vector<64x512xi1> to vector<64x512xi32>
    %convert_element_type3A_43 = arith.sitofp %convert_element_type3A : vector<64x512xi32> to vector<64x512xf32>
    %dot_general3A_44 = arith.constant dense<0.000000e+00> : vector<64x128xf32>
    %dot_general3A_45 = tpu.matmul %convert_element_type3A_43, %max3A_35, %dot_general3A_44 {dimension_numbers = #tpu.dot_dimension_numbers<[1], [0], [0], [1], [0, 0, 1, 1], [], []>, transpose_lhs_hint = false} : vector<64x512xf32>, vector<512x128xf32>, vector<64x128xf32> -> vector<64x128xf32>
    %eq3A_46 = arith.constant 0 : i32
    %eq3A_47 = arith.cmpi eq, %arg0, %eq3A_46 : i32
    %convert_element_type3A_48 = arith.extui %eq3A_47 : i1 to i32
    %cond3A = arith.constant 0 : i32
    %cond3A_49 = arith.cmpi ne, %convert_element_type3A_48, %cond3A : i32
    scf.if %cond3A_49 {
      %broadcast_in_dim3A = arith.constant 0.000000e+00 : f32
      %broadcast_in_dim3A_56 = vector.broadcast %broadcast_in_dim3A : f32 to vector<64x128xf32>
      %swap3A_57 = arith.constant 0 : index
      %swap3A_58 = arith.constant 0 : index
      %swap3A_59 = vector.load %arg10[%swap3A_57, %swap3A_58] : memref<64x128xf32, #tpu.memory_space<vmem>>, vector<64x128xf32>
      tpu.vector_store %arg10[%swap3A_57, %swap3A_58], %broadcast_in_dim3A_56 {strides = array<i32>} : memref<64x128xf32, #tpu.memory_space<vmem>>, vector<64x128xf32>,
    } else {
    }
    %get3A_50 = arith.constant 0 : index
    %get3A_51 = arith.constant 0 : index
    %get3A_52 = vector.load %arg10[%get3A_50, %get3A_51] : memref<64x128xf32, #tpu.memory_space<vmem>>, vector<64x128xf32>
    %add3A_53 = arith.addf %get3A_52, %dot_general3A_45 : vector<64x128xf32>
    %swap3A = arith.constant 0 : index
    %swap3A_54 = arith.constant 0 : index
    %swap3A_55 = vector.load %arg10[%swap3A, %swap3A_54] : memref<64x128xf32, #tpu.memory_space<vmem>>, vector<64x128xf32>
    tpu.vector_store %arg10[%swap3A, %swap3A_54], %add3A_53 {strides = array<i32>} : memref<64x128xf32, #tpu.memory_space<vmem>>, vector<64x128xf32>,
    return
  }
  func.func @transform_0(%arg0: i32) -> (i32, i32) {
    %c0_i32 = arith.constant 0 : i32
    %c0_i32_0 = arith.constant 0 : i32
    return %arg0, %c0_i32 : i32, i32
  }
  func.func @transform_1(%arg0: i32) -> (i32, i32) {
    %c0_i32 = arith.constant 0 : i32
    %c0_i32_0 = arith.constant 0 : i32
    return %arg0, %c0_i32 : i32, i32
  }
  func.func @transform_2(%arg0: i32) -> (i32, i32) {
    %add3A = arith.constant 20 : i32
    %add3A_0 = arith.addi %arg0, %add3A : i32
    %c0_i32 = arith.constant 0 : i32
    %c0_i32_1 = arith.constant 0 : i32
    return %add3A_0, %c0_i32 : i32, i32
  }
  func.func @transform_3(%arg0: i32) -> (i32, i32) {
    %c0_i32 = arith.constant 0 : i32
    %c0_i32_0 = arith.constant 0 : i32
    return %arg0, %c0_i32 : i32, i32
  }
  func.func @transform_4(%arg0: i32) -> (i32, i32) {
    %add3A = arith.constant 20 : i32
    %add3A_0 = arith.addi %arg0, %add3A : i32
    %c0_i32 = arith.constant 0 : i32
    %c0_i32_1 = arith.constant 0 : i32
    return %add3A_0, %c0_i32 : i32, i32
  }
  func.func @transform_5(%arg0: i32) -> (i32, i32, i32) {
    %c0_i32 = arith.constant 0 : i32
    %c0_i32_0 = arith.constant 0 : i32
    %c0_i32_1 = arith.constant 0 : i32
    return %arg0, %c0_i32, %c0_i32_0 : i32, i32, i32
  }
  func.func @transform_6(%arg0: i32) -> (i32, i32) {
    %c0_i32 = arith.constant 0 : i32
    %c0_i32_0 = arith.constant 0 : i32
    %c0_i32_1 = arith.constant 0 : i32
    return %c0_i32, %c0_i32_0 : i32, i32
  }
  func.func @transform_7(%arg0: i32) -> (i32, i32) {
    %c0_i32 = arith.constant 0 : i32
    %c0_i32_0 = arith.constant 0 : i32
    %c0_i32_1 = arith.constant 0 : i32
    return %c0_i32, %c0_i32_0 : i32, i32
  }
  func.func @transform_8(%arg0: i32) -> (i32, i32) {
    %c0_i32 = arith.constant 0 : i32
    %c0_i32_0 = arith.constant 0 : i32
    %c0_i32_1 = arith.constant 0 : i32
    return %c0_i32, %c0_i32_0 : i32, i32
  }
  func.func @transform_9(%arg0: i32) -> (i32, i32) {
    %c0_i32 = arith.constant 0 : i32
    %c0_i32_0 = arith.constant 0 : i32
    %c0_i32_1 = arith.constant 0 : i32
    return %c0_i32, %c0_i32_0 : i32, i32
  }
}

module attributes {stable_mosaic.version = 14 : i64} {
  func.func @_tc_head_body(%arg0: memref<64x128xf32, #tpu.memory_space<vmem>>, %arg1: memref<64x128xf32, #tpu.memory_space<vmem>>, %arg2: memref<64x8xf32, #tpu.memory_space<vmem>>, %arg3: memref<128x128xf32, #tpu.memory_space<vmem>>, %arg4: memref<128x128xf32, #tpu.memory_space<vmem>>, %arg5: memref<1x128xf32, #tpu.memory_space<vmem>>, %arg6: memref<10x128xf32, #tpu.memory_space<vmem>>, %arg7: memref<1x10xf32, #tpu.memory_space<vmem>>, %arg8: memref<64x10xf32, #tpu.memory_space<vmem>>) attributes {dimension_semantics = [], scalar_prefetch = 0 : i64, scratch_operands = 0 : i64, tpu.core_type = #tpu.core_type<tc>} {
    %get3A = arith.constant 0 : index
    %get3A_0 = arith.constant 0 : index
    %get3A_1 = vector.load %arg2[%get3A, %get3A_0] : memref<64x8xf32, #tpu.memory_space<vmem>>, vector<64x8xf32>
    %slice3A = vector.extract_strided_slice %get3A_1 {offsets = [0, 0], sizes = [64, 1], strides = [1, 1]} : vector<64x8xf32> to vector<64x1xf32>
    %max3A = arith.constant 1.000000e+00 : f32
    %max3A_2 = vector.broadcast %max3A : f32 to vector<64x1xf32>
    %max3A_3 = arith.maximumf %slice3A, %max3A_2 : vector<64x1xf32>
    %get3A_4 = arith.constant 0 : index
    %get3A_5 = arith.constant 0 : index
    %get3A_6 = vector.load %arg0[%get3A_4, %get3A_5] : memref<64x128xf32, #tpu.memory_space<vmem>>, vector<64x128xf32>
    %div3A = vector.broadcast %max3A_3 : vector<64x1xf32> to vector<64x128xf32>
    %div3A_7 = arith.divf %get3A_6, %div3A : vector<64x128xf32>
    %get3A_8 = arith.constant 0 : index
    %get3A_9 = arith.constant 0 : index
    %get3A_10 = vector.load %arg3[%get3A_8, %get3A_9] : memref<128x128xf32, #tpu.memory_space<vmem>>, vector<128x128xf32>
    %dot_general3A = arith.constant dense<0.000000e+00> : vector<64x128xf32>
    %dot_general3A_11 = tpu.matmul %div3A_7, %get3A_10, %dot_general3A {dimension_numbers = #tpu.dot_dimension_numbers<[1], [1], [0], [0], [0, 0, 1, 0], [], []>, transpose_lhs_hint = false} : vector<64x128xf32>, vector<128x128xf32>, vector<64x128xf32> -> vector<64x128xf32>
    %get3A_12 = arith.constant 0 : index
    %get3A_13 = arith.constant 0 : index
    %get3A_14 = vector.load %arg1[%get3A_12, %get3A_13] : memref<64x128xf32, #tpu.memory_space<vmem>>, vector<64x128xf32>
    %div3A_15 = vector.broadcast %max3A_3 : vector<64x1xf32> to vector<64x128xf32>
    %div3A_16 = arith.divf %get3A_14, %div3A_15 : vector<64x128xf32>
    %get3A_17 = arith.constant 0 : index
    %get3A_18 = arith.constant 0 : index
    %get3A_19 = vector.load %arg4[%get3A_17, %get3A_18] : memref<128x128xf32, #tpu.memory_space<vmem>>, vector<128x128xf32>
    %dot_general3A_20 = arith.constant dense<0.000000e+00> : vector<64x128xf32>
    %dot_general3A_21 = tpu.matmul %div3A_16, %get3A_19, %dot_general3A_20 {dimension_numbers = #tpu.dot_dimension_numbers<[1], [1], [0], [0], [0, 0, 1, 0], [], []>, transpose_lhs_hint = false} : vector<64x128xf32>, vector<128x128xf32>, vector<64x128xf32> -> vector<64x128xf32>
    %add3A = arith.addf %dot_general3A_11, %dot_general3A_21 : vector<64x128xf32>
    %get3A_22 = arith.constant 0 : index
    %get3A_23 = arith.constant 0 : index
    %get3A_24 = vector.load %arg5[%get3A_22, %get3A_23] : memref<1x128xf32, #tpu.memory_space<vmem>>, vector<1x128xf32>
    %add3A_25 = vector.broadcast %get3A_24 : vector<1x128xf32> to vector<64x128xf32>
    %add3A_26 = arith.addf %add3A, %add3A_25 : vector<64x128xf32>
    %max3A_27 = arith.constant 0.000000e+00 : f32
    %max3A_28 = vector.broadcast %max3A_27 : f32 to vector<64x128xf32>
    %max3A_29 = arith.maximumf %add3A_26, %max3A_28 : vector<64x128xf32>
    %get3A_30 = arith.constant 0 : index
    %get3A_31 = arith.constant 0 : index
    %get3A_32 = vector.load %arg6[%get3A_30, %get3A_31] : memref<10x128xf32, #tpu.memory_space<vmem>>, vector<10x128xf32>
    %dot_general3A_33 = arith.constant dense<0.000000e+00> : vector<64x10xf32>
    %dot_general3A_34 = tpu.matmul %max3A_29, %get3A_32, %dot_general3A_33 {dimension_numbers = #tpu.dot_dimension_numbers<[1], [1], [0], [0], [0, 0, 1, 0], [], []>, transpose_lhs_hint = false} : vector<64x128xf32>, vector<10x128xf32>, vector<64x10xf32> -> vector<64x10xf32>
    %get3A_35 = arith.constant 0 : index
    %get3A_36 = arith.constant 0 : index
    %get3A_37 = vector.load %arg7[%get3A_35, %get3A_36] : memref<1x10xf32, #tpu.memory_space<vmem>>, vector<1x10xf32>
    %add3A_38 = vector.broadcast %get3A_37 : vector<1x10xf32> to vector<64x10xf32>
    %add3A_39 = arith.addf %dot_general3A_34, %add3A_38 : vector<64x10xf32>
    %swap3A = arith.constant 0 : index
    %swap3A_40 = arith.constant 0 : index
    %swap3A_41 = vector.load %arg8[%swap3A, %swap3A_40] : memref<64x10xf32, #tpu.memory_space<vmem>>, vector<64x10xf32>
    tpu.vector_store %arg8[%swap3A, %swap3A_40], %add3A_39 {strides = array<i32>} : memref<64x10xf32, #tpu.memory_space<vmem>>, vector<64x10xf32>,
    return
  }
}

</mosaic_0001>

<sc_bundles>
// kernel: kernel.11.cloned.1.call-start
scs
__scs_entry_jumppad:
0x0: {  	(pc) =	sbr.rel $0x88, $3  }
0x1: {  	(tag) =	ssettag $0x0;
	lr =	simm.s32 $0x1  }
0x2: {  	[smem:$0x3F94] =	sst lr;
	_ =	strace $0xD0000000  }
0x3: {  	_ = 	snop  }
0x4: {  	_ = 	snop  }
0x5: {  	_ = 	snop  }
0x6: {  	_ = 	snop  }
0x7: {  	_ = 	snop  }
__scs_overlays_trampoline_lowered:
0x8: {  	[smem:$0x3FA3] =	sst s0  }
0x9: {  	[smem:$0x3FA4] =	sst s1  }
0xa: {  	[smem:$0x3FA5] =	sst s2  }
0xb: {  	[smem:$0x3FA6] =	sst s3  }
0xc: {  	[smem:$0x3FA7] =	sst s4  }
0xd: {  	[smem:$0x3FA8] =	sst s5  }
0xe: {  	[smem:$0x3FA9] =	sst s6  }
0xf: {  	[smem:$0x3FAA] =	sst s7  }
0x10: {  	[smem:$0x3FAB] =	sst s8  }
0x11: {  	[smem:$0x3FAC] =	sst s9;
	s0 =	simm.s32 @!p0 $0x0  }
0x12: {  	s1 =	sld [smem:$0x3F92];
	s0 =	simm.s32 @p0 $0x1  }
0x13: {  	[smem:$0x3FAD] =	sst s0;
	s0 =	simm.s32 @!p1 $0x0  }
0x14: {  	s2 =	sld [smem:$0x3F91];
	s0 =	simm.s32 @p1 $0x1  }
0x15: {  	[smem:$0x3FAE] =	sst s0;
	s0 =	simm.s32 @!p2 $0x0  }
0x16: {  	s3 =	sld [smem:$0x3FDB];
	s0 =	simm.s32 @p2 $0x1  }
0x17: {  	s4 =	simm.s32 $0x1BF5;
	[smem:$0x3FB0] =	sst s0  }
0x18: {  	s0 =	sld [smem:$0x3F93];
	_ =	swait.ge [sflag:s4], $0x0  }
0x19: {  	s7 =	sld [smem:$0x3F94]  }
0x1a: {  	s8 =	sadd.s32 $0xFFFFE003, lr  }
0x1b: {  	s9 =	sadd.s32 $0xFFFFFEF7, lr;
	s5 =	simm.s32 $0xFFFFFFFF;
	p2 =	slt.u32 s8, $0xFFFFF086  }
0x1c: {  	p1 =	slt.u32 s9, $0xF7A;
	s5 =	simm.s32 @!p2 $0x0  }
0x1d: {  	s5 =	simm.s32 @p1 $0x1;
	p0 =	seq.s32 s7, s2  }
0x1e: {  	s7 =	smul.u32 @!p0 $0xF7A, s2;
	p2 =	seq.s32 @!p0 s5, $0x0  }
0x1f: {  	s9 =	smul.u32 $0xF7A, s1;
	s8 =	simm.s32 @!p0 $0x1BF5;
	p2 =	por !p2, p0  }
0x20: {  	[sflag:s8] =	ssyncset.s32 @!p0 $0xFFFFF086;
	s6 =	sadd.s32 @!p0 s3, s7;
	s7 =	simm.s32 @!p0 $0x108  }
0x21: {  	s3 =	sadd.s32 s3, s9;
	s6 =	sadd.s32 @!p0 $0x88, s6;
	s7 =	simm.s32 @p2 $0x1082  }
0x22: {  	[simem:s7], [sflag:s8] =	dma.local @!p0 [hbm:s6], $0xF7A  }
0x23: {  	s9 =	sor.u32 $0xD0000000, s2;
	s6 =	simm.s32 $0x108;
	_ =	swait.ge @!p0 [sflag:s8], $0x0  }
0x24: {  	s3 =	sadd.s32 $0x88, s3;
	s6 =	simm.s32 @!p1 $0x1082;
	[sflag:s4] =	ssyncset.s32 $0xFFFFF086  }
0x25: {  	[simem:s6], [sflag:s4] =	dma.local [hbm:s3], $0xF7A  }
0x26: {  	[smem:$0x3F94] =	sst s1;
	(tag) =	ssettag s2;
	_ =	strace s9  }
0x27: {  	s1 =	sld [smem:$0x3FA4]  }
0x28: {  	s2 =	sld [smem:$0x3FA5]  }
0x29: {  	s4 =	sld [smem:$0x3FA7]  }
0x2a: {  	p0 =	seq.s32 s5, $0x0;
	s5 =	sld [smem:$0x3FA8]  }
0x2b: {  	s6 =	sld [smem:$0x3FA9]  }
0x2c: {  	s7 =	sld [smem:$0x3FAA]  }
0x2d: {  	s3 =	simm.s32 $0x108;
	s8 =	sld [smem:$0x3FAB]  }
0x2e: {  	s3 =	simm.s32 @!p0 $0x1082;
	s9 =	sld [smem:$0x3FAC]  }
0x2f: {  	lr =	sadd.s32 s0, s3;
	s0 =	sld [smem:$0x3FA3]  }
0x30: {  	s3 =	sld [smem:$0x3FA6]  }
0x31: {  	[smem:$0x3FAF] =	sst s10  }
0x32: {  	s10 =	sld [smem:$0x3FAD];
	_ =	sdelay $0x3  }
0x33: {  	p0 =	seq.s32 s10, $0x1;
	s10 =	sld [smem:$0x3FAF];
	_ =	sdelay $0x3  }
0x34: {  	[smem:$0x3FAF] =	sst s10  }
0x35: {  	s10 =	sld [smem:$0x3FAE];
	_ =	sdelay $0x3  }
0x36: {  	p1 =	seq.s32 s10, $0x1;
	s10 =	sld [smem:$0x3FAF];
	_ =	sdelay $0x3  }
0x37: {  	[smem:$0x3FAF] =	sst s10  }
0x38: {  	s10 =	sld [smem:$0x3FB0]  }
0x39: {  	_ = 	snop;
	(pc) =	sbr.ind lr, $3  }
0x3a: {  	_ = 	snop  }
0x3b: {  	_ = 	snop  }
0x3c: {  	p2 =	seq.s32 s10, $0x1;
	s10 =	sld [smem:$0x3FAF]  }
0x3d: {  	_ =	shalt  }
0x3e: {  	_ =	shalt  }
0x3f: {  	_ =	shalt  }
0x40: {  	_ =	shalt  }
0x41: {  	_ =	shalt  }
0x42: {  	_ =	shalt  }
0x43: {  	_ =	shalt  }
0x44: {  	_ =	shalt  }
0x45: {  	_ =	shalt  }
0x46: {  	_ =	shalt  }
0x47: {  	_ =	shalt  }
0x48: {  	_ =	shalt  }
0x49: {  	_ =	shalt  }
0x4a: {  	_ =	shalt  }
0x4b: {  	_ =	shalt  }
0x4c: {  	_ =	shalt  }
0x4d: {  	_ =	shalt  }
0x4e: {  	_ =	shalt  }
0x4f: {  	_ =	shalt  }
0x50: {  	_ =	shalt  }
0x51: {  	_ =	shalt  }
0x52: {  	_ =	shalt  }
0x53: {  	_ =	shalt  }
0x54: {  	_ =	shalt  }
0x55: {  	_ =	shalt  }
0x56: {  	_ =	shalt  }
0x57: {  	_ =	shalt  }
0x58: {  	_ =	shalt  }
0x59: {  	_ =	shalt  }
0x5a: {  	_ =	shalt  }
0x5b: {  	_ =	shalt  }
0x5c: {  	_ =	shalt  }
0x5d: {  	_ =	shalt  }
0x5e: {  	_ =	shalt  }
0x5f: {  	_ =	shalt  }
0x60: {  	_ =	shalt  }
0x61: {  	_ =	shalt  }
0x62: {  	_ =	shalt  }
0x63: {  	_ =	shalt  }
0x64: {  	_ =	shalt  }
0x65: {  	_ =	shalt  }
0x66: {  	_ =	shalt  }
0x67: {  	_ =	shalt  }
0x68: {  	_ =	shalt  }
0x69: {  	_ =	shalt  }
0x6a: {  	_ =	shalt  }
0x6b: {  	_ =	shalt  }
0x6c: {  	_ =	shalt  }
0x6d: {  	_ =	shalt  }
0x6e: {  	_ =	shalt  }
0x6f: {  	_ =	shalt  }
0x70: {  	_ =	shalt  }
0x71: {  	_ =	shalt  }
0x72: {  	_ =	shalt  }
0x73: {  	_ =	shalt  }
0x74: {  	_ =	shalt  }
0x75: {  	_ =	shalt  }
0x76: {  	_ =	shalt  }
0x77: {  	_ =	shalt  }
0x78: {  	_ =	shalt  }
0x79: {  	_ =	shalt  }
0x7a: {  	_ =	shalt  }
0x7b: {  	_ =	shalt  }
0x7c: {  	_ =	shalt  }
0x7d: {  	_ =	shalt  }
0x7e: {  	_ =	shalt  }
0x7f: {  	_ =	shalt  }
0x80: {  	_ =	shalt  }
0x81: {  	_ =	shalt  }
0x82: {  	_ =	shalt  }
0x83: {  	_ =	shalt  }
0x84: {  	_ =	shalt  }
0x85: {  	_ =	shalt  }
0x86: {  	_ =	shalt  }
0x87: {  	_ =	shalt  }
.Lfunc_end0:
.L_simem_size_0:
called_computation.1_lowered:
.L_overlay_start_0:
0x88: {  	s2 =	sld [smem:$0x3FD9]  }
0x89: {  	s3 =	sld [smem:$0x3FFE];
	_ =	sdelay $0x1  }
0x8a: {  	s1 =	srdreg.scid  }
0x8b: {  	s0 =	sand.u32 $0x1, s1  }
0x8c: {  	s16 =	sshll.u32 s0, $0xA;
	s2 =	sadd.s32 s3, s2  }
0x8d: {  	s2 =	sadd.s32 s2, s16  }
0x8e: {  	[smem:$0x3FBB] =	sst s2  }
0x8f: {  	_ = 	snop  }
0x90: {  	(tm) =	ssettm $0x1  }
0x91: {  	s17 =	sld [smem:$0x3FFB];
	_ =	sdelay $0x3  }
0x92: {  	_ =	strace s17  }
0x93: {  	s2 =	sld [smem:$0x3FFC];
	_ =	sdelay $0x3  }
0x94: {  	_ =	strace s2  }
0x95: {  	s2 =	sld [smem:$0x3FFD];
	_ =	sdelay $0x3  }
0x96: {  	_ =	strace s2  }
0x97: {  	_ =	strace $0x8FFFFFFF  }
0x98: {  	s18 =	sld [smem:$0x3FDB];
	_ =	sdelay $0x1  }
0x99: {  	s19 =	simm.s32 $_scs_section_size  }
0x9a: {  	s4 =	simm.s32 $_size__tile_overlayer_lowered;
	s5 =	simm.s32 $_tile_overlayer_lowered  }
0x9b: {  	s22 =	simm.s32 $0x1BFF;
	s21 =	sshll.u32 s5, $0x1;
	s2 =	sadd.s32 s19, s18  }
0x9c: {  	s6 =	simm.s32 $0x0;
	s20 =	sshll.u32 s4, $0x1;
	s4 =	sadd.s32 s21, s2  }
0x9d: {  	[timem:s6], [sflag:s22] =	dma.local [hbm:s4], s20  }
0x9e: {  	_ =	swait.ge [sflag:s22], s20  }
0x9f: {  	s3 =	ssub.s32 $0x0, s20;
	[sflag:s22] =	ssyncset.done $0x0  }
0xa0: {  	[sflag:s22] =	ssyncadd.s32 s3;
	_ =	sdelay $0x1  }
0xa1: {  	s23 =	simm.s32 $0x1B8B  }
0xa2: {  	_ =	swait.ge [sflag:s23], $0x1  }
0xa3: {  	[sflag:s23] =	ssyncset.done $0x0  }
0xa4: {  	s25 =	simm.s32 $0x1B8E;
	s24 =	sld [smem:$0x3FFE];
	[sflag:s23] =	ssyncadd.s32 $0xFFFFFFFF  }
0xa5: {  	s26 =	simm.s32 $execute0_lowered;
	[smem:$0x3FD2] =	sst s25  }
0xa6: {  	s4 =	sshll.u32 s26, $0x1;
	_ =	strace $0x80000046;
	[dreg:$0x1] =	wrdreg $0xFFFFFFFF  }
0xa7: {  	s28 =	simm.s32 $_size_execute0_lowered;
	s2 =	sadd.s32 s2, s4;
	[dreg:$0x0] =	wrdreg $0x0  }
0xa8: {  	s4 =	sshll.u32 s28, $0x1;
	[dreg:$0x2] =	wrdreg s2  }
0xa9: {  	[dreg:$0x3] =	wrdreg s4  }
0xaa: {  	[dreg:$0x4] =	wrdreg $0xC0  }
0xab: {  	_ =	task [dreg:s6], $0x5FFFF  }
0xac: {  	[dreg:$0x1] =	wrdreg $0xFFFFFFFF  }
0xad: {  	[dreg:$0x0] =	wrdreg $0x60  }
0xae: {  	[dreg:$0x2] =	wrdreg s24  }
0xaf: {  	[dreg:$0x3] =	wrdreg $0xA8000  }
0xb0: {  	[dreg:$0x4] =	wrdreg $0xA  }
0xb1: {  	_ =	task.clear_ibuf [dreg:s6], $0x5FFFF;
	_ =	strace $0x90000046  }
0xb2: {  	s29 =	simm.s32 $0xA;
	_ =	strace $0x80000048  }
0xb3: {  	_ =	swait.ge [sflag:s29], $0x1  }
0xb4: {  	[sflag:s29] =	ssyncadd.s32 $0xFFFFFFFF  }
0xb5: {  	_ =	strace $0x90000048  }
0xb6: {  	_ =	sfence  }
0xb7: {  	s30 =	sld [smem:$0x0];
	_ =	sdelay $0x2  }
0xb8: {  	s31 =	sshll.u32 s1, $0xD;
	s1 =	sshrl.u32 s1, $0x2  }
0xb9: {  	s3 =	sand.u32 $0x4000, s31;
	s1 =	sadd.s32 s1, s30  }
0xba: {  	s0 =	sor.u32 s3, s0;
	s1 =	sshll.u32 s1, $0x11  }
0xbb: {  	s0 =	sor.u32 s1, s0  }
0xbc: {  	s0 =	sadd.s32 $0x8F2B, s0  }
0xbd: {  	[sflag:s0] =	ssyncadd.remote.s32 $0x1  }
0xbe: {  	_ =	sfence.sel $0xFFFF  }
0xbf: {  	[dreg:$0x0] =	wrdreg $0xFFFFFFFF;
	(pc) =	sbr.abs _section_cstart, $3  }
0xc0: {  	[dreg:$0x1] =	wrdreg $0xFFFFFFFF  }
0xc1: {  	_ =	task.clear_ibuf [dreg:s6], $0x2FFFF;
	_ =	strace $0x9FFFFFFF  }
0xc2: {  	(tm) =	ssettm $0x7FFFFFFF  }
0xc3: {  	_ =	shalt  }
tec
execute0_lowered:
.L_overlay_start_1:
0x0: {  	(tag) =	ssettag $0x1  }
0x1: {  	s0 =	rddreg [dreg:$0x0]  }
0x2: {  	s1 =	rddreg [dreg:$0x1];
	s2 =	simm.s32 $0x0;
	s3 =	srdreg.scid  }
0x3: {  	s11 =	stileid.u32;
	s28 =	simm.s32 $0x1400;
	s29 =	simm.s32 $0x40  }
0x4: {  	s30 =	simm.s32 $0x2800;
	s31 =	simm.s32 $0x80;
	[smem:$0x7FF] =	sst s2  }
0x5: {  	s4 =	sadd.s32 $0x2BC00, s0;
	s5 =	sadd.s32 $0x17C00, s0;
	s9 =	smul.u32 $0x50000, s11  }
0x6: {  	s3 =	sand.u32 $0x1, s3;
	s6 =	sadd.s32 $0x3C00, s0;
	s12 =	smul.u32 $0x280, s11  }
0x7: {  	s7 =	sadd.s32 $0x53C00, s0;
	s0 =	sadd.s32 $0x54400, s0;
	s18 =	smul.u32 $0x50, s11  }
0x8: {  	s17 =	sshll.u32 s11, $0x6;
	s14 =	smul.u32 $0xF0, s11;
	_ =	strace $0x80000047  }
0x9: {  	s8 =	ssub.s32 $0x2, s3;
	s13 =	smul.u32 $0x2800, s3;
	p0 =	seq.s32 s3, $0x0  }
0xa: {  	s10 =	sshrl.u32 s8, $0x1;
	s9 =	sshrl.u32 s9, $0x2;
	s11 =	sadd.s32 $0xF00, s18  }
0xb: {  	s21 =	sadd.s32 $0x80, s12;
	s25 =	sadd.s32 $0x100, s12;
	s8 =	ssub.s32 s8, s10  }
0xc: {  	s20 =	sadd.s32 s9, s1;
	s9 =	sor.u32 $0x1C05, s17;
	s10 =	simm.s32 $0x6  }
0xd: {  	s15 =	sadd.s32 s13, s12;
	s11 =	smov.u32 @p0 s14;
	s23 =	sadd.s32 s13, s21  }
0xe: {  	s17 =	sadd.s32 $0x180, s12;
	s18 =	sadd.s32 s13, s25;
	s12 =	sadd.s32 $0x200, s12  }
0xf: {  	s10 =	simm.s32 @!p0 $0x2;
	s19 =	sshll.u32 s15, $0x4;
	s8 =	smax.u32 s8, $0x1  }
0x10: {  	s22 =	sadd.s32 $0x4000, s20;
	s24 =	sadd.s32 $0x8000, s20;
	s16 =	sadd.s32 $0xC000, s20  }
0x11: {  	s14 =	sshll.u32 s23, $0x4;
	s18 =	sshll.u32 s18, $0x4;
	[dreg:$0x3] =	wrdreg s20  }
0x12: {  	s15 =	simm.s32 $0x1;
	s3 =	sadd.s32 s0, s19;
	[dreg:$0x5] =	wrdreg s8  }
0x13: {  	s14 =	sadd.s32 s0, s14;
	s19 =	sadd.s32 s13, s17;
	s13 =	sadd.s32 s13, s12  }
0x14: {  	s18 =	sadd.s32 s0, s18;
	s12 =	sshll.u32 s12, $0x7;
	[dreg:$0x4] =	wrdreg s3  }
0x15: {  	s8 =	sshrl.u32 s22, $0x3;
	s22 =	sshrl.u32 s16, $0x3;
	[dreg:$0x6] =	wrdreg s14  }
0x16: {  	s16 =	simm.s32 $0x2;
	s19 =	sshll.u32 s19, $0x4;
	[dreg:$0x7] =	wrdreg s18  }
0x17: {  	s13 =	sshll.u32 s13, $0x4;
	s18 =	sadd.s32 $0x10000, s20;
	s3 =	sshll.u32 s21, $0x7  }
0x18: {  	s20 =	sshll.u32 s17, $0x7;
	s12 =	sadd.s32 s12, s1;
	[dreg:$0xa] =	wrdreg s8  }
0x19: {  	s21 =	sshrl.u32 s24, $0x3;
	[dreg:$0xc] =	wrdreg s22;
	s17 =	simm.s32 $0x3  }
0x1a: {  	s8 =	simm.s32 $0x4;
	s26 =	sadd.s32 s0, s19;
	s0 =	sadd.s32 s0, s13  }
0x1b: {  	s3 =	sadd.s32 s3, s1;
	s19 =	sshll.u32 s25, $0x7;
	[dreg:$0xb] =	wrdreg s21  }
0x1c: {  	s14 =	sadd.s32 s20, s1;
	s20 =	simm.s32 $0x2700;
	[dreg:$0x8] =	wrdreg s26  }
0x1d: {  	s21 =	simm.s32 $0x2780;
	[dreg:$0x9] =	wrdreg s0;
	s13 =	sadd.s32 s19, s1  }
0x1e: {  	s0 =	sshrl.u32 s18, $0x3;
	s23 =	sshrl.u32 s3, $0x3;
	s25 =	sshrl.u32 s14, $0x3  }
0x1f: {  	s26 =	sshrl.u32 s12, $0x3;
	s3 =	simm.s32 $0x100;
	[dreg:$0xd] =	wrdreg s0  }
0x20: {  	s12 =	simm.s32 $0x6800;
	s14 =	simm.s32 $0x8800;
	[dreg:$0xe] =	wrdreg s23  }
0x21: {  	s18 =	simm.s32 $0x2600;
	s19 =	simm.s32 $0x2680;
	[dreg:$0x10] =	wrdreg s25  }
0x22: {  	s24 =	sshrl.u32 s13, $0x3;
	[dreg:$0x11] =	wrdreg s26;
	s26 =	simm.s32 $0x5  }
0x23: {  	s0 =	simm.s32 $0x4800;
	s13 =	simm.s32 $0x180;
	[dreg:$0xf] =	wrdreg s24  }
.LBB2_1:
0x24: {  	s22 =	rddreg [dreg:$0x3]  }
0x25: {  	s22 =	sshrl.u32 s22, $0x3  }
0x26: {  	[dreg:$0x12] =	wrdreg s22  }
0x27: {  	[spmem:s22], [sflag:s9] =	dma.local [hbm:s7], $0x800  }
0x28: {  	_ =	swait.ge [sflag:s26], $0x800  }
0x29: {  	[sflag:s26] =	ssyncset.done $0x0  }
0x2a: {  	s25 =	rddreg [dreg:$0xa];
	[sflag:s26] =	ssyncadd.s32 $0xFFFFF800  }
0x2b: {  	[spmem:s25], [sflag:s9] =	dma.local [hbm:s7], $0x800  }
0x2c: {  	_ =	swait.ge [sflag:s26], $0x800  }
0x2d: {  	[sflag:s26] =	ssyncset.done $0x0  }
0x2e: {  	s23 =	rddreg [dreg:$0xb];
	[sflag:s26] =	ssyncadd.s32 $0xFFFFF800  }
0x2f: {  	[spmem:s23], [sflag:s9] =	dma.local [hbm:s7], $0x800  }
0x30: {  	_ =	swait.ge [sflag:s26], $0x800  }
0x31: {  	[sflag:s26] =	ssyncset.done $0x0  }
0x32: {  	s24 =	rddreg [dreg:$0xc];
	[sflag:s26] =	ssyncadd.s32 $0xFFFFF800  }
0x33: {  	[spmem:s24], [sflag:s9] =	dma.local [hbm:s7], $0x800  }
0x34: {  	_ =	swait.ge [sflag:s26], $0x800  }
0x35: {  	[sflag:s26] =	ssyncset.done $0x0  }
0x36: {  	s25 =	rddreg [dreg:$0xd];
	[sflag:s26] =	ssyncadd.s32 $0xFFFFF800  }
0x37: {  	[spmem:s25], [sflag:s9] =	dma.local [hbm:s7], $0x800  }
0x38: {  	_ =	swait.ge [sflag:s26], $0x800  }
0x39: {  	[sflag:s26] =	ssyncset.done $0x0  }
0x3a: {  	[sflag:s26] =	ssyncadd.s32 $0xFFFFF800  }
0x3b: {  	s23 =	simm.s32 $0x0;
	[bflag:$0x0] =	sbarrier.arrive $0xFFFF  }
.LBB2_2:
0x3c: {  	s24 =	smul.u32 $0x28, s23;
	_ =	sdelay $0x1  }
0x3d: {  	s24 =	sadd.s32 s11, s24  }
0x3e: {  	s24 =	sshll.u32 s24, $0x4  }
0x3f: {  	s22 =	simm.s32 $0x0;
	s25 =	sadd.s32 s5, s24  }
0x40: {  	[tilespmem:s22], [sflag:$0x5] =	stream.linear.gather [hbm4b:s25+s22], $0x1400, $0x38;
	[tilespmem:$0x1E800] =	vst v63  }
0x41: {  	_ =	swait.ge [sflag:s26], $0x1400  }
0x42: {  	[sflag:s26] =	ssyncset.done $0x0  }
0x43: {  	s24 =	sadd.s32 s6, s24;
	[sflag:s26] =	ssyncadd.s32 $0xFFFFEC00  }
0x44: {  	[tilespmem:s28], [sflag:$0x5] =	stream.linear.gather [hbm4b:s24+s22], $0x1400, $0x38;
	[tilespmem:$0x1E800] =	vst v63  }
0x45: {  	_ =	swait.ge [sflag:s26], $0x1400  }
0x46: {  	[sflag:s26] =	ssyncset.done $0x0  }
0x47: {  	[sflag:s26] =	ssyncadd.s32 $0xFFFFEC00  }
0x48: {  	[tilespmem:s30], [sflag:$0x1] =	stream.indirect.gather [hbm4b:s4+s29], $0x80, s22, s29, $0xb8;
	[tilespmem:$0x1E800] =	vst v63  }
0x49: {  	_ = 	snop  }
0x4a: {  	[tilespmem:s0], [sflag:$0x2] =	stream.indirect.gather [hbm4b:s4+s29], $0x80, s31, s29, $0xb8;
	[tilespmem:$0x1E800] =	vst v63  }
0x4b: {  	_ = 	snop  }
0x4c: {  	[tilespmem:s12], [sflag:$0x3] =	stream.indirect.gather [hbm4b:s4+s29], $0x80, s3, s29, $0xb8;
	[tilespmem:$0x1E800] =	vst v63  }
0x4d: {  	_ = 	snop  }
0x4e: {  	[tilespmem:s14], [sflag:$0x4] =	stream.indirect.gather [hbm4b:s4+s29], $0x80, s13, s29, $0xb8;
	[tilespmem:$0x1E800] =	vst v63  }
0x4f: {  	_ =	swait.ge [sflag:s15], $0x2000  }
0x50: {  	[sflag:s15] =	ssyncset.done $0x0  }
0x51: {  	s25 =	simm.s32 $0x1400;
	[sflag:s15] =	ssyncadd.s32 $0xFFFFE000  }
0x52: {  	[spmem:s1] =	stream.indirect.scatter.add.f32 [tilespmem:s30], [sflag:$0x5], $0x80, s25, s29, $0xb8;
	[tilespmem:$0x1E800] =	vst v63  }
0x53: {  	_ =	swait.ge [sflag:s26], $0x2000  }
0x54: {  	[sflag:s26] =	ssyncset.done $0x0  }
0x55: {  	s24 =	simm.s32 $0x200;
	[sflag:s26] =	ssyncadd.s32 $0xFFFFE000  }
0x56: {  	[tilespmem:s30], [sflag:$0x1] =	stream.indirect.gather [hbm4b:s4+s29], $0x80, s24, s29, $0xb8;
	[tilespmem:$0x1E800] =	vst v63  }
0x57: {  	_ =	swait.ge [sflag:s16], $0x2000  }
0x58: {  	[sflag:s16] =	ssyncset.done $0x0  }
0x59: {  	s25 =	simm.s32 $0x1480;
	[sflag:s16] =	ssyncadd.s32 $0xFFFFE000  }
0x5a: {  	[spmem:s1] =	stream.indirect.scatter.add.f32 [tilespmem:s0], [sflag:$0x5], $0x80, s25, s29, $0xb8;
	[tilespmem:$0x1E800] =	vst v63  }
0x5b: {  	_ =	swait.ge [sflag:s26], $0x2000  }
0x5c: {  	[sflag:s26] =	ssyncset.done $0x0  }
0x5d: {  	s24 =	simm.s32 $0x280;
	[sflag:s26] =	ssyncadd.s32 $0xFFFFE000  }
0x5e: {  	[tilespmem:s0], [sflag:$0x2] =	stream.indirect.gather [hbm4b:s4+s29], $0x80, s24, s29, $0xb8;
	[tilespmem:$0x1E800] =	vst v63  }
0x5f: {  	_ =	swait.ge [sflag:s17], $0x2000  }
0x60: {  	[sflag:s17] =	ssyncset.done $0x0  }
0x61: {  	s25 =	simm.s32 $0x1500;
	[sflag:s17] =	ssyncadd.s32 $0xFFFFE000  }
0x62: {  	[spmem:s1] =	stream.indirect.scatter.add.f32 [tilespmem:s12], [sflag:$0x5], $0x80, s25, s29, $0xb8;
	[tilespmem:$0x1E800] =	vst v63  }
0x63: {  	_ =	swait.ge [sflag:s26], $0x2000  }
0x64: {  	[sflag:s26] =	ssyncset.done $0x0  }
0x65: {  	s24 =	simm.s32 $0x300;
	[sflag:s26] =	ssyncadd.s32 $0xFFFFE000  }
0x66: {  	[tilespmem:s12], [sflag:$0x3] =	stream.indirect.gather [hbm4b:s4+s29], $0x80, s24, s29, $0xb8;
	[tilespmem:$0x1E800] =	vst v63  }
0x67: {  	_ =	swait.ge [sflag:s8], $0x2000  }
0x68: {  	[sflag:s8] =	ssyncset.done $0x0  }
0x69: {  	s25 =	simm.s32 $0x1580;
	[sflag:s8] =	ssyncadd.s32 $0xFFFFE000  }
0x6a: {  	[spmem:s1] =	stream.indirect.scatter.add.f32 [tilespmem:s14], [sflag:$0x5], $0x80, s25, s29, $0xb8;
	[tilespmem:$0x1E800] =	vst v63  }
0x6b: {  	_ =	swait.ge [sflag:s26], $0x2000  }
0x6c: {  	[sflag:s26] =	ssyncset.done $0x0  }
0x6d: {  	s24 =	simm.s32 $0x800;
	s25 =	simm.s32 $0x380;
	[sflag:s26] =	ssyncadd.s32 $0xFFFFE000  }
.LBB2_3:
0x6e: {  	[tilespmem:s14], [sflag:$0x4] =	stream.indirect.gather [hbm4b:s4+s29], $0x80, s25, s29, $0xb8;
	[tilespmem:$0x1E800] =	vst v63  }
0x6f: {  	s22 =	smov.u32 s24  }
0x70: {  	p0 =	sne.s32 s24, $0x4000;
	s24 =	sadd.s32 $0x800, s24;
	_ =	swait.ge [sflag:s15], $0x2000  }
0x71: {  	s25 =	sshra.s32 s22, $0x2;
	[sflag:s15] =	ssyncset.done $0x0  }
0x72: {  	s22 =	sadd.s32 $0x1400, s25;
	[sflag:s15] =	ssyncadd.s32 $0xFFFFE000  }
0x73: {  	[spmem:s1] =	stream.indirect.scatter.add.f32 [tilespmem:s30], [sflag:$0x5], $0x80, s22, s29, $0xb8;
	[tilespmem:$0x1E800] =	vst v63  }
0x74: {  	_ =	swait.ge [sflag:s26], $0x2000  }
0x75: {  	[sflag:s26] =	ssyncset.done $0x0  }
0x76: {  	s22 =	sadd.s32 $0x200, s25;
	[sflag:s26] =	ssyncadd.s32 $0xFFFFE000  }
0x77: {  	[tilespmem:s30], [sflag:$0x1] =	stream.indirect.gather [hbm4b:s4+s29], $0x80, s22, s29, $0xb8;
	[tilespmem:$0x1E800] =	vst v63  }
0x78: {  	_ =	swait.ge [sflag:s16], $0x2000  }
0x79: {  	[sflag:s16] =	ssyncset.done $0x0  }
0x7a: {  	s22 =	sadd.s32 $0x1480, s25;
	[sflag:s16] =	ssyncadd.s32 $0xFFFFE000  }
0x7b: {  	[spmem:s1] =	stream.indirect.scatter.add.f32 [tilespmem:s0], [sflag:$0x5], $0x80, s22, s29, $0xb8;
	[tilespmem:$0x1E800] =	vst v63  }
0x7c: {  	_ =	swait.ge [sflag:s26], $0x2000  }
0x7d: {  	[sflag:s26] =	ssyncset.done $0x0  }
0x7e: {  	s22 =	sadd.s32 $0x280, s25;
	[sflag:s26] =	ssyncadd.s32 $0xFFFFE000  }
0x7f: {  	[tilespmem:s0], [sflag:$0x2] =	stream.indirect.gather [hbm4b:s4+s29], $0x80, s22, s29, $0xb8;
	[tilespmem:$0x1E800] =	vst v63  }
0x80: {  	_ =	swait.ge [sflag:s17], $0x2000  }
0x81: {  	[sflag:s17] =	ssyncset.done $0x0  }
0x82: {  	s22 =	sadd.s32 $0x1500, s25;
	[sflag:s17] =	ssyncadd.s32 $0xFFFFE000  }
0x83: {  	[spmem:s1] =	stream.indirect.scatter.add.f32 [tilespmem:s12], [sflag:$0x5], $0x80, s22, s29, $0xb8;
	[tilespmem:$0x1E800] =	vst v63  }
0x84: {  	_ =	swait.ge [sflag:s26], $0x2000  }
0x85: {  	[sflag:s26] =	ssyncset.done $0x0  }
0x86: {  	s22 =	sadd.s32 $0x300, s25;
	[sflag:s26] =	ssyncadd.s32 $0xFFFFE000  }
0x87: {  	[tilespmem:s12], [sflag:$0x3] =	stream.indirect.gather [hbm4b:s4+s29], $0x80, s22, s29, $0xb8;
	[tilespmem:$0x1E800] =	vst v63  }
0x88: {  	_ =	swait.ge [sflag:s8], $0x2000  }
0x89: {  	[sflag:s8] =	ssyncset.done $0x0  }
.Ltmp0:
0x8a: {  	s22 =	sadd.s32 $0x1580, s25;
	[sflag:s8] =	ssyncadd.s32 $0xFFFFE000;
	(pc) =	sbr.rel @p0 .LBB2_3-.Ltmp0, $4  }
0x8b: {  	[spmem:s1] =	stream.indirect.scatter.add.f32 [tilespmem:s14], [sflag:$0x5], $0x80, s22, s29, $0xb8;
	[tilespmem:$0x1E800] =	vst v63  }
0x8c: {  	_ =	swait.ge [sflag:s26], $0x2000  }
0x8d: {  	[sflag:s26] =	ssyncset.done $0x0  }
0x8e: {  	s25 =	sadd.s32 $0x380, s25;
	[sflag:s26] =	ssyncadd.s32 $0xFFFFE000  }
0x8f: {  	[tilespmem:s14], [sflag:$0x4] =	stream.indirect.gather [hbm4b:s4+s29], $0x80, s25, s29, $0xb8;
	[tilespmem:$0x1E800] =	vst v63  }
0x90: {  	_ =	swait.ge [sflag:s15], $0x2000  }
0x91: {  	[sflag:s15] =	ssyncset.done $0x0  }
0x92: {  	[sflag:s15] =	ssyncadd.s32 $0xFFFFE000  }
0x93: {  	[spmem:s1] =	stream.indirect.scatter.add.f32 [tilespmem:s30], [sflag:$0x5], $0x80, s18, s29, $0xb8;
	[tilespmem:$0x1E800] =	vst v63  }
0x94: {  	_ =	swait.ge [sflag:s26], $0x2000  }
0x95: {  	[sflag:s26] =	ssyncset.done $0x0  }
0x96: {  	[sflag:s26] =	ssyncadd.s32 $0xFFFFE000  }
0x97: {  	_ =	swait.ge [sflag:s16], $0x2000  }
0x98: {  	[sflag:s16] =	ssyncset.done $0x0  }
0x99: {  	[sflag:s16] =	ssyncadd.s32 $0xFFFFE000  }
0x9a: {  	[spmem:s1] =	stream.indirect.scatter.add.f32 [tilespmem:s0], [sflag:$0x5], $0x80, s19, s29, $0xb8;
	[tilespmem:$0x1E800] =	vst v63  }
0x9b: {  	_ =	swait.ge [sflag:s26], $0x2000  }
0x9c: {  	[sflag:s26] =	ssyncset.done $0x0  }
0x9d: {  	[sflag:s26] =	ssyncadd.s32 $0xFFFFE000  }
0x9e: {  	_ =	swait.ge [sflag:s17], $0x2000  }
0x9f: {  	[sflag:s17] =	ssyncset.done $0x0  }
0xa0: {  	[sflag:s17] =	ssyncadd.s32 $0xFFFFE000  }
0xa1: {  	[spmem:s1] =	stream.indirect.scatter.add.f32 [tilespmem:s12], [sflag:$0x5], $0x80, s20, s29, $0xb8;
	[tilespmem:$0x1E800] =	vst v63  }
0xa2: {  	_ =	swait.ge [sflag:s26], $0x2000  }
0xa3: {  	[sflag:s26] =	ssyncset.done $0x0  }
0xa4: {  	[sflag:s26] =	ssyncadd.s32 $0xFFFFE000  }
0xa5: {  	s23 =	sadd.s32 $0x1, s23;
	_ =	swait.ge [sflag:s8], $0x2000  }
0xa6: {  	p0 =	sne.s32 s23, s10;
	[sflag:s8] =	ssyncset.done $0x0  }
.Ltmp1:
0xa7: {  	[sflag:s8] =	ssyncadd.s32 $0xFFFFE000;
	(pc) =	sbr.rel @p0 .LBB2_2-.Ltmp1, $4  }
0xa8: {  	[spmem:s1] =	stream.indirect.scatter.add.f32 [tilespmem:s14], [sflag:$0x5], $0x80, s21, s29, $0xb8;
	[tilespmem:$0x1E800] =	vst v63  }
0xa9: {  	_ =	swait.ge [sflag:s26], $0x2000  }
0xaa: {  	[sflag:s26] =	ssyncset.done $0x0  }
0xab: {  	[sflag:s26] =	ssyncadd.s32 $0xFFFFE000  }
0xac: {  	[bflag:$0x0] =	sbarrier.arrive $0xFFFF  }
0xad: {  	s22 =	rddreg [dreg:$0x4]  }
0xae: {  	s23 =	rddreg [dreg:$0x12]  }
0xaf: {  	[hbm:s22], [sflag:s9] =	dma.local [spmem:s23], $0x800  }
0xb0: {  	_ =	swait.ge [sflag:s26], $0x800  }
0xb1: {  	[sflag:s26] =	ssyncset.done $0x0;
	s24 =	rddreg [dreg:$0x6]  }
0xb2: {  	s25 =	rddreg [dreg:$0xe];
	[sflag:s26] =	ssyncadd.s32 $0xFFFFF800  }
0xb3: {  	[hbm:s24], [sflag:s9] =	dma.local [spmem:s25], $0x800  }
0xb4: {  	_ =	swait.ge [sflag:s26], $0x800  }
0xb5: {  	[sflag:s26] =	ssyncset.done $0x0;
	s24 =	rddreg [dreg:$0x7]  }
0xb6: {  	s25 =	rddreg [dreg:$0xf];
	[sflag:s26] =	ssyncadd.s32 $0xFFFFF800  }
0xb7: {  	[hbm:s24], [sflag:s9] =	dma.local [spmem:s25], $0x800  }
0xb8: {  	_ =	swait.ge [sflag:s26], $0x800  }
0xb9: {  	[sflag:s26] =	ssyncset.done $0x0;
	s24 =	rddreg [dreg:$0x8]  }
0xba: {  	s25 =	rddreg [dreg:$0x10];
	[sflag:s26] =	ssyncadd.s32 $0xFFFFF800  }
0xbb: {  	[hbm:s24], [sflag:s9] =	dma.local [spmem:s25], $0x800  }
0xbc: {  	_ =	swait.ge [sflag:s26], $0x800  }
0xbd: {  	[sflag:s26] =	ssyncset.done $0x0;
	s23 =	rddreg [dreg:$0x9]  }
0xbe: {  	s24 =	rddreg [dreg:$0x11];
	[sflag:s26] =	ssyncadd.s32 $0xFFFFF800  }
0xbf: {  	[hbm:s23], [sflag:s9] =	dma.local [spmem:s24], $0x800  }
0xc0: {  	_ =	swait.ge [sflag:s26], $0x800  }
0xc1: {  	s2 =	sadd.s32 $0x1, s2;
	s25 =	rddreg [dreg:$0x5]  }
0xc2: {  	p0 =	sne.s32 s2, s25  }
.Ltmp2:
0xc3: {  	_ = 	snop;
	(pc) =	sbr.rel @p0 .LBB2_1-.Ltmp2, $3  }
0xc4: {  	_ =	sdelay $0x1  }
0xc5: {  	[sflag:s26] =	ssyncset.done $0x0  }
0xc6: {  	[sflag:s26] =	ssyncadd.s32 $0xFFFFF800  }
0xc7: {  	_ =	sfence.sel $0x180000  }
0xc8: {  	[bflag:$0x0] =	sbarrier.arrive $0xFFFF  }
0xc9: {  	_ =	strace $0x90000047  }
0xca: {  	s0 =	stileid.u32;
	[bflag:$0x2] =	sbarrier.arrive $0xFFFF  }
0xcb: {  	p0 =	sne.s32 s0, $0x0;
	s0 =	rddreg [dreg:$0x2]  }
0xcc: {  	s0 =	sadd.s32 @!p0 $0x100000, s0  }
0xcd: {  	[sflag:s0] =	ssyncadd.tile.s32 @!p0 $0x1;
	_ =	shalt  }
.Lfunc_end2:
_tile_overlayer_lowered:
.L_overlay_start_2:
0xce: {  	(tag) =	ssettag $0x2  }
0xcf: {  	s0 =	rddreg [dreg:$0x0];
	s2 =	stileid.u32  }
0xd0: {  	s1 =	rddreg [dreg:$0x1];
	p0 =	sne.s32 s2, $0x0  }
0xd1: {  	s3 =	rddreg [dreg:$0x2];
	[bflag:$0x3] =	sbarrier.arrive $0xFFFF;
	s2 =	simm.s32 @!p0 $0x1C05  }
0xd2: {  	[timem:s3], [sflag:s2] =	dma.local @!p0 [hbm:s0], s1  }
0xd3: {  	s0 =	simm.s32 @!p0 $0x5  }
0xd4: {  	_ =	swait.ge @!p0 [sflag:s0], s1  }
0xd5: {  	s1 =	ssub.s32 @!p0 $0x0, s1;
	[sflag:s0] =	ssyncset.done @!p0 $0x0  }
0xd6: {  	[sflag:s0] =	ssyncadd.s32 @!p0 s1  }
0xd7: {  	[bflag:$0x3] =	sbarrier.arrive $0xFFFF  }
0xd8: {  	_ =	shalt  }

// kernel: kernel.14.cloned.1.call-start
scs
__scs_entry_jumppad:
0x0: {  	(pc) =	sbr.rel $0x88, $3  }
0x1: {  	(tag) =	ssettag $0x0;
	lr =	simm.s32 $0x1  }
0x2: {  	[smem:$0x3F94] =	sst lr;
	_ =	strace $0xD0000000  }
0x3: {  	_ = 	snop  }
0x4: {  	_ = 	snop  }
0x5: {  	_ = 	snop  }
0x6: {  	_ = 	snop  }
0x7: {  	_ = 	snop  }
__scs_overlays_trampoline_lowered:
0x8: {  	[smem:$0x3FA3] =	sst s0  }
0x9: {  	[smem:$0x3FA4] =	sst s1  }
0xa: {  	[smem:$0x3FA5] =	sst s2  }
0xb: {  	[smem:$0x3FA6] =	sst s3  }
0xc: {  	[smem:$0x3FA7] =	sst s4  }
0xd: {  	[smem:$0x3FA8] =	sst s5  }
0xe: {  	[smem:$0x3FA9] =	sst s6  }
0xf: {  	[smem:$0x3FAA] =	sst s7  }
0x10: {  	[smem:$0x3FAB] =	sst s8  }
0x11: {  	[smem:$0x3FAC] =	sst s9;
	s0 =	simm.s32 @!p0 $0x0  }
0x12: {  	s1 =	sld [smem:$0x3F92];
	s0 =	simm.s32 @p0 $0x1  }
0x13: {  	[smem:$0x3FAD] =	sst s0;
	s0 =	simm.s32 @!p1 $0x0  }
0x14: {  	s2 =	sld [smem:$0x3F91];
	s0 =	simm.s32 @p1 $0x1  }
0x15: {  	[smem:$0x3FAE] =	sst s0;
	s0 =	simm.s32 @!p2 $0x0  }
0x16: {  	s3 =	sld [smem:$0x3FDB];
	s0 =	simm.s32 @p2 $0x1  }
0x17: {  	s4 =	simm.s32 $0x1BF5;
	[smem:$0x3FB0] =	sst s0  }
0x18: {  	s0 =	sld [smem:$0x3F93];
	_ =	swait.ge [sflag:s4], $0x0  }
0x19: {  	s7 =	sld [smem:$0x3F94]  }
0x1a: {  	s8 =	sadd.s32 $0xFFFFE003, lr  }
0x1b: {  	s9 =	sadd.s32 $0xFFFFFEF7, lr;
	s5 =	simm.s32 $0xFFFFFFFF;
	p2 =	slt.u32 s8, $0xFFFFF086  }
0x1c: {  	p1 =	slt.u32 s9, $0xF7A;
	s5 =	simm.s32 @!p2 $0x0  }
0x1d: {  	s5 =	simm.s32 @p1 $0x1;
	p0 =	seq.s32 s7, s2  }
0x1e: {  	s7 =	smul.u32 @!p0 $0xF7A, s2;
	p2 =	seq.s32 @!p0 s5, $0x0  }
0x1f: {  	s9 =	smul.u32 $0xF7A, s1;
	s8 =	simm.s32 @!p0 $0x1BF5;
	p2 =	por !p2, p0  }
0x20: {  	[sflag:s8] =	ssyncset.s32 @!p0 $0xFFFFF086;
	s6 =	sadd.s32 @!p0 s3, s7;
	s7 =	simm.s32 @!p0 $0x108  }
0x21: {  	s3 =	sadd.s32 s3, s9;
	s6 =	sadd.s32 @!p0 $0x88, s6;
	s7 =	simm.s32 @p2 $0x1082  }
0x22: {  	[simem:s7], [sflag:s8] =	dma.local @!p0 [hbm:s6], $0xF7A  }
0x23: {  	s9 =	sor.u32 $0xD0000000, s2;
	s6 =	simm.s32 $0x108;
	_ =	swait.ge @!p0 [sflag:s8], $0x0  }
0x24: {  	s3 =	sadd.s32 $0x88, s3;
	s6 =	simm.s32 @!p1 $0x1082;
	[sflag:s4] =	ssyncset.s32 $0xFFFFF086  }
0x25: {  	[simem:s6], [sflag:s4] =	dma.local [hbm:s3], $0xF7A  }
0x26: {  	[smem:$0x3F94] =	sst s1;
	(tag) =	ssettag s2;
	_ =	strace s9  }
0x27: {  	s1 =	sld [smem:$0x3FA4]  }
0x28: {  	s2 =	sld [smem:$0x3FA5]  }
0x29: {  	s4 =	sld [smem:$0x3FA7]  }
0x2a: {  	p0 =	seq.s32 s5, $0x0;
	s5 =	sld [smem:$0x3FA8]  }
0x2b: {  	s6 =	sld [smem:$0x3FA9]  }
0x2c: {  	s7 =	sld [smem:$0x3FAA]  }
0x2d: {  	s3 =	simm.s32 $0x108;
	s8 =	sld [smem:$0x3FAB]  }
0x2e: {  	s3 =	simm.s32 @!p0 $0x1082;
	s9 =	sld [smem:$0x3FAC]  }
0x2f: {  	lr =	sadd.s32 s0, s3;
	s0 =	sld [smem:$0x3FA3]  }
0x30: {  	s3 =	sld [smem:$0x3FA6]  }
0x31: {  	[smem:$0x3FAF] =	sst s10  }
0x32: {  	s10 =	sld [smem:$0x3FAD];
	_ =	sdelay $0x3  }
0x33: {  	p0 =	seq.s32 s10, $0x1;
	s10 =	sld [smem:$0x3FAF];
	_ =	sdelay $0x3  }
0x34: {  	[smem:$0x3FAF] =	sst s10  }
0x35: {  	s10 =	sld [smem:$0x3FAE];
	_ =	sdelay $0x3  }
0x36: {  	p1 =	seq.s32 s10, $0x1;
	s10 =	sld [smem:$0x3FAF];
	_ =	sdelay $0x3  }
0x37: {  	[smem:$0x3FAF] =	sst s10  }
0x38: {  	s10 =	sld [smem:$0x3FB0]  }
0x39: {  	_ = 	snop;
	(pc) =	sbr.ind lr, $3  }
0x3a: {  	_ = 	snop  }
0x3b: {  	_ = 	snop  }
0x3c: {  	p2 =	seq.s32 s10, $0x1;
	s10 =	sld [smem:$0x3FAF]  }
0x3d: {  	_ =	shalt  }
0x3e: {  	_ =	shalt  }
0x3f: {  	_ =	shalt  }
0x40: {  	_ =	shalt  }
0x41: {  	_ =	shalt  }
0x42: {  	_ =	shalt  }
0x43: {  	_ =	shalt  }
0x44: {  	_ =	shalt  }
0x45: {  	_ =	shalt  }
0x46: {  	_ =	shalt  }
0x47: {  	_ =	shalt  }
0x48: {  	_ =	shalt  }
0x49: {  	_ =	shalt  }
0x4a: {  	_ =	shalt  }
0x4b: {  	_ =	shalt  }
0x4c: {  	_ =	shalt  }
0x4d: {  	_ =	shalt  }
0x4e: {  	_ =	shalt  }
0x4f: {  	_ =	shalt  }
0x50: {  	_ =	shalt  }
0x51: {  	_ =	shalt  }
0x52: {  	_ =	shalt  }
0x53: {  	_ =	shalt  }
0x54: {  	_ =	shalt  }
0x55: {  	_ =	shalt  }
0x56: {  	_ =	shalt  }
0x57: {  	_ =	shalt  }
0x58: {  	_ =	shalt  }
0x59: {  	_ =	shalt  }
0x5a: {  	_ =	shalt  }
0x5b: {  	_ =	shalt  }
0x5c: {  	_ =	shalt  }
0x5d: {  	_ =	shalt  }
0x5e: {  	_ =	shalt  }
0x5f: {  	_ =	shalt  }
0x60: {  	_ =	shalt  }
0x61: {  	_ =	shalt  }
0x62: {  	_ =	shalt  }
0x63: {  	_ =	shalt  }
0x64: {  	_ =	shalt  }
0x65: {  	_ =	shalt  }
0x66: {  	_ =	shalt  }
0x67: {  	_ =	shalt  }
0x68: {  	_ =	shalt  }
0x69: {  	_ =	shalt  }
0x6a: {  	_ =	shalt  }
0x6b: {  	_ =	shalt  }
0x6c: {  	_ =	shalt  }
0x6d: {  	_ =	shalt  }
0x6e: {  	_ =	shalt  }
0x6f: {  	_ =	shalt  }
0x70: {  	_ =	shalt  }
0x71: {  	_ =	shalt  }
0x72: {  	_ =	shalt  }
0x73: {  	_ =	shalt  }
0x74: {  	_ =	shalt  }
0x75: {  	_ =	shalt  }
0x76: {  	_ =	shalt  }
0x77: {  	_ =	shalt  }
0x78: {  	_ =	shalt  }
0x79: {  	_ =	shalt  }
0x7a: {  	_ =	shalt  }
0x7b: {  	_ =	shalt  }
0x7c: {  	_ =	shalt  }
0x7d: {  	_ =	shalt  }
0x7e: {  	_ =	shalt  }
0x7f: {  	_ =	shalt  }
0x80: {  	_ =	shalt  }
0x81: {  	_ =	shalt  }
0x82: {  	_ =	shalt  }
0x83: {  	_ =	shalt  }
0x84: {  	_ =	shalt  }
0x85: {  	_ =	shalt  }
0x86: {  	_ =	shalt  }
0x87: {  	_ =	shalt  }
.Lfunc_end0:
.L_simem_size_0:
called_computation.2_lowered:
.L_overlay_start_0:
0x88: {  	s2 =	sld [smem:$0x3FD9]  }
0x89: {  	s3 =	sld [smem:$0x3FFE];
	_ =	sdelay $0x1  }
0x8a: {  	s1 =	srdreg.scid  }
0x8b: {  	s0 =	sand.u32 $0x1, s1  }
0x8c: {  	s16 =	sshll.u32 s0, $0xA;
	s2 =	sadd.s32 s3, s2  }
0x8d: {  	s2 =	sadd.s32 s2, s16  }
0x8e: {  	[smem:$0x3FBB] =	sst s2  }
0x8f: {  	_ = 	snop  }
0x90: {  	(tm) =	ssettm $0x1  }
0x91: {  	s17 =	sld [smem:$0x3FFB];
	_ =	sdelay $0x3  }
0x92: {  	_ =	strace s17  }
0x93: {  	s2 =	sld [smem:$0x3FFC];
	_ =	sdelay $0x3  }
0x94: {  	_ =	strace s2  }
0x95: {  	s2 =	sld [smem:$0x3FFD];
	_ =	sdelay $0x3  }
0x96: {  	_ =	strace s2  }
0x97: {  	_ =	strace $0x8FFFFFFF  }
0x98: {  	s18 =	sld [smem:$0x3FDB];
	_ =	sdelay $0x1  }
0x99: {  	s19 =	simm.s32 $_scs_section_size  }
0x9a: {  	s4 =	simm.s32 $_size__tile_overlayer_lowered;
	s5 =	simm.s32 $_tile_overlayer_lowered  }
0x9b: {  	s22 =	simm.s32 $0x1BFF;
	s21 =	sshll.u32 s5, $0x1;
	s2 =	sadd.s32 s19, s18  }
0x9c: {  	s6 =	simm.s32 $0x0;
	s20 =	sshll.u32 s4, $0x1;
	s4 =	sadd.s32 s21, s2  }
0x9d: {  	[timem:s6], [sflag:s22] =	dma.local [hbm:s4], s20  }
0x9e: {  	_ =	swait.ge [sflag:s22], s20  }
0x9f: {  	s3 =	ssub.s32 $0x0, s20;
	[sflag:s22] =	ssyncset.done $0x0  }
0xa0: {  	[sflag:s22] =	ssyncadd.s32 s3;
	_ =	sdelay $0x1  }
0xa1: {  	s23 =	simm.s32 $0x1B8B  }
0xa2: {  	_ =	swait.ge [sflag:s23], $0x1  }
0xa3: {  	[sflag:s23] =	ssyncset.done $0x0  }
0xa4: {  	s25 =	simm.s32 $0x1B8E;
	s24 =	sld [smem:$0x3FFE];
	[sflag:s23] =	ssyncadd.s32 $0xFFFFFFFF  }
0xa5: {  	s26 =	simm.s32 $execute0_lowered;
	[smem:$0x3FD2] =	sst s25  }
0xa6: {  	s4 =	sshll.u32 s26, $0x1;
	_ =	strace $0x8000004C;
	[dreg:$0x1] =	wrdreg $0xFFFFFFFF  }
0xa7: {  	s28 =	simm.s32 $_size_execute0_lowered;
	s2 =	sadd.s32 s2, s4;
	[dreg:$0x0] =	wrdreg $0x0  }
0xa8: {  	s4 =	sshll.u32 s28, $0x1;
	[dreg:$0x2] =	wrdreg s2  }
0xa9: {  	[dreg:$0x3] =	wrdreg s4  }
0xaa: {  	[dreg:$0x4] =	wrdreg $0xC0  }
0xab: {  	_ =	task [dreg:s6], $0x5FFFF  }
0xac: {  	[dreg:$0x1] =	wrdreg $0xFFFFFFFF  }
0xad: {  	[dreg:$0x0] =	wrdreg $0x60  }
0xae: {  	[dreg:$0x2] =	wrdreg s24  }
0xaf: {  	[dreg:$0x3] =	wrdreg $0xA8000  }
0xb0: {  	[dreg:$0x4] =	wrdreg $0x9  }
0xb1: {  	_ =	task.clear_ibuf [dreg:s6], $0x5FFFF;
	_ =	strace $0x9000004C  }
0xb2: {  	s29 =	simm.s32 $0x9;
	_ =	strace $0x8000004E  }
0xb3: {  	_ =	swait.ge [sflag:s29], $0x1  }
0xb4: {  	[sflag:s29] =	ssyncadd.s32 $0xFFFFFFFF  }
0xb5: {  	_ =	strace $0x9000004E  }
0xb6: {  	_ =	sfence  }
0xb7: {  	s30 =	sld [smem:$0x0];
	_ =	sdelay $0x2  }
0xb8: {  	s31 =	sshll.u32 s1, $0xD;
	s1 =	sshrl.u32 s1, $0x2  }
0xb9: {  	s3 =	sand.u32 $0x4000, s31;
	s1 =	sadd.s32 s1, s30  }
0xba: {  	s0 =	sor.u32 s3, s0;
	s1 =	sshll.u32 s1, $0x11  }
0xbb: {  	s0 =	sor.u32 s1, s0  }
0xbc: {  	s0 =	sadd.s32 $0x8F2B, s0  }
0xbd: {  	[sflag:s0] =	ssyncadd.remote.s32 $0x1  }
0xbe: {  	_ =	sfence.sel $0xFFFF  }
0xbf: {  	[dreg:$0x0] =	wrdreg $0xFFFFFFFF;
	(pc) =	sbr.abs _section_cstart, $3  }
0xc0: {  	[dreg:$0x1] =	wrdreg $0xFFFFFFFF  }
0xc1: {  	_ =	task.clear_ibuf [dreg:s6], $0x2FFFF;
	_ =	strace $0x9FFFFFFF  }
0xc2: {  	(tm) =	ssettm $0x7FFFFFFF  }
0xc3: {  	_ =	shalt  }
tec
execute0_lowered:
.L_overlay_start_1:
0x0: {  	(tag) =	ssettag $0x1  }
0x1: {  	s0 =	rddreg [dreg:$0x0]  }
0x2: {  	s1 =	rddreg [dreg:$0x1];
	s2 =	simm.s32 $0x0;
	s3 =	srdreg.scid  }
0x3: {  	s11 =	stileid.u32;
	s28 =	simm.s32 $0x1400;
	s29 =	simm.s32 $0x40  }
0x4: {  	s30 =	simm.s32 $0x2800;
	s31 =	simm.s32 $0x80;
	[smem:$0x7FF] =	sst s2  }
0x5: {  	s4 =	sadd.s32 $0x2BC00, s0;
	s5 =	sadd.s32 $0x17C00, s0;
	s9 =	smul.u32 $0x50000, s11  }
0x6: {  	s3 =	sand.u32 $0x1, s3;
	s6 =	sadd.s32 $0x3C00, s0;
	s12 =	smul.u32 $0x280, s11  }
0x7: {  	s7 =	sadd.s32 $0x53C00, s0;
	s0 =	sadd.s32 $0x54400, s0;
	s18 =	smul.u32 $0x50, s11  }
0x8: {  	s17 =	sshll.u32 s11, $0x6;
	s14 =	smul.u32 $0xF0, s11;
	_ =	strace $0x8000004D  }
0x9: {  	s8 =	ssub.s32 $0x2, s3;
	s13 =	smul.u32 $0x2800, s3;
	p0 =	seq.s32 s3, $0x0  }
0xa: {  	s10 =	sshrl.u32 s8, $0x1;
	s9 =	sshrl.u32 s9, $0x2;
	s11 =	sadd.s32 $0xF00, s18  }
0xb: {  	s21 =	sadd.s32 $0x80, s12;
	s25 =	sadd.s32 $0x100, s12;
	s8 =	ssub.s32 s8, s10  }
0xc: {  	s20 =	sadd.s32 s9, s1;
	s9 =	sor.u32 $0x1C05, s17;
	s10 =	simm.s32 $0x6  }
0xd: {  	s15 =	sadd.s32 s13, s12;
	s11 =	smov.u32 @p0 s14;
	s23 =	sadd.s32 s13, s21  }
0xe: {  	s17 =	sadd.s32 $0x180, s12;
	s18 =	sadd.s32 s13, s25;
	s12 =	sadd.s32 $0x200, s12  }
0xf: {  	s10 =	simm.s32 @!p0 $0x2;
	s19 =	sshll.u32 s15, $0x4;
	s8 =	smax.u32 s8, $0x1  }
0x10: {  	s22 =	sadd.s32 $0x4000, s20;
	s24 =	sadd.s32 $0x8000, s20;
	s16 =	sadd.s32 $0xC000, s20  }
0x11: {  	s14 =	sshll.u32 s23, $0x4;
	s18 =	sshll.u32 s18, $0x4;
	[dreg:$0x3] =	wrdreg s20  }
0x12: {  	s15 =	simm.s32 $0x1;
	s3 =	sadd.s32 s0, s19;
	[dreg:$0x5] =	wrdreg s8  }
0x13: {  	s14 =	sadd.s32 s0, s14;
	s19 =	sadd.s32 s13, s17;
	s13 =	sadd.s32 s13, s12  }
0x14: {  	s18 =	sadd.s32 s0, s18;
	s12 =	sshll.u32 s12, $0x7;
	[dreg:$0x4] =	wrdreg s3  }
0x15: {  	s8 =	sshrl.u32 s22, $0x3;
	s22 =	sshrl.u32 s16, $0x3;
	[dreg:$0x6] =	wrdreg s14  }
0x16: {  	s16 =	simm.s32 $0x2;
	s19 =	sshll.u32 s19, $0x4;
	[dreg:$0x7] =	wrdreg s18  }
0x17: {  	s13 =	sshll.u32 s13, $0x4;
	s18 =	sadd.s32 $0x10000, s20;
	s3 =	sshll.u32 s21, $0x7  }
0x18: {  	s20 =	sshll.u32 s17, $0x7;
	s12 =	sadd.s32 s12, s1;
	[dreg:$0xa] =	wrdreg s8  }
0x19: {  	s21 =	sshrl.u32 s24, $0x3;
	[dreg:$0xc] =	wrdreg s22;
	s17 =	simm.s32 $0x3  }
0x1a: {  	s8 =	simm.s32 $0x4;
	s26 =	sadd.s32 s0, s19;
	s0 =	sadd.s32 s0, s13  }
0x1b: {  	s3 =	sadd.s32 s3, s1;
	s19 =	sshll.u32 s25, $0x7;
	[dreg:$0xb] =	wrdreg s21  }
0x1c: {  	s14 =	sadd.s32 s20, s1;
	s20 =	simm.s32 $0x2700;
	[dreg:$0x8] =	wrdreg s26  }
0x1d: {  	s21 =	simm.s32 $0x2780;
	[dreg:$0x9] =	wrdreg s0;
	s13 =	sadd.s32 s19, s1  }
0x1e: {  	s0 =	sshrl.u32 s18, $0x3;
	s23 =	sshrl.u32 s3, $0x3;
	s25 =	sshrl.u32 s14, $0x3  }
0x1f: {  	s26 =	sshrl.u32 s12, $0x3;
	s3 =	simm.s32 $0x100;
	[dreg:$0xd] =	wrdreg s0  }
0x20: {  	s12 =	simm.s32 $0x6800;
	s14 =	simm.s32 $0x8800;
	[dreg:$0xe] =	wrdreg s23  }
0x21: {  	s18 =	simm.s32 $0x2600;
	s19 =	simm.s32 $0x2680;
	[dreg:$0x10] =	wrdreg s25  }
0x22: {  	s24 =	sshrl.u32 s13, $0x3;
	[dreg:$0x11] =	wrdreg s26;
	s26 =	simm.s32 $0x5  }
0x23: {  	s0 =	simm.s32 $0x4800;
	s13 =	simm.s32 $0x180;
	[dreg:$0xf] =	wrdreg s24  }
.LBB2_1:
0x24: {  	s22 =	rddreg [dreg:$0x3]  }
0x25: {  	s22 =	sshrl.u32 s22, $0x3  }
0x26: {  	[dreg:$0x12] =	wrdreg s22  }
0x27: {  	[spmem:s22], [sflag:s9] =	dma.local [hbm:s7], $0x800  }
0x28: {  	_ =	swait.ge [sflag:s26], $0x800  }
0x29: {  	[sflag:s26] =	ssyncset.done $0x0  }
0x2a: {  	s25 =	rddreg [dreg:$0xa];
	[sflag:s26] =	ssyncadd.s32 $0xFFFFF800  }
0x2b: {  	[spmem:s25], [sflag:s9] =	dma.local [hbm:s7], $0x800  }
0x2c: {  	_ =	swait.ge [sflag:s26], $0x800  }
0x2d: {  	[sflag:s26] =	ssyncset.done $0x0  }
0x2e: {  	s23 =	rddreg [dreg:$0xb];
	[sflag:s26] =	ssyncadd.s32 $0xFFFFF800  }
0x2f: {  	[spmem:s23], [sflag:s9] =	dma.local [hbm:s7], $0x800  }
0x30: {  	_ =	swait.ge [sflag:s26], $0x800  }
0x31: {  	[sflag:s26] =	ssyncset.done $0x0  }
0x32: {  	s24 =	rddreg [dreg:$0xc];
	[sflag:s26] =	ssyncadd.s32 $0xFFFFF800  }
0x33: {  	[spmem:s24], [sflag:s9] =	dma.local [hbm:s7], $0x800  }
0x34: {  	_ =	swait.ge [sflag:s26], $0x800  }
0x35: {  	[sflag:s26] =	ssyncset.done $0x0  }
0x36: {  	s25 =	rddreg [dreg:$0xd];
	[sflag:s26] =	ssyncadd.s32 $0xFFFFF800  }
0x37: {  	[spmem:s25], [sflag:s9] =	dma.local [hbm:s7], $0x800  }
0x38: {  	_ =	swait.ge [sflag:s26], $0x800  }
0x39: {  	[sflag:s26] =	ssyncset.done $0x0  }
0x3a: {  	[sflag:s26] =	ssyncadd.s32 $0xFFFFF800  }
0x3b: {  	s23 =	simm.s32 $0x0;
	[bflag:$0x0] =	sbarrier.arrive $0xFFFF  }
.LBB2_2:
0x3c: {  	s24 =	smul.u32 $0x28, s23;
	_ =	sdelay $0x1  }
0x3d: {  	s24 =	sadd.s32 s11, s24  }
0x3e: {  	s24 =	sshll.u32 s24, $0x4  }
0x3f: {  	s22 =	simm.s32 $0x0;
	s25 =	sadd.s32 s5, s24  }
0x40: {  	[tilespmem:s22], [sflag:$0x5] =	stream.linear.gather [hbm4b:s25+s22], $0x1400, $0x38;
	[tilespmem:$0x1E800] =	vst v63  }
0x41: {  	_ =	swait.ge [sflag:s26], $0x1400  }
0x42: {  	[sflag:s26] =	ssyncset.done $0x0  }
0x43: {  	s24 =	sadd.s32 s6, s24;
	[sflag:s26] =	ssyncadd.s32 $0xFFFFEC00  }
0x44: {  	[tilespmem:s28], [sflag:$0x5] =	stream.linear.gather [hbm4b:s24+s22], $0x1400, $0x38;
	[tilespmem:$0x1E800] =	vst v63  }
0x45: {  	_ =	swait.ge [sflag:s26], $0x1400  }
0x46: {  	[sflag:s26] =	ssyncset.done $0x0  }
0x47: {  	[sflag:s26] =	ssyncadd.s32 $0xFFFFEC00  }
0x48: {  	[tilespmem:s30], [sflag:$0x1] =	stream.indirect.gather [hbm4b:s4+s29], $0x80, s22, s29, $0xb8;
	[tilespmem:$0x1E800] =	vst v63  }
0x49: {  	_ = 	snop  }
0x4a: {  	[tilespmem:s0], [sflag:$0x2] =	stream.indirect.gather [hbm4b:s4+s29], $0x80, s31, s29, $0xb8;
	[tilespmem:$0x1E800] =	vst v63  }
0x4b: {  	_ = 	snop  }
0x4c: {  	[tilespmem:s12], [sflag:$0x3] =	stream.indirect.gather [hbm4b:s4+s29], $0x80, s3, s29, $0xb8;
	[tilespmem:$0x1E800] =	vst v63  }
0x4d: {  	_ = 	snop  }
0x4e: {  	[tilespmem:s14], [sflag:$0x4] =	stream.indirect.gather [hbm4b:s4+s29], $0x80, s13, s29, $0xb8;
	[tilespmem:$0x1E800] =	vst v63  }
0x4f: {  	_ =	swait.ge [sflag:s15], $0x2000  }
0x50: {  	[sflag:s15] =	ssyncset.done $0x0  }
0x51: {  	s25 =	simm.s32 $0x1400;
	[sflag:s15] =	ssyncadd.s32 $0xFFFFE000  }
0x52: {  	[spmem:s1] =	stream.indirect.scatter.add.f32 [tilespmem:s30], [sflag:$0x5], $0x80, s25, s29, $0xb8;
	[tilespmem:$0x1E800] =	vst v63  }
0x53: {  	_ =	swait.ge [sflag:s26], $0x2000  }
0x54: {  	[sflag:s26] =	ssyncset.done $0x0  }
0x55: {  	s24 =	simm.s32 $0x200;
	[sflag:s26] =	ssyncadd.s32 $0xFFFFE000  }
0x56: {  	[tilespmem:s30], [sflag:$0x1] =	stream.indirect.gather [hbm4b:s4+s29], $0x80, s24, s29, $0xb8;
	[tilespmem:$0x1E800] =	vst v63  }
0x57: {  	_ =	swait.ge [sflag:s16], $0x2000  }
0x58: {  	[sflag:s16] =	ssyncset.done $0x0  }
0x59: {  	s25 =	simm.s32 $0x1480;
	[sflag:s16] =	ssyncadd.s32 $0xFFFFE000  }
0x5a: {  	[spmem:s1] =	stream.indirect.scatter.add.f32 [tilespmem:s0], [sflag:$0x5], $0x80, s25, s29, $0xb8;
	[tilespmem:$0x1E800] =	vst v63  }
0x5b: {  	_ =	swait.ge [sflag:s26], $0x2000  }
0x5c: {  	[sflag:s26] =	ssyncset.done $0x0  }
0x5d: {  	s24 =	simm.s32 $0x280;
	[sflag:s26] =	ssyncadd.s32 $0xFFFFE000  }
0x5e: {  	[tilespmem:s0], [sflag:$0x2] =	stream.indirect.gather [hbm4b:s4+s29], $0x80, s24, s29, $0xb8;
	[tilespmem:$0x1E800] =	vst v63  }
0x5f: {  	_ =	swait.ge [sflag:s17], $0x2000  }
0x60: {  	[sflag:s17] =	ssyncset.done $0x0  }
0x61: {  	s25 =	simm.s32 $0x1500;
	[sflag:s17] =	ssyncadd.s32 $0xFFFFE000  }
0x62: {  	[spmem:s1] =	stream.indirect.scatter.add.f32 [tilespmem:s12], [sflag:$0x5], $0x80, s25, s29, $0xb8;
	[tilespmem:$0x1E800] =	vst v63  }
0x63: {  	_ =	swait.ge [sflag:s26], $0x2000  }
0x64: {  	[sflag:s26] =	ssyncset.done $0x0  }
0x65: {  	s24 =	simm.s32 $0x300;
	[sflag:s26] =	ssyncadd.s32 $0xFFFFE000  }
0x66: {  	[tilespmem:s12], [sflag:$0x3] =	stream.indirect.gather [hbm4b:s4+s29], $0x80, s24, s29, $0xb8;
	[tilespmem:$0x1E800] =	vst v63  }
0x67: {  	_ =	swait.ge [sflag:s8], $0x2000  }
0x68: {  	[sflag:s8] =	ssyncset.done $0x0  }
0x69: {  	s25 =	simm.s32 $0x1580;
	[sflag:s8] =	ssyncadd.s32 $0xFFFFE000  }
0x6a: {  	[spmem:s1] =	stream.indirect.scatter.add.f32 [tilespmem:s14], [sflag:$0x5], $0x80, s25, s29, $0xb8;
	[tilespmem:$0x1E800] =	vst v63  }
0x6b: {  	_ =	swait.ge [sflag:s26], $0x2000  }
0x6c: {  	[sflag:s26] =	ssyncset.done $0x0  }
0x6d: {  	s24 =	simm.s32 $0x800;
	s25 =	simm.s32 $0x380;
	[sflag:s26] =	ssyncadd.s32 $0xFFFFE000  }
.LBB2_3:
0x6e: {  	[tilespmem:s14], [sflag:$0x4] =	stream.indirect.gather [hbm4b:s4+s29], $0x80, s25, s29, $0xb8;
	[tilespmem:$0x1E800] =	vst v63  }
0x6f: {  	s22 =	smov.u32 s24  }
0x70: {  	p0 =	sne.s32 s24, $0x4000;
	s24 =	sadd.s32 $0x800, s24;
	_ =	swait.ge [sflag:s15], $0x2000  }
0x71: {  	s25 =	sshra.s32 s22, $0x2;
	[sflag:s15] =	ssyncset.done $0x0  }
0x72: {  	s22 =	sadd.s32 $0x1400, s25;
	[sflag:s15] =	ssyncadd.s32 $0xFFFFE000  }
0x73: {  	[spmem:s1] =	stream.indirect.scatter.add.f32 [tilespmem:s30], [sflag:$0x5], $0x80, s22, s29, $0xb8;
	[tilespmem:$0x1E800] =	vst v63  }
0x74: {  	_ =	swait.ge [sflag:s26], $0x2000  }
0x75: {  	[sflag:s26] =	ssyncset.done $0x0  }
0x76: {  	s22 =	sadd.s32 $0x200, s25;
	[sflag:s26] =	ssyncadd.s32 $0xFFFFE000  }
0x77: {  	[tilespmem:s30], [sflag:$0x1] =	stream.indirect.gather [hbm4b:s4+s29], $0x80, s22, s29, $0xb8;
	[tilespmem:$0x1E800] =	vst v63  }
0x78: {  	_ =	swait.ge [sflag:s16], $0x2000  }
0x79: {  	[sflag:s16] =	ssyncset.done $0x0  }
0x7a: {  	s22 =	sadd.s32 $0x1480, s25;
	[sflag:s16] =	ssyncadd.s32 $0xFFFFE000  }
0x7b: {  	[spmem:s1] =	stream.indirect.scatter.add.f32 [tilespmem:s0], [sflag:$0x5], $0x80, s22, s29, $0xb8;
	[tilespmem:$0x1E800] =	vst v63  }
0x7c: {  	_ =	swait.ge [sflag:s26], $0x2000  }
0x7d: {  	[sflag:s26] =	ssyncset.done $0x0  }
0x7e: {  	s22 =	sadd.s32 $0x280, s25;
	[sflag:s26] =	ssyncadd.s32 $0xFFFFE000  }
0x7f: {  	[tilespmem:s0], [sflag:$0x2] =	stream.indirect.gather [hbm4b:s4+s29], $0x80, s22, s29, $0xb8;
	[tilespmem:$0x1E800] =	vst v63  }
0x80: {  	_ =	swait.ge [sflag:s17], $0x2000  }
0x81: {  	[sflag:s17] =	ssyncset.done $0x0  }
0x82: {  	s22 =	sadd.s32 $0x1500, s25;
	[sflag:s17] =	ssyncadd.s32 $0xFFFFE000  }
0x83: {  	[spmem:s1] =	stream.indirect.scatter.add.f32 [tilespmem:s12], [sflag:$0x5], $0x80, s22, s29, $0xb8;
	[tilespmem:$0x1E800] =	vst v63  }
0x84: {  	_ =	swait.ge [sflag:s26], $0x2000  }
0x85: {  	[sflag:s26] =	ssyncset.done $0x0  }
0x86: {  	s22 =	sadd.s32 $0x300, s25;
	[sflag:s26] =	ssyncadd.s32 $0xFFFFE000  }
0x87: {  	[tilespmem:s12], [sflag:$0x3] =	stream.indirect.gather [hbm4b:s4+s29], $0x80, s22, s29, $0xb8;
	[tilespmem:$0x1E800] =	vst v63  }
0x88: {  	_ =	swait.ge [sflag:s8], $0x2000  }
0x89: {  	[sflag:s8] =	ssyncset.done $0x0  }
.Ltmp0:
0x8a: {  	s22 =	sadd.s32 $0x1580, s25;
	[sflag:s8] =	ssyncadd.s32 $0xFFFFE000;
	(pc) =	sbr.rel @p0 .LBB2_3-.Ltmp0, $4  }
0x8b: {  	[spmem:s1] =	stream.indirect.scatter.add.f32 [tilespmem:s14], [sflag:$0x5], $0x80, s22, s29, $0xb8;
	[tilespmem:$0x1E800] =	vst v63  }
0x8c: {  	_ =	swait.ge [sflag:s26], $0x2000  }
0x8d: {  	[sflag:s26] =	ssyncset.done $0x0  }
0x8e: {  	s25 =	sadd.s32 $0x380, s25;
	[sflag:s26] =	ssyncadd.s32 $0xFFFFE000  }
0x8f: {  	[tilespmem:s14], [sflag:$0x4] =	stream.indirect.gather [hbm4b:s4+s29], $0x80, s25, s29, $0xb8;
	[tilespmem:$0x1E800] =	vst v63  }
0x90: {  	_ =	swait.ge [sflag:s15], $0x2000  }
0x91: {  	[sflag:s15] =	ssyncset.done $0x0  }
0x92: {  	[sflag:s15] =	ssyncadd.s32 $0xFFFFE000  }
0x93: {  	[spmem:s1] =	stream.indirect.scatter.add.f32 [tilespmem:s30], [sflag:$0x5], $0x80, s18, s29, $0xb8;
	[tilespmem:$0x1E800] =	vst v63  }
0x94: {  	_ =	swait.ge [sflag:s26], $0x2000  }
0x95: {  	[sflag:s26] =	ssyncset.done $0x0  }
0x96: {  	[sflag:s26] =	ssyncadd.s32 $0xFFFFE000  }
0x97: {  	_ =	swait.ge [sflag:s16], $0x2000  }
0x98: {  	[sflag:s16] =	ssyncset.done $0x0  }
0x99: {  	[sflag:s16] =	ssyncadd.s32 $0xFFFFE000  }
0x9a: {  	[spmem:s1] =	stream.indirect.scatter.add.f32 [tilespmem:s0], [sflag:$0x5], $0x80, s19, s29, $0xb8;
	[tilespmem:$0x1E800] =	vst v63  }
0x9b: {  	_ =	swait.ge [sflag:s26], $0x2000  }
0x9c: {  	[sflag:s26] =	ssyncset.done $0x0  }
0x9d: {  	[sflag:s26] =	ssyncadd.s32 $0xFFFFE000  }
0x9e: {  	_ =	swait.ge [sflag:s17], $0x2000  }
0x9f: {  	[sflag:s17] =	ssyncset.done $0x0  }
0xa0: {  	[sflag:s17] =	ssyncadd.s32 $0xFFFFE000  }
0xa1: {  	[spmem:s1] =	stream.indirect.scatter.add.f32 [tilespmem:s12], [sflag:$0x5], $0x80, s20, s29, $0xb8;
	[tilespmem:$0x1E800] =	vst v63  }
0xa2: {  	_ =	swait.ge [sflag:s26], $0x2000  }
0xa3: {  	[sflag:s26] =	ssyncset.done $0x0  }
0xa4: {  	[sflag:s26] =	ssyncadd.s32 $0xFFFFE000  }
0xa5: {  	s23 =	sadd.s32 $0x1, s23;
	_ =	swait.ge [sflag:s8], $0x2000  }
0xa6: {  	p0 =	sne.s32 s23, s10;
	[sflag:s8] =	ssyncset.done $0x0  }
.Ltmp1:
0xa7: {  	[sflag:s8] =	ssyncadd.s32 $0xFFFFE000;
	(pc) =	sbr.rel @p0 .LBB2_2-.Ltmp1, $4  }
0xa8: {  	[spmem:s1] =	stream.indirect.scatter.add.f32 [tilespmem:s14], [sflag:$0x5], $0x80, s21, s29, $0xb8;
	[tilespmem:$0x1E800] =	vst v63  }
0xa9: {  	_ =	swait.ge [sflag:s26], $0x2000  }
0xaa: {  	[sflag:s26] =	ssyncset.done $0x0  }
0xab: {  	[sflag:s26] =	ssyncadd.s32 $0xFFFFE000  }
0xac: {  	[bflag:$0x0] =	sbarrier.arrive $0xFFFF  }
0xad: {  	s22 =	rddreg [dreg:$0x4]  }
0xae: {  	s23 =	rddreg [dreg:$0x12]  }
0xaf: {  	[hbm:s22], [sflag:s9] =	dma.local [spmem:s23], $0x800  }
0xb0: {  	_ =	swait.ge [sflag:s26], $0x800  }
0xb1: {  	[sflag:s26] =	ssyncset.done $0x0;
	s24 =	rddreg [dreg:$0x6]  }
0xb2: {  	s25 =	rddreg [dreg:$0xe];
	[sflag:s26] =	ssyncadd.s32 $0xFFFFF800  }
0xb3: {  	[hbm:s24], [sflag:s9] =	dma.local [spmem:s25], $0x800  }
0xb4: {  	_ =	swait.ge [sflag:s26], $0x800  }
0xb5: {  	[sflag:s26] =	ssyncset.done $0x0;
	s24 =	rddreg [dreg:$0x7]  }
0xb6: {  	s25 =	rddreg [dreg:$0xf];
	[sflag:s26] =	ssyncadd.s32 $0xFFFFF800  }
0xb7: {  	[hbm:s24], [sflag:s9] =	dma.local [spmem:s25], $0x800  }
0xb8: {  	_ =	swait.ge [sflag:s26], $0x800  }
0xb9: {  	[sflag:s26] =	ssyncset.done $0x0;
	s24 =	rddreg [dreg:$0x8]  }
0xba: {  	s25 =	rddreg [dreg:$0x10];
	[sflag:s26] =	ssyncadd.s32 $0xFFFFF800  }
0xbb: {  	[hbm:s24], [sflag:s9] =	dma.local [spmem:s25], $0x800  }
0xbc: {  	_ =	swait.ge [sflag:s26], $0x800  }
0xbd: {  	[sflag:s26] =	ssyncset.done $0x0;
	s23 =	rddreg [dreg:$0x9]  }
0xbe: {  	s24 =	rddreg [dreg:$0x11];
	[sflag:s26] =	ssyncadd.s32 $0xFFFFF800  }
0xbf: {  	[hbm:s23], [sflag:s9] =	dma.local [spmem:s24], $0x800  }
0xc0: {  	_ =	swait.ge [sflag:s26], $0x800  }
0xc1: {  	s2 =	sadd.s32 $0x1, s2;
	s25 =	rddreg [dreg:$0x5]  }
0xc2: {  	p0 =	sne.s32 s2, s25  }
.Ltmp2:
0xc3: {  	_ = 	snop;
	(pc) =	sbr.rel @p0 .LBB2_1-.Ltmp2, $3  }
0xc4: {  	_ =	sdelay $0x1  }
0xc5: {  	[sflag:s26] =	ssyncset.done $0x0  }
0xc6: {  	[sflag:s26] =	ssyncadd.s32 $0xFFFFF800  }
0xc7: {  	_ =	sfence.sel $0x180000  }
0xc8: {  	[bflag:$0x0] =	sbarrier.arrive $0xFFFF  }
0xc9: {  	_ =	strace $0x9000004D  }
0xca: {  	s0 =	stileid.u32;
	[bflag:$0x2] =	sbarrier.arrive $0xFFFF  }
0xcb: {  	p0 =	sne.s32 s0, $0x0;
	s0 =	rddreg [dreg:$0x2]  }
0xcc: {  	s0 =	sadd.s32 @!p0 $0x100000, s0  }
0xcd: {  	[sflag:s0] =	ssyncadd.tile.s32 @!p0 $0x1;
	_ =	shalt  }
.Lfunc_end2:
_tile_overlayer_lowered:
.L_overlay_start_2:
0xce: {  	(tag) =	ssettag $0x2  }
0xcf: {  	s0 =	rddreg [dreg:$0x0];
	s2 =	stileid.u32  }
0xd0: {  	s1 =	rddreg [dreg:$0x1];
	p0 =	sne.s32 s2, $0x0  }
0xd1: {  	s3 =	rddreg [dreg:$0x2];
	[bflag:$0x3] =	sbarrier.arrive $0xFFFF;
	s2 =	simm.s32 @!p0 $0x1C05  }
0xd2: {  	[timem:s3], [sflag:s2] =	dma.local @!p0 [hbm:s0], s1  }
0xd3: {  	s0 =	simm.s32 @!p0 $0x5  }
0xd4: {  	_ =	swait.ge @!p0 [sflag:s0], s1  }
0xd5: {  	s1 =	ssub.s32 @!p0 $0x0, s1;
	[sflag:s0] =	ssyncset.done @!p0 $0x0  }
0xd6: {  	[sflag:s0] =	ssyncadd.s32 @!p0 s1  }
0xd7: {  	[bflag:$0x3] =	sbarrier.arrive $0xFFFF  }
0xd8: {  	_ =	shalt  }

// kernel: kernel.8.cloned.1.call-start
scs
__scs_entry_jumppad:
0x0: {  	(pc) =	sbr.rel $0x88, $3  }
0x1: {  	(tag) =	ssettag $0x0;
	lr =	simm.s32 $0x1  }
0x2: {  	[smem:$0x3F94] =	sst lr;
	_ =	strace $0xD0000000  }
0x3: {  	_ = 	snop  }
0x4: {  	_ = 	snop  }
0x5: {  	_ = 	snop  }
0x6: {  	_ = 	snop  }
0x7: {  	_ = 	snop  }
__scs_overlays_trampoline_lowered:
0x8: {  	[smem:$0x3FA3] =	sst s0  }
0x9: {  	[smem:$0x3FA4] =	sst s1  }
0xa: {  	[smem:$0x3FA5] =	sst s2  }
0xb: {  	[smem:$0x3FA6] =	sst s3  }
0xc: {  	[smem:$0x3FA7] =	sst s4  }
0xd: {  	[smem:$0x3FA8] =	sst s5  }
0xe: {  	[smem:$0x3FA9] =	sst s6  }
0xf: {  	[smem:$0x3FAA] =	sst s7  }
0x10: {  	[smem:$0x3FAB] =	sst s8  }
0x11: {  	[smem:$0x3FAC] =	sst s9;
	s0 =	simm.s32 @!p0 $0x0  }
0x12: {  	s1 =	sld [smem:$0x3F92];
	s0 =	simm.s32 @p0 $0x1  }
0x13: {  	[smem:$0x3FAD] =	sst s0;
	s0 =	simm.s32 @!p1 $0x0  }
0x14: {  	s2 =	sld [smem:$0x3F91];
	s0 =	simm.s32 @p1 $0x1  }
0x15: {  	[smem:$0x3FAE] =	sst s0;
	s0 =	simm.s32 @!p2 $0x0  }
0x16: {  	s3 =	sld [smem:$0x3FDB];
	s0 =	simm.s32 @p2 $0x1  }
0x17: {  	s4 =	simm.s32 $0x1BF5;
	[smem:$0x3FB0] =	sst s0  }
0x18: {  	s0 =	sld [smem:$0x3F93];
	_ =	swait.ge [sflag:s4], $0x0  }
0x19: {  	s7 =	sld [smem:$0x3F94]  }
0x1a: {  	s8 =	sadd.s32 $0xFFFFE003, lr  }
0x1b: {  	s9 =	sadd.s32 $0xFFFFFEF7, lr;
	s5 =	simm.s32 $0xFFFFFFFF;
	p2 =	slt.u32 s8, $0xFFFFF086  }
0x1c: {  	p1 =	slt.u32 s9, $0xF7A;
	s5 =	simm.s32 @!p2 $0x0  }
0x1d: {  	s5 =	simm.s32 @p1 $0x1;
	p0 =	seq.s32 s7, s2  }
0x1e: {  	s7 =	smul.u32 @!p0 $0xF7A, s2;
	p2 =	seq.s32 @!p0 s5, $0x0  }
0x1f: {  	s9 =	smul.u32 $0xF7A, s1;
	s8 =	simm.s32 @!p0 $0x1BF5;
	p2 =	por !p2, p0  }
0x20: {  	[sflag:s8] =	ssyncset.s32 @!p0 $0xFFFFF086;
	s6 =	sadd.s32 @!p0 s3, s7;
	s7 =	simm.s32 @!p0 $0x108  }
0x21: {  	s3 =	sadd.s32 s3, s9;
	s6 =	sadd.s32 @!p0 $0x88, s6;
	s7 =	simm.s32 @p2 $0x1082  }
0x22: {  	[simem:s7], [sflag:s8] =	dma.local @!p0 [hbm:s6], $0xF7A  }
0x23: {  	s9 =	sor.u32 $0xD0000000, s2;
	s6 =	simm.s32 $0x108;
	_ =	swait.ge @!p0 [sflag:s8], $0x0  }
0x24: {  	s3 =	sadd.s32 $0x88, s3;
	s6 =	simm.s32 @!p1 $0x1082;
	[sflag:s4] =	ssyncset.s32 $0xFFFFF086  }
0x25: {  	[simem:s6], [sflag:s4] =	dma.local [hbm:s3], $0xF7A  }
0x26: {  	[smem:$0x3F94] =	sst s1;
	(tag) =	ssettag s2;
	_ =	strace s9  }
0x27: {  	s1 =	sld [smem:$0x3FA4]  }
0x28: {  	s2 =	sld [smem:$0x3FA5]  }
0x29: {  	s4 =	sld [smem:$0x3FA7]  }
0x2a: {  	p0 =	seq.s32 s5, $0x0;
	s5 =	sld [smem:$0x3FA8]  }
0x2b: {  	s6 =	sld [smem:$0x3FA9]  }
0x2c: {  	s7 =	sld [smem:$0x3FAA]  }
0x2d: {  	s3 =	simm.s32 $0x108;
	s8 =	sld [smem:$0x3FAB]  }
0x2e: {  	s3 =	simm.s32 @!p0 $0x1082;
	s9 =	sld [smem:$0x3FAC]  }
0x2f: {  	lr =	sadd.s32 s0, s3;
	s0 =	sld [smem:$0x3FA3]  }
0x30: {  	s3 =	sld [smem:$0x3FA6]  }
0x31: {  	[smem:$0x3FAF] =	sst s10  }
0x32: {  	s10 =	sld [smem:$0x3FAD];
	_ =	sdelay $0x3  }
0x33: {  	p0 =	seq.s32 s10, $0x1;
	s10 =	sld [smem:$0x3FAF];
	_ =	sdelay $0x3  }
0x34: {  	[smem:$0x3FAF] =	sst s10  }
0x35: {  	s10 =	sld [smem:$0x3FAE];
	_ =	sdelay $0x3  }
0x36: {  	p1 =	seq.s32 s10, $0x1;
	s10 =	sld [smem:$0x3FAF];
	_ =	sdelay $0x3  }
0x37: {  	[smem:$0x3FAF] =	sst s10  }
0x38: {  	s10 =	sld [smem:$0x3FB0]  }
0x39: {  	_ = 	snop;
	(pc) =	sbr.ind lr, $3  }
0x3a: {  	_ = 	snop  }
0x3b: {  	_ = 	snop  }
0x3c: {  	p2 =	seq.s32 s10, $0x1;
	s10 =	sld [smem:$0x3FAF]  }
0x3d: {  	_ =	shalt  }
0x3e: {  	_ =	shalt  }
0x3f: {  	_ =	shalt  }
0x40: {  	_ =	shalt  }
0x41: {  	_ =	shalt  }
0x42: {  	_ =	shalt  }
0x43: {  	_ =	shalt  }
0x44: {  	_ =	shalt  }
0x45: {  	_ =	shalt  }
0x46: {  	_ =	shalt  }
0x47: {  	_ =	shalt  }
0x48: {  	_ =	shalt  }
0x49: {  	_ =	shalt  }
0x4a: {  	_ =	shalt  }
0x4b: {  	_ =	shalt  }
0x4c: {  	_ =	shalt  }
0x4d: {  	_ =	shalt  }
0x4e: {  	_ =	shalt  }
0x4f: {  	_ =	shalt  }
0x50: {  	_ =	shalt  }
0x51: {  	_ =	shalt  }
0x52: {  	_ =	shalt  }
0x53: {  	_ =	shalt  }
0x54: {  	_ =	shalt  }
0x55: {  	_ =	shalt  }
0x56: {  	_ =	shalt  }
0x57: {  	_ =	shalt  }
0x58: {  	_ =	shalt  }
0x59: {  	_ =	shalt  }
0x5a: {  	_ =	shalt  }
0x5b: {  	_ =	shalt  }
0x5c: {  	_ =	shalt  }
0x5d: {  	_ =	shalt  }
0x5e: {  	_ =	shalt  }
0x5f: {  	_ =	shalt  }
0x60: {  	_ =	shalt  }
0x61: {  	_ =	shalt  }
0x62: {  	_ =	shalt  }
0x63: {  	_ =	shalt  }
0x64: {  	_ =	shalt  }
0x65: {  	_ =	shalt  }
0x66: {  	_ =	shalt  }
0x67: {  	_ =	shalt  }
0x68: {  	_ =	shalt  }
0x69: {  	_ =	shalt  }
0x6a: {  	_ =	shalt  }
0x6b: {  	_ =	shalt  }
0x6c: {  	_ =	shalt  }
0x6d: {  	_ =	shalt  }
0x6e: {  	_ =	shalt  }
0x6f: {  	_ =	shalt  }
0x70: {  	_ =	shalt  }
0x71: {  	_ =	shalt  }
0x72: {  	_ =	shalt  }
0x73: {  	_ =	shalt  }
0x74: {  	_ =	shalt  }
0x75: {  	_ =	shalt  }
0x76: {  	_ =	shalt  }
0x77: {  	_ =	shalt  }
0x78: {  	_ =	shalt  }
0x79: {  	_ =	shalt  }
0x7a: {  	_ =	shalt  }
0x7b: {  	_ =	shalt  }
0x7c: {  	_ =	shalt  }
0x7d: {  	_ =	shalt  }
0x7e: {  	_ =	shalt  }
0x7f: {  	_ =	shalt  }
0x80: {  	_ =	shalt  }
0x81: {  	_ =	shalt  }
0x82: {  	_ =	shalt  }
0x83: {  	_ =	shalt  }
0x84: {  	_ =	shalt  }
0x85: {  	_ =	shalt  }
0x86: {  	_ =	shalt  }
0x87: {  	_ =	shalt  }
.Lfunc_end0:
.L_simem_size_0:
called_computation_lowered:
.L_overlay_start_0:
0x88: {  	s2 =	sld [smem:$0x3FD9]  }
0x89: {  	s3 =	sld [smem:$0x3FFE];
	_ =	sdelay $0x1  }
0x8a: {  	s1 =	srdreg.scid  }
0x8b: {  	s0 =	sand.u32 $0x1, s1  }
0x8c: {  	s17 =	sshll.u32 s0, $0xA;
	s2 =	sadd.s32 s3, s2  }
0x8d: {  	s2 =	sadd.s32 s2, s17  }
0x8e: {  	[smem:$0x3FBB] =	sst s2  }
0x8f: {  	_ = 	snop  }
0x90: {  	(tm) =	ssettm $0x1  }
0x91: {  	s18 =	sld [smem:$0x3FFB];
	_ =	sdelay $0x3  }
0x92: {  	_ =	strace s18  }
0x93: {  	s2 =	sld [smem:$0x3FFC];
	_ =	sdelay $0x3  }
0x94: {  	_ =	strace s2  }
0x95: {  	s2 =	sld [smem:$0x3FFD];
	_ =	sdelay $0x3  }
0x96: {  	_ =	strace s2  }
0x97: {  	_ =	strace $0x8FFFFFFF  }
0x98: {  	s19 =	sld [smem:$0x3FDB];
	_ =	sdelay $0x1  }
0x99: {  	s20 =	simm.s32 $_scs_section_size  }
0x9a: {  	s4 =	simm.s32 $_size__tile_overlayer_lowered;
	s5 =	simm.s32 $_tile_overlayer_lowered  }
0x9b: {  	s6 =	simm.s32 $0x1BFF;
	s21 =	sshll.u32 s5, $0x1;
	s3 =	sadd.s32 s20, s19  }
0x9c: {  	s22 =	simm.s32 $0x0;
	s4 =	sshll.u32 s4, $0x1;
	s5 =	sadd.s32 s21, s3  }
0x9d: {  	[timem:s22], [sflag:s6] =	dma.local [hbm:s5], s4  }
0x9e: {  	_ =	swait.ge [sflag:s6], s4  }
0x9f: {  	s4 =	ssub.s32 $0x0, s4;
	[sflag:s6] =	ssyncset.done $0x0  }
0xa0: {  	[sflag:s6] =	ssyncadd.s32 s4;
	_ =	sdelay $0x1  }
0xa1: {  	s23 =	simm.s32 $0x1B8B  }
0xa2: {  	_ =	swait.ge [sflag:s23], $0x1  }
0xa3: {  	[sflag:s23] =	ssyncset.done $0x0  }
0xa4: {  	[sflag:s23] =	ssyncadd.s32 $0xFFFFFFFF  }
0xa5: {  	s4 =	sld [smem:$0x0]  }
0xa6: {  	s5 =	sand.u32 $0xFFFFFFFE, s1  }
0xa7: {  	p0 =	sne.s32 s1, s5  }
0xa8: {  	s5 =	sshll.u32 @p0 s5, $0xE  }
0xa9: {  	s5 =	sadd.s32 @p0 $0x11B8D, s5;
	s6 =	sshll.u32 @p0 s4, $0x11  }
0xaa: {  	s5 =	sor.u32 @p0 s6, s5  }
0xab: {  	[sflag:s5] =	ssyncadd.remote.s32 @p0 $0x1;
	_ =	sdelay $0x1  }
0xac: {  	s5 =	simm.s32 @p0 $0x1B8D  }
0xad: {  	_ =	swait.eq @p0 [sflag:s5], $0x1  }
0xae: {  	[sflag:s5] =	ssyncadd.s32 @p0 $0xFFFFFFFF  }
0xaf: {  	s6 =	sshll.u32 @!p0 s1, $0xE  }
0xb0: {  	s6 =	sor.u32 @!p0 $0x4000, s6;
	s5 =	simm.s32 @!p0 $0x1B8D  }
0xb1: {  	s4 =	sshll.u32 @!p0 s4, $0x11;
	s6 =	sadd.s32 @!p0 $0x11B8D, s6;
	_ =	swait.eq @!p0 [sflag:s5], $0x1  }
0xb2: {  	s4 =	sor.u32 @!p0 s4, s6;
	[sflag:s5] =	ssyncadd.s32 @!p0 $0xFFFFFFFF  }
0xb3: {  	s25 =	simm.s32 $0x1B8E;
	s24 =	sld [smem:$0x3FFE];
	[sflag:s4] =	ssyncadd.remote.s32 @!p0 $0x1  }
0xb4: {  	s26 =	simm.s32 $execute0_lowered;
	[smem:$0x3FD2] =	sst s25  }
0xb5: {  	s5 =	sshll.u32 s26, $0x1;
	_ =	strace $0x80000049;
	[dreg:$0x1] =	wrdreg $0xFFFFFFFF  }
0xb6: {  	s28 =	simm.s32 $_size_execute0_lowered;
	s3 =	sadd.s32 s3, s5;
	[dreg:$0x0] =	wrdreg $0x0  }
0xb7: {  	s5 =	sshll.u32 s28, $0x1;
	[dreg:$0x2] =	wrdreg s3  }
0xb8: {  	[dreg:$0x3] =	wrdreg s5  }
0xb9: {  	[dreg:$0x4] =	wrdreg $0xC0  }
0xba: {  	_ =	task [dreg:s22], $0x5FFFF  }
0xbb: {  	[dreg:$0x1] =	wrdreg $0xFFFFFFFF  }
0xbc: {  	[dreg:$0x0] =	wrdreg $0x60  }
0xbd: {  	[dreg:$0x2] =	wrdreg s24  }
0xbe: {  	[dreg:$0x3] =	wrdreg $0x68000  }
0xbf: {  	[dreg:$0x4] =	wrdreg $0x9  }
0xc0: {  	_ =	task.clear_ibuf [dreg:s22], $0x5FFFF;
	_ =	strace $0x90000049  }
0xc1: {  	s29 =	simm.s32 $0x9;
	_ =	strace $0x8000004B  }
0xc2: {  	_ =	swait.ge [sflag:s29], $0x1  }
0xc3: {  	[sflag:s29] =	ssyncadd.s32 $0xFFFFFFFF  }
0xc4: {  	_ =	strace $0x9000004B  }
0xc5: {  	_ =	sfence  }
0xc6: {  	s30 =	sld [smem:$0x0];
	_ =	sdelay $0x2  }
0xc7: {  	s31 =	sshll.u32 s1, $0xD;
	s1 =	sshrl.u32 s1, $0x2  }
0xc8: {  	s4 =	sand.u32 $0x4000, s31;
	s1 =	sadd.s32 s1, s30  }
0xc9: {  	s0 =	sor.u32 s4, s0;
	s1 =	sshll.u32 s1, $0x11  }
0xca: {  	s0 =	sor.u32 s1, s0  }
0xcb: {  	s0 =	sadd.s32 $0x8F2B, s0  }
0xcc: {  	[sflag:s0] =	ssyncadd.remote.s32 $0x1  }
0xcd: {  	_ =	sfence.sel $0xFFFF  }
0xce: {  	[dreg:$0x0] =	wrdreg $0xFFFFFFFF;
	(pc) =	sbr.abs _section_cstart, $3  }
0xcf: {  	[dreg:$0x1] =	wrdreg $0xFFFFFFFF  }
0xd0: {  	_ =	task.clear_ibuf [dreg:s22], $0x2FFFF;
	_ =	strace $0x9FFFFFFF  }
0xd1: {  	(tm) =	ssettm $0x7FFFFFFF  }
tec
execute0_lowered:
.L_overlay_start_1:
0x0: {  	(tag) =	ssettag $0x1  }
0x1: {  	s0 =	srdreg.scid;
	s6 =	rddreg [dreg:$0x0]  }
0x2: {  	s2 =	rddreg [dreg:$0x1];
	s5 =	sand.u32 $0x1, s0  }
0x3: {  	s0 =	stileid.u32;
	s4 =	smul.u32 $0x5000, s5  }
0x4: {  	s1 =	rddreg [dreg:$0x2];
	s3 =	simm.s32 $0x0;
	s7 =	smul.u32 $0x500, s0  }
0x5: {  	[smem:$0x7FF] =	sst s3;
	s14 =	sadd.s32 $0xAEC00, s6;
	s12 =	smul.u32 $0x280, s0  }
0x6: {  	_ =	strace $0x8000004A;
	s8 =	smul.u32 $0x50000, s0;
	s9 =	ssub.s32 $0x2, s5  }
0x7: {  	s13 =	smul.u32 $0x2800, s5;
	s5 =	sadd.s32 $0xAE400, s6;
	s25 =	sshrl.u32 s9, $0x1  }
0x8: {  	s4 =	sadd.s32 s7, s4;
	s9 =	ssub.s32 s9, s25;
	s26 =	sshrl.u32 s8, $0x2  }
0x9: {  	s28 =	sadd.s32 s13, s12;
	s10 =	sadd.s32 $0x80, s12;
	s29 =	sadd.s32 $0x100, s12  }
0xa: {  	s30 =	sadd.s32 $0x180, s12;
	s12 =	sadd.s32 $0x200, s12;
	s25 =	simm.s32 $0x0  }
0xb: {  	s7 =	sadd.s32 s4, s6;
	s4 =	sadd.s32 $0x53C00, s6;
	s6 =	sadd.s32 s26, s2  }
0xc: {  	s8 =	sshll.u32 s28, $0x4;
	s9 =	smax.u32 s9, $0x1;
	s11 =	sshll.u32 s10, $0x7  }
0xd: {  	s10 =	sadd.s32 s13, s10;
	s15 =	sshll.u32 s29, $0x7;
	s20 =	sshll.u32 s30, $0x7  }
0xe: {  	s31 =	sshll.u32 s12, $0x7;
	s7 =	sadd.s32 $0xA4400, s7;
	s8 =	sadd.s32 s14, s8  }
0xf: {  	s16 =	sadd.s32 $0x4000, s6;
	s17 =	sadd.s32 $0x8000, s6;
	s18 =	sadd.s32 $0xC000, s6  }
0x10: {  	s19 =	sadd.s32 $0x10000, s6;
	s21 =	sadd.s32 s11, s2;
	s10 =	sshll.u32 s10, $0x4  }
0x11: {  	s11 =	sadd.s32 s13, s29;
	s22 =	sadd.s32 s15, s2;
	s23 =	sadd.s32 s20, s2  }
0x12: {  	s15 =	sadd.s32 s13, s30;
	s13 =	sadd.s32 s13, s12;
	s24 =	sadd.s32 s31, s2  }
0x13: {  	s20 =	simm.s32 $0x80;
	s10 =	sadd.s32 s14, s10;
	s11 =	sshll.u32 s11, $0x4  }
0x14: {  	s15 =	sshll.u32 s15, $0x4;
	s13 =	sshll.u32 s13, $0x4;
	s16 =	sshrl.u32 s16, $0x3  }
0x15: {  	s17 =	sshrl.u32 s17, $0x3;
	s18 =	sshrl.u32 s18, $0x3;
	s19 =	sshrl.u32 s19, $0x3  }
0x16: {  	s21 =	sshrl.u32 s21, $0x3;
	s22 =	sshrl.u32 s22, $0x3;
	s23 =	sshrl.u32 s23, $0x3  }
0x17: {  	s24 =	sshrl.u32 s24, $0x3;
	s11 =	sadd.s32 s14, s11;
	s12 =	sadd.s32 s14, s15  }
0x18: {  	s13 =	sadd.s32 s14, s13;
	s14 =	simm.s32 $0x2800;
	s15 =	simm.s32 $0x1  }
.LBB2_1:
0x19: {  	[tilespmem:s14], [sflag:$0x1] =	stream.linear.gather [hbm4b:s5+s3], $0x4000, $0x38;
	[tilespmem:$0x1A800] =	vst v63  }
0x1a: {  	_ =	swait.ge [sflag:s15], $0x4000  }
0x1b: {  	s26 =	sshll.u32 s0, $0x6;
	[sflag:s15] =	ssyncset.done $0x0  }
0x1c: {  	s28 =	sshrl.u32 s6, $0x3;
	s26 =	sor.u32 $0x1C01, s26;
	[sflag:s15] =	ssyncadd.s32 $0xFFFFC000  }
0x1d: {  	[spmem:s28], [sflag:s26] =	dma.local [hbm:s4], $0x800  }
0x1e: {  	_ =	swait.ge [sflag:s15], $0x800  }
0x1f: {  	[sflag:s15] =	ssyncset.done $0x0  }
0x20: {  	[sflag:s15] =	ssyncadd.s32 $0xFFFFF800  }
0x21: {  	[spmem:s16], [sflag:s26] =	dma.local [hbm:s4], $0x800  }
0x22: {  	_ =	swait.ge [sflag:s15], $0x800  }
0x23: {  	[sflag:s15] =	ssyncset.done $0x0  }
0x24: {  	[sflag:s15] =	ssyncadd.s32 $0xFFFFF800  }
0x25: {  	[spmem:s17], [sflag:s26] =	dma.local [hbm:s4], $0x800  }
0x26: {  	_ =	swait.ge [sflag:s15], $0x800  }
0x27: {  	[sflag:s15] =	ssyncset.done $0x0  }
0x28: {  	[sflag:s15] =	ssyncadd.s32 $0xFFFFF800  }
0x29: {  	[spmem:s18], [sflag:s26] =	dma.local [hbm:s4], $0x800  }
0x2a: {  	_ =	swait.ge [sflag:s15], $0x800  }
0x2b: {  	[sflag:s15] =	ssyncset.done $0x0  }
0x2c: {  	[sflag:s15] =	ssyncadd.s32 $0xFFFFF800  }
0x2d: {  	[spmem:s19], [sflag:s26] =	dma.local [hbm:s4], $0x800  }
0x2e: {  	_ =	swait.ge [sflag:s15], $0x800  }
0x2f: {  	[sflag:s15] =	ssyncset.done $0x0  }
0x30: {  	[sflag:s15] =	ssyncadd.s32 $0xFFFFF800  }
0x31: {  	[tilespmem:s3], [sflag:$0x1] =	stream.linear.gather [hbm4b:s7+s3], $0x2800, $0x38;
	[tilespmem:$0x1A800] =	vst v63  }
0x32: {  	_ =	swait.ge [sflag:s15], $0x2800  }
0x33: {  	[sflag:s15] =	ssyncset.done $0x0  }
0x34: {  	[sflag:s15] =	ssyncadd.s32 $0xFFFFD800  }
0x35: {  	s29 =	simm.s32 $0x0;
	[bflag:$0x0] =	sbarrier.arrive $0xFFFF  }
0x36: {  	[spmem:s2] =	stream.indirect.scatter.add.f32 [tilespmem:s14], [sflag:$0x1], $0x80, s29, s20, $0xb8;
	[tilespmem:$0x1A800] =	vst v63  }
0x37: {  	_ =	swait.ge [sflag:s15], $0x4000  }
0x38: {  	s29 =	simm.s32 $0x200;
	[sflag:s15] =	ssyncset.done $0x0  }
.LBB2_2:
0x39: {  	s30 =	sshra.s32 s29, $0x2;
	[sflag:s15] =	ssyncadd.s32 $0xFFFFC000;
	p0 =	sne.s32 s29, $0x9E00  }
0x3a: {  	[spmem:s2] =	stream.indirect.scatter.add.f32 [tilespmem:s14], [sflag:$0x1], $0x80, s30, s20, $0xb8;
	[tilespmem:$0x1A800] =	vst v63  }
.Ltmp0:
0x3b: {  	_ = 	snop;
	(pc) =	sbr.rel @p0 .LBB2_2-.Ltmp0, $4  }
0x3c: {  	_ = 	snop  }
0x3d: {  	s29 =	sadd.s32 $0x200, s29  }
0x3e: {  	_ =	swait.ge [sflag:s15], $0x4000  }
0x3f: {  	[sflag:s15] =	ssyncset.done $0x0  }
0x40: {  	[sflag:s15] =	ssyncadd.s32 $0xFFFFC000  }
0x41: {  	[bflag:$0x0] =	sbarrier.arrive $0xFFFF  }
0x42: {  	[hbm:s8], [sflag:s26] =	dma.local [spmem:s28], $0x800  }
0x43: {  	_ =	swait.ge [sflag:s15], $0x800  }
0x44: {  	[sflag:s15] =	ssyncset.done $0x0  }
0x45: {  	[sflag:s15] =	ssyncadd.s32 $0xFFFFF800  }
0x46: {  	[hbm:s10], [sflag:s26] =	dma.local [spmem:s21], $0x800  }
0x47: {  	_ =	swait.ge [sflag:s15], $0x800  }
0x48: {  	[sflag:s15] =	ssyncset.done $0x0  }
0x49: {  	[sflag:s15] =	ssyncadd.s32 $0xFFFFF800  }
0x4a: {  	[hbm:s11], [sflag:s26] =	dma.local [spmem:s22], $0x800  }
0x4b: {  	_ =	swait.ge [sflag:s15], $0x800  }
0x4c: {  	[sflag:s15] =	ssyncset.done $0x0  }
0x4d: {  	[sflag:s15] =	ssyncadd.s32 $0xFFFFF800  }
0x4e: {  	[hbm:s12], [sflag:s26] =	dma.local [spmem:s23], $0x800  }
0x4f: {  	s25 =	sadd.s32 $0x1, s25;
	_ =	swait.ge [sflag:s15], $0x800  }
0x50: {  	p0 =	sne.s32 s25, s9;
	[sflag:s15] =	ssyncset.done $0x0  }
.Ltmp1:
0x51: {  	[sflag:s15] =	ssyncadd.s32 $0xFFFFF800;
	(pc) =	sbr.rel @p0 .LBB2_1-.Ltmp1, $4  }
0x52: {  	[hbm:s13], [sflag:s26] =	dma.local [spmem:s24], $0x800  }
0x53: {  	_ =	swait.ge [sflag:s15], $0x800  }
0x54: {  	[sflag:s15] =	ssyncset.done $0x0  }
0x55: {  	[sflag:s15] =	ssyncadd.s32 $0xFFFFF800  }
0x56: {  	_ =	sfence.sel $0x180000  }
0x57: {  	[bflag:$0x0] =	sbarrier.arrive $0xFFFF  }
0x58: {  	p0 =	sne.s32 s0, $0x0;
	_ =	strace $0x9000004A  }
0x59: {  	s0 =	sadd.s32 @!p0 $0x100000, s1;
	[bflag:$0x2] =	sbarrier.arrive $0xFFFF  }
0x5a: {  	[sflag:s0] =	ssyncadd.tile.s32 @!p0 $0x1;
	_ =	shalt  }
.Lfunc_end2:
_tile_overlayer_lowered:
.L_overlay_start_2:
0x5b: {  	(tag) =	ssettag $0x2  }
0x5c: {  	s0 =	rddreg [dreg:$0x0];
	s2 =	stileid.u32  }
0x5d: {  	s1 =	rddreg [dreg:$0x1];
	p0 =	sne.s32 s2, $0x0  }
0x5e: {  	s3 =	rddreg [dreg:$0x2];
	[bflag:$0x3] =	sbarrier.arrive $0xFFFF;
	s2 =	simm.s32 @!p0 $0x1C01  }
0x5f: {  	[timem:s3], [sflag:s2] =	dma.local @!p0 [hbm:s0], s1  }
0x60: {  	s0 =	simm.s32 @!p0 $0x1  }
0x61: {  	_ =	swait.ge @!p0 [sflag:s0], s1  }
0x62: {  	s1 =	ssub.s32 @!p0 $0x0, s1;
	[sflag:s0] =	ssyncset.done @!p0 $0x0  }
0x63: {  	[sflag:s0] =	ssyncadd.s32 @!p0 s1  }
0x64: {  	[bflag:$0x3] =	sbarrier.arrive $0xFFFF  }
0x65: {  	_ =	shalt  }

</sc_bundles>
